<compile_context>
chip_gen: v7x
topology: tpu7x:2x2x1
jax: 0.10.2.dev20260603
libtpu: 0.0.44.dev20260713+nightly
codegen_flags: <defaults>
</compile_context>

<pallas_src>
import dataclasses
import functools

import jax
import jax.numpy as jnp
from jax import lax
from jax.experimental import pallas as pl
from jax.experimental.pallas import tpu as pltpu
from jax.experimental.pallas import tpu_sc as plsc


_B, _H, _W, _C = 4, 224, 224, 192
_CP = 256
_N = _B * _H * _W
_NW = 32
_PER_W = _N // _NW
_G = 32
_CHUNKS = _PER_W // _G



def _index_body(fx_ref, fy_ref, gx_ref, gy_ref,
                ia_ref, ib_ref, ic_ref, id_ref,
                wa_ref, wb_ref, wc_ref, wd_ref):
    m = pl.program_id(0)
    shape = fx_ref.shape
    r = m * shape[0] + lax.broadcasted_iota(jnp.int32, shape, 0)
    b = ((r >= _H).astype(jnp.int32) + (r >= 2 * _H).astype(jnp.int32)
         + (r >= 3 * _H).astype(jnp.int32))

    x = gx_ref[...] + fx_ref[...] / jnp.float32(_H)
    y = gy_ref[...] + fy_ref[...] / jnp.float32(_H)
    px = (x + 1.0) * jnp.float32(_W) / 2.0
    py = (y + 1.0) * jnp.float32(_H) / 2.0

    x0 = jnp.floor(px).astype(jnp.int32)
    y0 = jnp.floor(py).astype(jnp.int32)
    x1 = x0 + 1
    y1 = y0 + 1
    hi = jnp.int32(_H - 1)
    x0 = jnp.clip(x0, 0, hi)
    x1 = jnp.clip(x1, 0, hi)
    y0 = jnp.clip(y0, 0, hi)
    y1 = jnp.clip(y1, 0, hi)

    x0f = x0.astype(jnp.float32)
    x1f = x1.astype(jnp.float32)
    y0f = y0.astype(jnp.float32)
    y1f = y1.astype(jnp.float32)
    wx0 = x1f - px
    wx1 = px - x0f
    wy0 = y1f - py
    wy1 = py - y0f

    base = b * jnp.int32(_H * _W)
    row0 = base + y0 * jnp.int32(_W)
    row1 = base + y1 * jnp.int32(_W)
    ia_ref[...] = row0 + x0
    ib_ref[...] = row1 + x0
    ic_ref[...] = row0 + x1
    id_ref[...] = row1 + x1
    wa_ref[...] = wx0 * wy0
    wb_ref[...] = wx0 * wy1
    wc_ref[...] = wx1 * wy0
    wd_ref[...] = wx1 * wy1


def _compute_indices(fx, fy, gx, gy):
    rows = _B * _H
    blk = 8
    grid = (rows // blk,)
    row_spec = pl.BlockSpec((blk, _W), lambda m: (m, 0))
    i32 = jax.ShapeDtypeStruct((rows, _W), jnp.int32)
    f32 = jax.ShapeDtypeStruct((rows, _W), jnp.float32)
    return pl.pallas_call(
        _index_body,
        grid=grid,
        in_specs=[
            row_spec,
            row_spec,
            pl.BlockSpec((1, _W), lambda m: (0, 0)),
            pl.BlockSpec((blk, 1), lambda m: (m, 0)),
        ],
        out_specs=[row_spec] * 8,
        out_shape=[i32, i32, i32, i32, f32, f32, f32, f32],
    )(fx, fy, gx, gy)



def _repack_body(i_ref, o_ref):
    x = i_ref[0]
    o_ref[:, 0, :] = x[:, :, 0:128].reshape(28 * _W, 128)
    o_ref[:, 1, 0:64] = x[:, :, 128:192].reshape(28 * _W, 64)


def _repack(conv):
    return pl.pallas_call(
        _repack_body,
        grid=(_B, _H // 28),
        in_specs=[pl.BlockSpec((1, 28, _W, _C), lambda b, h: (b, h, 0, 0))],
        out_specs=pl.BlockSpec((28 * _W, 2, 128),
                               lambda b, h: (b * (_H // 28) + h, 0, 0)),
        out_shape=jax.ShapeDtypeStruct((_N, 2, 128), jnp.float32),
    )(conv)



def _unpack_body(i_ref, o_ref):
    x = i_ref[...].reshape(28, _W, 2, 128)
    o_ref[0, :, :, 0:128] = x[:, :, 0, :]
    o_ref[0, :, :, 128:192] = x[:, :, 1, 0:64]


def _unpack(rows):
    return pl.pallas_call(
        _unpack_body,
        grid=(_B, _H // 28),
        in_specs=[pl.BlockSpec((28 * _W, 2, 128),
                               lambda b, h: (b * (_H // 28) + h, 0, 0))],
        out_specs=pl.BlockSpec((1, 28, _W, _C), lambda b, h: (b, h, 0, 0)),
        out_shape=jax.ShapeDtypeStruct((_B, _H, _W, _C), jnp.float32),
    )(rows)



def _sc_warp_body(table_hbm, ia_hbm, ib_hbm, ic_hbm, id_hbm,
                  wa_hbm, wb_hbm, wc_hbm, wd_hbm, out_hbm,
                  i0_0, i0_1, i0_2, i0_3, i0_4, i0_5, i0_6, i0_7,
                  i1_0, i1_1, i1_2, i1_3, i1_4, i1_5, i1_6, i1_7,
                  g0_0, g0_1, g0_2, g0_3, g1_0, g1_1, g1_2, g1_3,
                  o0_v, o1_v,
                  isem0, isem1, gsem0, gsem1, osem0, osem1):
    wid = lax.axis_index("s") * 2 + lax.axis_index("c")
    wbase = wid * _PER_W
    srcs = (ia_hbm, ib_hbm, ic_hbm, id_hbm, wa_hbm, wb_hbm, wc_hbm, wd_hbm)
    ibufs = ((i0_0, i0_1, i0_2, i0_3, i0_4, i0_5, i0_6, i0_7),
             (i1_0, i1_1, i1_2, i1_3, i1_4, i1_5, i1_6, i1_7))
    gbufs = ((g0_0, g0_1, g0_2, g0_3), (g1_0, g1_1, g1_2, g1_3))
    obufs = (o0_v, o1_v)
    isems = (isem0, isem1)
    gsems = (gsem0, gsem1)
    osems = (osem0, osem1)
    last = jnp.int32(_CHUNKS - 1)

    def issue_idx(t, s):
        sl = pl.ds(wbase + t * _G, _G)
        for src, dst in zip(srcs, ibufs[s]):
            pltpu.async_copy(src.at[sl], dst, isems[s])

    def wait_idx(s):
        for src, dst in zip(srcs, ibufs[s]):
            pltpu.make_async_copy(src.at[pl.ds(0, _G)], dst, isems[s]).wait()

    def issue_gather(s):
        for iv, gv in zip(ibufs[s][:4], gbufs[s]):
            pltpu.async_copy(table_hbm.at[iv], gv, gsems[s])

    def wait_gather(s):
        for iv, gv in zip(ibufs[s][:4], gbufs[s]):
            pltpu.make_async_copy(table_hbm.at[iv], gv, gsems[s]).wait()

    def issue_out(t, s):
        pltpu.async_copy(obufs[s],
                         out_hbm.at[pl.ds(wbase + t * _G, _G)],
                         osems[s])

    def wait_out(s):
        pltpu.make_async_copy(obufs[s], out_hbm.at[pl.ds(0, _G)],
                              osems[s]).wait()

    def compute(s):
        wv = ibufs[s][4:]
        av, bv, cv, dv = gbufs[s]
        ov = obufs[s]

        @pl.loop(0, _G)
        def _pix(g):
            gvec = jnp.full((16,), g, dtype=jnp.int32)
            wa = plsc.load_gather(wv[0], [gvec])
            wb = plsc.load_gather(wv[1], [gvec])
            wc = plsc.load_gather(wv[2], [gvec])
            wd = plsc.load_gather(wv[3], [gvec])
            for c in range(0, _C, 16):
                h, cc = divmod(c, 128)
                cs = pl.ds(cc, 16)
                ov[g, h, cs] = (
                    wa * av[g, h, cs] + wb * bv[g, h, cs]
                    + wc * cv[g, h, cs] + wd * dv[g, h, cs])

    issue_idx(jnp.int32(0), 0)
    wait_idx(0)
    issue_gather(0)
    issue_idx(jnp.int32(1), 1)

    @pl.loop(0, _CHUNKS // 2)
    def _pair(k):
        c0 = 2 * k

        wait_gather(0)
        wait_idx(1)
        issue_gather(1)

        @pl.when(k >= 1)
        def _():
            wait_out(0)
        compute(0)
        issue_out(c0, 0)
        issue_idx(jnp.minimum(c0 + 2, last), 0)

        wait_gather(1)
        wait_idx(0)
        issue_gather(0)

        @pl.when(k >= 1)
        def _():
            wait_out(1)
        compute(1)
        issue_out(c0 + 1, 1)
        issue_idx(jnp.minimum(c0 + 3, last), 1)

    wait_gather(0)
    wait_idx(1)
    wait_out(0)
    wait_out(1)


def _sc_warp(table, ia, ib, ic, id_, wa, wb, wc, wd):
    mesh = plsc.VectorSubcoreMesh(core_axis_name="c", subcore_axis_name="s")
    cp = pltpu.CompilerParams(
        needs_layout_passes=False, use_tc_tiling_on_sc=False)
    ivec = [pltpu.VMEM((_G,), jnp.int32)] * 4 + [pltpu.VMEM((_G,), jnp.float32)] * 4
    kern = pl.kernel(
        _sc_warp_body,
        out_type=jax.ShapeDtypeStruct((_N, 2, 128), jnp.float32),
        mesh=mesh,
        scratch_types=(
            ivec + ivec
            + [pltpu.VMEM((_G, 2, 128), jnp.float32)] * 8
            + [pltpu.VMEM((_G, 2, 128), jnp.float32)] * 2
            + [pltpu.SemaphoreType.DMA] * 6
        ),
        compiler_params=cp,
    )
    return kern(table, ia, ib, ic, id_, wa, wb, wc, wd)



@jax.jit
def kernel(conv_input, flow):
    fx = flow[..., 0].reshape(_B * _H, _W)
    fy = flow[..., 1].reshape(_B * _H, _W)
    gx = jnp.linspace(-1.0, 1.0, _W).reshape(1, _W)
    gy = jnp.tile(jnp.linspace(-1.0, 1.0, _H), _B).reshape(_B * _H, 1)

    ia, ib, ic, id_, wa, wb, wc, wd = _compute_indices(fx, fy, gx, gy)

    table = _repack(jax.lax.optimization_barrier(conv_input))
    out = _sc_warp(
        table,
        ia.reshape(_N), ib.reshape(_N), ic.reshape(_N), id_.reshape(_N),
        wa.reshape(_N), wb.reshape(_N), wc.reshape(_N), wd.reshape(_N),
    )
    return _unpack(out)

# --- scband reference (transcript-rebuilt; emitter-appended) ---
"""Pipeline reference for scband-swn-89172110999963 (READ-ONLY COPY).

The authoritative reference and input builder live on the scoring server;
editing this copy changes nothing except your own understanding.
"""

import jax, jax.numpy as jnp
import numpy as np


def setup_inputs(seed: int = 0) -> dict:
    key = jax.random.key(seed)
    k1, k2 = jax.random.split(key)
    conv_input = jax.random.normal(k1, (4, 224, 224, 192), dtype=jnp.float32)
    flow = jax.random.normal(k2, (4, 224, 224, 2), dtype=jnp.float32)
    return {"conv_input": conv_input, "flow": flow}


def _interpolate(im, x, y):
    B, H, W, C = im.shape
    zero = jnp.int32(0)
    # faithful to original: max_x also uses shape[1] (height); H == W here
    max_y = jnp.int32(H - 1)
    max_x = jnp.int32(H - 1)
    x = (x + 1.0) * jnp.float32(W) / 2.0
    y = (y + 1.0) * jnp.float32(H) / 2.0
    x0 = jnp.floor(x).astype(jnp.int32)
    x1 = x0 + 1
    y0 = jnp.floor(y).astype(jnp.int32)
    y1 = y0 + 1
    x0 = jnp.clip(x0, zero, max_x)
    x1 = jnp.clip(x1, zero, max_x)
    y0 = jnp.clip(y0, zero, max_y)
    y1 = jnp.clip(y1, zero, max_y)
    dim2 = W
    dim1 = W * H
    base = jnp.repeat(jnp.arange(B, dtype=jnp.int32) * dim1, H * W)
    base_y0 = base + y0 * dim2
    base_y1 = base + y1 * dim2
    idx_a = base_y0 + x0
    idx_b = base_y1 + x0
    idx_c = base_y0 + x1
    idx_d = base_y1 + x1
    im_flat = im.reshape(-1, C)
    Ia = jnp.take(im_flat, idx_a, axis=0)
    Ib = jnp.take(im_flat, idx_b, axis=0)
    Ic = jnp.take(im_flat, idx_c, axis=0)
    Id = jnp.take(im_flat, idx_d, axis=0)
    x0_f = x0.astype(jnp.float32)
    x1_f = x1.astype(jnp.float32)
    y0_f = y0.astype(jnp.float32)
    y1_f = y1.astype(jnp.float32)
    wa = ((x1_f - x) * (y1_f - y))[:, None]
    wb = ((x1_f - x) * (y - y0_f))[:, None]
    wc = ((x - x0_f) * (y1_f - y))[:, None]
    wd = ((x - x0_f) * (y - y0_f))[:, None]
    return wa * Ia + wb * Ib + wc * Ic + wd * Id


def _warp(flow, conv_input):
    B, H, W, C = conv_input.shape
    x_t, y_t = jnp.meshgrid(jnp.linspace(-1.0, 1.0, W), jnp.linspace(-1.0, 1.0, H))
    grid = jnp.concatenate([x_t.reshape(1, -1), y_t.reshape(1, -1)], axis=0)
    grid = jnp.broadcast_to(grid[None, :, :], (B, 2, H * W))
    f = flow.reshape(B, H * W, 2).transpose(0, 2, 1)
    T_g = grid + f / jnp.float32(H)
    x_s = T_g[:, 0, :].reshape(-1)
    y_s = T_g[:, 1, :].reshape(-1)
    out = _interpolate(conv_input, x_s, y_s)
    return out.reshape(B, H, W, C)


def reference(conv_input, flow):
    return _warp(flow, conv_input)

if __name__ == "__main__":
    import jax
    _d = setup_inputs()
    print(jax.jit(kernel)(*tuple(_d.values())))

</pallas_src>

<mosaic_0001>
#map = affine_map<(d0, d1) -> (0, 0, 0)>
#map1 = affine_map<(d0, d1) -> (0)>
module attributes {stable_mosaic.version = 14 : i64} {
  func.func @_sc_warp_body(%arg0: i32, %arg1: i32, %arg2: memref<200704x2x128xf32, #tpu.memory_space<hbm>>, %arg3: memref<200704xi32, #tpu.memory_space<hbm>>, %arg4: memref<200704xi32, #tpu.memory_space<hbm>>, %arg5: memref<200704xi32, #tpu.memory_space<hbm>>, %arg6: memref<200704xi32, #tpu.memory_space<hbm>>, %arg7: memref<200704xf32, #tpu.memory_space<hbm>>, %arg8: memref<200704xf32, #tpu.memory_space<hbm>>, %arg9: memref<200704xf32, #tpu.memory_space<hbm>>, %arg10: memref<200704xf32, #tpu.memory_space<hbm>>, %arg11: memref<200704x2x128xf32, #tpu.memory_space<hbm>>, %arg12: memref<32xi32, #tpu.memory_space<vmem>>, %arg13: memref<32xi32, #tpu.memory_space<vmem>>, %arg14: memref<32xi32, #tpu.memory_space<vmem>>, %arg15: memref<32xi32, #tpu.memory_space<vmem>>, %arg16: memref<32xf32, #tpu.memory_space<vmem>>, %arg17: memref<32xf32, #tpu.memory_space<vmem>>, %arg18: memref<32xf32, #tpu.memory_space<vmem>>, %arg19: memref<32xf32, #tpu.memory_space<vmem>>, %arg20: memref<32xi32, #tpu.memory_space<vmem>>, %arg21: memref<32xi32, #tpu.memory_space<vmem>>, %arg22: memref<32xi32, #tpu.memory_space<vmem>>, %arg23: memref<32xi32, #tpu.memory_space<vmem>>, %arg24: memref<32xf32, #tpu.memory_space<vmem>>, %arg25: memref<32xf32, #tpu.memory_space<vmem>>, %arg26: memref<32xf32, #tpu.memory_space<vmem>>, %arg27: memref<32xf32, #tpu.memory_space<vmem>>, %arg28: memref<32x2x128xf32, #tpu.memory_space<vmem>>, %arg29: memref<32x2x128xf32, #tpu.memory_space<vmem>>, %arg30: memref<32x2x128xf32, #tpu.memory_space<vmem>>, %arg31: memref<32x2x128xf32, #tpu.memory_space<vmem>>, %arg32: memref<32x2x128xf32, #tpu.memory_space<vmem>>, %arg33: memref<32x2x128xf32, #tpu.memory_space<vmem>>, %arg34: memref<32x2x128xf32, #tpu.memory_space<vmem>>, %arg35: memref<32x2x128xf32, #tpu.memory_space<vmem>>, %arg36: memref<32x2x128xf32, #tpu.memory_space<vmem>>, %arg37: memref<32x2x128xf32, #tpu.memory_space<vmem>>, %arg38: memref<!tpu.dma_semaphore, #tpu.memory_space<semaphore_mem>>, %arg39: memref<!tpu.dma_semaphore, #tpu.memory_space<semaphore_mem>>, %arg40: memref<!tpu.dma_semaphore, #tpu.memory_space<semaphore_mem>>, %arg41: memref<!tpu.dma_semaphore, #tpu.memory_space<semaphore_mem>>, %arg42: memref<!tpu.dma_semaphore, #tpu.memory_space<semaphore_mem>>, %arg43: memref<!tpu.dma_semaphore, #tpu.memory_space<semaphore_mem>>) attributes {dimension_semantics = [#tpu.dimension_semantics<core_parallel>, #tpu.dimension_semantics<subcore_parallel>], iteration_bounds = array<i64: 2, 16>, scalar_prefetch = 0 : i64, scratch_operands = 32 : i64, tpu.core_type = #tpu.core_type<sc_vector_subcore>, window_params = [{transform_indices = #map}, {transform_indices = #map1}, {transform_indices = #map1}, {transform_indices = #map1}, {transform_indices = #map1}, {transform_indices = #map1}, {transform_indices = #map1}, {transform_indices = #map1}, {transform_indices = #map1}, {transform_indices = #map}]} {
    %mul3A = arith.constant 2 : i32
    %mul3A_0 = arith.muli %arg1, %mul3A : i32
    %add3A = arith.addi %mul3A_0, %arg0 : i32
    %mul3A_1 = arith.constant 6272 : i32
    %mul3A_2 = arith.muli %add3A, %mul3A_1 : i32
    %mul3A_3 = arith.constant 0 : i32
    %mul3A_4 = arith.constant 32 : i32
    %mul3A_5 = arith.muli %mul3A_3, %mul3A_4 : i32
    %add3A_6 = arith.addi %mul3A_2, %mul3A_5 : i32
    %dma_start3A = tpu.memref_slice %arg3[%add3A_6] : memref<200704xi32, #tpu.memory_space<hbm>> -> memref<32xi32, #tpu.memory_space<hbm>>
    %dma_start3A_7 = tpu.memref_slice %arg3[%add3A_6] : memref<200704xi32, #tpu.memory_space<hbm>> -> memref<32xi32, #tpu.memory_space<hbm>>
    tpu.enqueue_dma source(%dma_start3A_7 : memref<32xi32, #tpu.memory_space<hbm>>) target(%arg12 : memref<32xi32, #tpu.memory_space<vmem>>) target_semaphore(%arg38 : memref<!tpu.dma_semaphore, #tpu.memory_space<semaphore_mem>>)
    %dma_start3A_8 = tpu.memref_slice %arg4[%add3A_6] : memref<200704xi32, #tpu.memory_space<hbm>> -> memref<32xi32, #tpu.memory_space<hbm>>
    %dma_start3A_9 = tpu.memref_slice %arg4[%add3A_6] : memref<200704xi32, #tpu.memory_space<hbm>> -> memref<32xi32, #tpu.memory_space<hbm>>
    tpu.enqueue_dma source(%dma_start3A_9 : memref<32xi32, #tpu.memory_space<hbm>>) target(%arg13 : memref<32xi32, #tpu.memory_space<vmem>>) target_semaphore(%arg38 : memref<!tpu.dma_semaphore, #tpu.memory_space<semaphore_mem>>)
    %dma_start3A_10 = tpu.memref_slice %arg5[%add3A_6] : memref<200704xi32, #tpu.memory_space<hbm>> -> memref<32xi32, #tpu.memory_space<hbm>>
    %dma_start3A_11 = tpu.memref_slice %arg5[%add3A_6] : memref<200704xi32, #tpu.memory_space<hbm>> -> memref<32xi32, #tpu.memory_space<hbm>>
    tpu.enqueue_dma source(%dma_start3A_11 : memref<32xi32, #tpu.memory_space<hbm>>) target(%arg14 : memref<32xi32, #tpu.memory_space<vmem>>) target_semaphore(%arg38 : memref<!tpu.dma_semaphore, #tpu.memory_space<semaphore_mem>>)
    %dma_start3A_12 = tpu.memref_slice %arg6[%add3A_6] : memref<200704xi32, #tpu.memory_space<hbm>> -> memref<32xi32, #tpu.memory_space<hbm>>
    %dma_start3A_13 = tpu.memref_slice %arg6[%add3A_6] : memref<200704xi32, #tpu.memory_space<hbm>> -> memref<32xi32, #tpu.memory_space<hbm>>
    tpu.enqueue_dma source(%dma_start3A_13 : memref<32xi32, #tpu.memory_space<hbm>>) target(%arg15 : memref<32xi32, #tpu.memory_space<vmem>>) target_semaphore(%arg38 : memref<!tpu.dma_semaphore, #tpu.memory_space<semaphore_mem>>)
    %dma_start3A_14 = tpu.memref_slice %arg7[%add3A_6] : memref<200704xf32, #tpu.memory_space<hbm>> -> memref<32xf32, #tpu.memory_space<hbm>>
    %dma_start3A_15 = tpu.memref_slice %arg7[%add3A_6] : memref<200704xf32, #tpu.memory_space<hbm>> -> memref<32xf32, #tpu.memory_space<hbm>>
    tpu.enqueue_dma source(%dma_start3A_15 : memref<32xf32, #tpu.memory_space<hbm>>) target(%arg16 : memref<32xf32, #tpu.memory_space<vmem>>) target_semaphore(%arg38 : memref<!tpu.dma_semaphore, #tpu.memory_space<semaphore_mem>>)
    %dma_start3A_16 = tpu.memref_slice %arg8[%add3A_6] : memref<200704xf32, #tpu.memory_space<hbm>> -> memref<32xf32, #tpu.memory_space<hbm>>
    %dma_start3A_17 = tpu.memref_slice %arg8[%add3A_6] : memref<200704xf32, #tpu.memory_space<hbm>> -> memref<32xf32, #tpu.memory_space<hbm>>
    tpu.enqueue_dma source(%dma_start3A_17 : memref<32xf32, #tpu.memory_space<hbm>>) target(%arg17 : memref<32xf32, #tpu.memory_space<vmem>>) target_semaphore(%arg38 : memref<!tpu.dma_semaphore, #tpu.memory_space<semaphore_mem>>)
    %dma_start3A_18 = tpu.memref_slice %arg9[%add3A_6] : memref<200704xf32, #tpu.memory_space<hbm>> -> memref<32xf32, #tpu.memory_space<hbm>>
    %dma_start3A_19 = tpu.memref_slice %arg9[%add3A_6] : memref<200704xf32, #tpu.memory_space<hbm>> -> memref<32xf32, #tpu.memory_space<hbm>>
    tpu.enqueue_dma source(%dma_start3A_19 : memref<32xf32, #tpu.memory_space<hbm>>) target(%arg18 : memref<32xf32, #tpu.memory_space<vmem>>) target_semaphore(%arg38 : memref<!tpu.dma_semaphore, #tpu.memory_space<semaphore_mem>>)
    %dma_start3A_20 = tpu.memref_slice %arg10[%add3A_6] : memref<200704xf32, #tpu.memory_space<hbm>> -> memref<32xf32, #tpu.memory_space<hbm>>
    %dma_start3A_21 = tpu.memref_slice %arg10[%add3A_6] : memref<200704xf32, #tpu.memory_space<hbm>> -> memref<32xf32, #tpu.memory_space<hbm>>
    tpu.enqueue_dma source(%dma_start3A_21 : memref<32xf32, #tpu.memory_space<hbm>>) target(%arg19 : memref<32xf32, #tpu.memory_space<vmem>>) target_semaphore(%arg38 : memref<!tpu.dma_semaphore, #tpu.memory_space<semaphore_mem>>)
    %dma_wait3A = arith.constant 0 : i32
    %dma_wait3A_22 = tpu.memref_slice %arg3[%dma_wait3A] : memref<200704xi32, #tpu.memory_space<hbm>> -> memref<32xi32, #tpu.memory_space<hbm>>
    %dma_wait3A_23 = arith.constant 0 : i32
    %dma_wait3A_24 = tpu.memref_slice %arg3[%dma_wait3A_23] : memref<200704xi32, #tpu.memory_space<hbm>> -> memref<32xi32, #tpu.memory_space<hbm>>
    tpu.wait_dma2 semaphore(%arg38 : memref<!tpu.dma_semaphore, #tpu.memory_space<semaphore_mem>>) src(%dma_wait3A_24 : memref<32xi32, #tpu.memory_space<hbm>>) dst(%arg12 : memref<32xi32, #tpu.memory_space<vmem>>)
    %dma_wait3A_25 = arith.constant 0 : i32
    %dma_wait3A_26 = tpu.memref_slice %arg4[%dma_wait3A_25] : memref<200704xi32, #tpu.memory_space<hbm>> -> memref<32xi32, #tpu.memory_space<hbm>>
    %dma_wait3A_27 = arith.constant 0 : i32
    %dma_wait3A_28 = tpu.memref_slice %arg4[%dma_wait3A_27] : memref<200704xi32, #tpu.memory_space<hbm>> -> memref<32xi32, #tpu.memory_space<hbm>>
    tpu.wait_dma2 semaphore(%arg38 : memref<!tpu.dma_semaphore, #tpu.memory_space<semaphore_mem>>) src(%dma_wait3A_28 : memref<32xi32, #tpu.memory_space<hbm>>) dst(%arg13 : memref<32xi32, #tpu.memory_space<vmem>>)
    %dma_wait3A_29 = arith.constant 0 : i32
    %dma_wait3A_30 = tpu.memref_slice %arg5[%dma_wait3A_29] : memref<200704xi32, #tpu.memory_space<hbm>> -> memref<32xi32, #tpu.memory_space<hbm>>
    %dma_wait3A_31 = arith.constant 0 : i32
    %dma_wait3A_32 = tpu.memref_slice %arg5[%dma_wait3A_31] : memref<200704xi32, #tpu.memory_space<hbm>> -> memref<32xi32, #tpu.memory_space<hbm>>
    tpu.wait_dma2 semaphore(%arg38 : memref<!tpu.dma_semaphore, #tpu.memory_space<semaphore_mem>>) src(%dma_wait3A_32 : memref<32xi32, #tpu.memory_space<hbm>>) dst(%arg14 : memref<32xi32, #tpu.memory_space<vmem>>)
    %dma_wait3A_33 = arith.constant 0 : i32
    %dma_wait3A_34 = tpu.memref_slice %arg6[%dma_wait3A_33] : memref<200704xi32, #tpu.memory_space<hbm>> -> memref<32xi32, #tpu.memory_space<hbm>>
    %dma_wait3A_35 = arith.constant 0 : i32
    %dma_wait3A_36 = tpu.memref_slice %arg6[%dma_wait3A_35] : memref<200704xi32, #tpu.memory_space<hbm>> -> memref<32xi32, #tpu.memory_space<hbm>>
    tpu.wait_dma2 semaphore(%arg38 : memref<!tpu.dma_semaphore, #tpu.memory_space<semaphore_mem>>) src(%dma_wait3A_36 : memref<32xi32, #tpu.memory_space<hbm>>) dst(%arg15 : memref<32xi32, #tpu.memory_space<vmem>>)
    %dma_wait3A_37 = arith.constant 0 : i32
    %dma_wait3A_38 = tpu.memref_slice %arg7[%dma_wait3A_37] : memref<200704xf32, #tpu.memory_space<hbm>> -> memref<32xf32, #tpu.memory_space<hbm>>
    %dma_wait3A_39 = arith.constant 0 : i32
    %dma_wait3A_40 = tpu.memref_slice %arg7[%dma_wait3A_39] : memref<200704xf32, #tpu.memory_space<hbm>> -> memref<32xf32, #tpu.memory_space<hbm>>
    tpu.wait_dma2 semaphore(%arg38 : memref<!tpu.dma_semaphore, #tpu.memory_space<semaphore_mem>>) src(%dma_wait3A_40 : memref<32xf32, #tpu.memory_space<hbm>>) dst(%arg16 : memref<32xf32, #tpu.memory_space<vmem>>)
    %dma_wait3A_41 = arith.constant 0 : i32
    %dma_wait3A_42 = tpu.memref_slice %arg8[%dma_wait3A_41] : memref<200704xf32, #tpu.memory_space<hbm>> -> memref<32xf32, #tpu.memory_space<hbm>>
    %dma_wait3A_43 = arith.constant 0 : i32
    %dma_wait3A_44 = tpu.memref_slice %arg8[%dma_wait3A_43] : memref<200704xf32, #tpu.memory_space<hbm>> -> memref<32xf32, #tpu.memory_space<hbm>>
    tpu.wait_dma2 semaphore(%arg38 : memref<!tpu.dma_semaphore, #tpu.memory_space<semaphore_mem>>) src(%dma_wait3A_44 : memref<32xf32, #tpu.memory_space<hbm>>) dst(%arg17 : memref<32xf32, #tpu.memory_space<vmem>>)
    %dma_wait3A_45 = arith.constant 0 : i32
    %dma_wait3A_46 = tpu.memref_slice %arg9[%dma_wait3A_45] : memref<200704xf32, #tpu.memory_space<hbm>> -> memref<32xf32, #tpu.memory_space<hbm>>
    %dma_wait3A_47 = arith.constant 0 : i32
    %dma_wait3A_48 = tpu.memref_slice %arg9[%dma_wait3A_47] : memref<200704xf32, #tpu.memory_space<hbm>> -> memref<32xf32, #tpu.memory_space<hbm>>
    tpu.wait_dma2 semaphore(%arg38 : memref<!tpu.dma_semaphore, #tpu.memory_space<semaphore_mem>>) src(%dma_wait3A_48 : memref<32xf32, #tpu.memory_space<hbm>>) dst(%arg18 : memref<32xf32, #tpu.memory_space<vmem>>)
    %dma_wait3A_49 = arith.constant 0 : i32
    %dma_wait3A_50 = tpu.memref_slice %arg10[%dma_wait3A_49] : memref<200704xf32, #tpu.memory_space<hbm>> -> memref<32xf32, #tpu.memory_space<hbm>>
    %dma_wait3A_51 = arith.constant 0 : i32
    %dma_wait3A_52 = tpu.memref_slice %arg10[%dma_wait3A_51] : memref<200704xf32, #tpu.memory_space<hbm>> -> memref<32xf32, #tpu.memory_space<hbm>>
    tpu.wait_dma2 semaphore(%arg38 : memref<!tpu.dma_semaphore, #tpu.memory_space<semaphore_mem>>) src(%dma_wait3A_52 : memref<32xf32, #tpu.memory_space<hbm>>) dst(%arg19 : memref<32xf32, #tpu.memory_space<vmem>>)
    %dma_start3A_53 = arith.constant 0 : i32
    %dma_start3A_54 = arith.constant 0 : i32
    %dma_start3A_55 = arith.constant 0 : i32
    %dma_start3A_56 = tpu.memref_slice %arg2[%dma_start3A_53, %dma_start3A_54, %dma_start3A_55] : memref<200704x2x128xf32, #tpu.memory_space<hbm>> -> memref<200704x2x128xf32, #tpu.memory_space<hbm>>
    tpu.enqueue_indirect_dma source(%dma_start3A_56 : memref<200704x2x128xf32, #tpu.memory_space<hbm>>) target(%arg28 : memref<32x2x128xf32, #tpu.memory_space<vmem>>) offsets(%arg12 : memref<32xi32, #tpu.memory_space<vmem>>) semaphore(%arg40 : memref<!tpu.dma_semaphore, #tpu.memory_space<semaphore_mem>>)
    %dma_start3A_57 = arith.constant 0 : i32
    %dma_start3A_58 = arith.constant 0 : i32
    %dma_start3A_59 = arith.constant 0 : i32
    %dma_start3A_60 = tpu.memref_slice %arg2[%dma_start3A_57, %dma_start3A_58, %dma_start3A_59] : memref<200704x2x128xf32, #tpu.memory_space<hbm>> -> memref<200704x2x128xf32, #tpu.memory_space<hbm>>
    tpu.enqueue_indirect_dma source(%dma_start3A_60 : memref<200704x2x128xf32, #tpu.memory_space<hbm>>) target(%arg29 : memref<32x2x128xf32, #tpu.memory_space<vmem>>) offsets(%arg13 : memref<32xi32, #tpu.memory_space<vmem>>) semaphore(%arg40 : memref<!tpu.dma_semaphore, #tpu.memory_space<semaphore_mem>>)
    %dma_start3A_61 = arith.constant 0 : i32
    %dma_start3A_62 = arith.constant 0 : i32
    %dma_start3A_63 = arith.constant 0 : i32
    %dma_start3A_64 = tpu.memref_slice %arg2[%dma_start3A_61, %dma_start3A_62, %dma_start3A_63] : memref<200704x2x128xf32, #tpu.memory_space<hbm>> -> memref<200704x2x128xf32, #tpu.memory_space<hbm>>
    tpu.enqueue_indirect_dma source(%dma_start3A_64 : memref<200704x2x128xf32, #tpu.memory_space<hbm>>) target(%arg30 : memref<32x2x128xf32, #tpu.memory_space<vmem>>) offsets(%arg14 : memref<32xi32, #tpu.memory_space<vmem>>) semaphore(%arg40 : memref<!tpu.dma_semaphore, #tpu.memory_space<semaphore_mem>>)
    %dma_start3A_65 = arith.constant 0 : i32
    %dma_start3A_66 = arith.constant 0 : i32
    %dma_start3A_67 = arith.constant 0 : i32
    %dma_start3A_68 = tpu.memref_slice %arg2[%dma_start3A_65, %dma_start3A_66, %dma_start3A_67] : memref<200704x2x128xf32, #tpu.memory_space<hbm>> -> memref<200704x2x128xf32, #tpu.memory_space<hbm>>
    tpu.enqueue_indirect_dma source(%dma_start3A_68 : memref<200704x2x128xf32, #tpu.memory_space<hbm>>) target(%arg31 : memref<32x2x128xf32, #tpu.memory_space<vmem>>) offsets(%arg15 : memref<32xi32, #tpu.memory_space<vmem>>) semaphore(%arg40 : memref<!tpu.dma_semaphore, #tpu.memory_space<semaphore_mem>>)
    %mul3A_69 = arith.constant 1 : i32
    %mul3A_70 = arith.constant 32 : i32
    %mul3A_71 = arith.muli %mul3A_69, %mul3A_70 : i32
    %add3A_72 = arith.addi %mul3A_2, %mul3A_71 : i32
    %dma_start3A_73 = tpu.memref_slice %arg3[%add3A_72] : memref<200704xi32, #tpu.memory_space<hbm>> -> memref<32xi32, #tpu.memory_space<hbm>>
    %dma_start3A_74 = tpu.memref_slice %arg3[%add3A_72] : memref<200704xi32, #tpu.memory_space<hbm>> -> memref<32xi32, #tpu.memory_space<hbm>>
    tpu.enqueue_dma source(%dma_start3A_74 : memref<32xi32, #tpu.memory_space<hbm>>) target(%arg20 : memref<32xi32, #tpu.memory_space<vmem>>) target_semaphore(%arg39 : memref<!tpu.dma_semaphore, #tpu.memory_space<semaphore_mem>>)
    %dma_start3A_75 = tpu.memref_slice %arg4[%add3A_72] : memref<200704xi32, #tpu.memory_space<hbm>> -> memref<32xi32, #tpu.memory_space<hbm>>
    %dma_start3A_76 = tpu.memref_slice %arg4[%add3A_72] : memref<200704xi32, #tpu.memory_space<hbm>> -> memref<32xi32, #tpu.memory_space<hbm>>
    tpu.enqueue_dma source(%dma_start3A_76 : memref<32xi32, #tpu.memory_space<hbm>>) target(%arg21 : memref<32xi32, #tpu.memory_space<vmem>>) target_semaphore(%arg39 : memref<!tpu.dma_semaphore, #tpu.memory_space<semaphore_mem>>)
    %dma_start3A_77 = tpu.memref_slice %arg5[%add3A_72] : memref<200704xi32, #tpu.memory_space<hbm>> -> memref<32xi32, #tpu.memory_space<hbm>>
    %dma_start3A_78 = tpu.memref_slice %arg5[%add3A_72] : memref<200704xi32, #tpu.memory_space<hbm>> -> memref<32xi32, #tpu.memory_space<hbm>>
    tpu.enqueue_dma source(%dma_start3A_78 : memref<32xi32, #tpu.memory_space<hbm>>) target(%arg22 : memref<32xi32, #tpu.memory_space<vmem>>) target_semaphore(%arg39 : memref<!tpu.dma_semaphore, #tpu.memory_space<semaphore_mem>>)
    %dma_start3A_79 = tpu.memref_slice %arg6[%add3A_72] : memref<200704xi32, #tpu.memory_space<hbm>> -> memref<32xi32, #tpu.memory_space<hbm>>
    %dma_start3A_80 = tpu.memref_slice %arg6[%add3A_72] : memref<200704xi32, #tpu.memory_space<hbm>> -> memref<32xi32, #tpu.memory_space<hbm>>
    tpu.enqueue_dma source(%dma_start3A_80 : memref<32xi32, #tpu.memory_space<hbm>>) target(%arg23 : memref<32xi32, #tpu.memory_space<vmem>>) target_semaphore(%arg39 : memref<!tpu.dma_semaphore, #tpu.memory_space<semaphore_mem>>)
    %dma_start3A_81 = tpu.memref_slice %arg7[%add3A_72] : memref<200704xf32, #tpu.memory_space<hbm>> -> memref<32xf32, #tpu.memory_space<hbm>>
    %dma_start3A_82 = tpu.memref_slice %arg7[%add3A_72] : memref<200704xf32, #tpu.memory_space<hbm>> -> memref<32xf32, #tpu.memory_space<hbm>>
    tpu.enqueue_dma source(%dma_start3A_82 : memref<32xf32, #tpu.memory_space<hbm>>) target(%arg24 : memref<32xf32, #tpu.memory_space<vmem>>) target_semaphore(%arg39 : memref<!tpu.dma_semaphore, #tpu.memory_space<semaphore_mem>>)
    %dma_start3A_83 = tpu.memref_slice %arg8[%add3A_72] : memref<200704xf32, #tpu.memory_space<hbm>> -> memref<32xf32, #tpu.memory_space<hbm>>
    %dma_start3A_84 = tpu.memref_slice %arg8[%add3A_72] : memref<200704xf32, #tpu.memory_space<hbm>> -> memref<32xf32, #tpu.memory_space<hbm>>
    tpu.enqueue_dma source(%dma_start3A_84 : memref<32xf32, #tpu.memory_space<hbm>>) target(%arg25 : memref<32xf32, #tpu.memory_space<vmem>>) target_semaphore(%arg39 : memref<!tpu.dma_semaphore, #tpu.memory_space<semaphore_mem>>)
    %dma_start3A_85 = tpu.memref_slice %arg9[%add3A_72] : memref<200704xf32, #tpu.memory_space<hbm>> -> memref<32xf32, #tpu.memory_space<hbm>>
    %dma_start3A_86 = tpu.memref_slice %arg9[%add3A_72] : memref<200704xf32, #tpu.memory_space<hbm>> -> memref<32xf32, #tpu.memory_space<hbm>>
    tpu.enqueue_dma source(%dma_start3A_86 : memref<32xf32, #tpu.memory_space<hbm>>) target(%arg26 : memref<32xf32, #tpu.memory_space<vmem>>) target_semaphore(%arg39 : memref<!tpu.dma_semaphore, #tpu.memory_space<semaphore_mem>>)
    %dma_start3A_87 = tpu.memref_slice %arg10[%add3A_72] : memref<200704xf32, #tpu.memory_space<hbm>> -> memref<32xf32, #tpu.memory_space<hbm>>
    %dma_start3A_88 = tpu.memref_slice %arg10[%add3A_72] : memref<200704xf32, #tpu.memory_space<hbm>> -> memref<32xf32, #tpu.memory_space<hbm>>
    tpu.enqueue_dma source(%dma_start3A_88 : memref<32xf32, #tpu.memory_space<hbm>>) target(%arg27 : memref<32xf32, #tpu.memory_space<vmem>>) target_semaphore(%arg39 : memref<!tpu.dma_semaphore, #tpu.memory_space<semaphore_mem>>)
    %scan3A = arith.constant 195 : i32
    %scan3A_89 = arith.constant 0 : i32
    %scan3A_90 = arith.constant 98 : i32
    %scan3A_91 = arith.addi %scan3A_89, %scan3A_90 : i32
    %scan3A_92 = arith.constant 1 : i32
    scf.for %scan3A_158 = %scan3A_89 to %scan3A_91 step %scan3A_92  : i32 {
      %mul3A_159 = arith.constant 1 : i32
      %mul3A_160 = arith.muli %scan3A_158, %mul3A_159 : i32
      %add3A_161 = arith.constant 0 : i32
      %add3A_162 = arith.addi %add3A_161, %mul3A_160 : i32
      %mul3A_163 = arith.constant 2 : i32
      %mul3A_164 = arith.muli %mul3A_163, %add3A_162 : i32
      %dma_wait3A_165 = arith.constant 0 : i32
      %dma_wait3A_166 = arith.constant 0 : i32
      %dma_wait3A_167 = arith.constant 0 : i32
      %dma_wait3A_168 = tpu.memref_slice %arg2[%dma_wait3A_165, %dma_wait3A_166, %dma_wait3A_167] : memref<200704x2x128xf32, #tpu.memory_space<hbm>> -> memref<200704x2x128xf32, #tpu.memory_space<hbm>>
      tpu.wait_indirect_dma semaphore(%arg40 : memref<!tpu.dma_semaphore, #tpu.memory_space<semaphore_mem>>) src(%dma_wait3A_168 : memref<200704x2x128xf32, #tpu.memory_space<hbm>>) dst(%arg28 : memref<32x2x128xf32, #tpu.memory_space<vmem>>)
      %dma_wait3A_169 = arith.constant 0 : i32
      %dma_wait3A_170 = arith.constant 0 : i32
      %dma_wait3A_171 = arith.constant 0 : i32
      %dma_wait3A_172 = tpu.memref_slice %arg2[%dma_wait3A_169, %dma_wait3A_170, %dma_wait3A_171] : memref<200704x2x128xf32, #tpu.memory_space<hbm>> -> memref<200704x2x128xf32, #tpu.memory_space<hbm>>
      tpu.wait_indirect_dma semaphore(%arg40 : memref<!tpu.dma_semaphore, #tpu.memory_space<semaphore_mem>>) src(%dma_wait3A_172 : memref<200704x2x128xf32, #tpu.memory_space<hbm>>) dst(%arg29 : memref<32x2x128xf32, #tpu.memory_space<vmem>>)
      %dma_wait3A_173 = arith.constant 0 : i32
      %dma_wait3A_174 = arith.constant 0 : i32
      %dma_wait3A_175 = arith.constant 0 : i32
      %dma_wait3A_176 = tpu.memref_slice %arg2[%dma_wait3A_173, %dma_wait3A_174, %dma_wait3A_175] : memref<200704x2x128xf32, #tpu.memory_space<hbm>> -> memref<200704x2x128xf32, #tpu.memory_space<hbm>>
      tpu.wait_indirect_dma semaphore(%arg40 : memref<!tpu.dma_semaphore, #tpu.memory_space<semaphore_mem>>) src(%dma_wait3A_176 : memref<200704x2x128xf32, #tpu.memory_space<hbm>>) dst(%arg30 : memref<32x2x128xf32, #tpu.memory_space<vmem>>)
      %dma_wait3A_177 = arith.constant 0 : i32
      %dma_wait3A_178 = arith.constant 0 : i32
      %dma_wait3A_179 = arith.constant 0 : i32
      %dma_wait3A_180 = tpu.memref_slice %arg2[%dma_wait3A_177, %dma_wait3A_178, %dma_wait3A_179] : memref<200704x2x128xf32, #tpu.memory_space<hbm>> -> memref<200704x2x128xf32, #tpu.memory_space<hbm>>
      tpu.wait_indirect_dma semaphore(%arg40 : memref<!tpu.dma_semaphore, #tpu.memory_space<semaphore_mem>>) src(%dma_wait3A_180 : memref<200704x2x128xf32, #tpu.memory_space<hbm>>) dst(%arg31 : memref<32x2x128xf32, #tpu.memory_space<vmem>>)
      %dma_wait3A_181 = arith.constant 0 : i32
      %dma_wait3A_182 = tpu.memref_slice %arg3[%dma_wait3A_181] : memref<200704xi32, #tpu.memory_space<hbm>> -> memref<32xi32, #tpu.memory_space<hbm>>
      %dma_wait3A_183 = arith.constant 0 : i32
      %dma_wait3A_184 = tpu.memref_slice %arg3[%dma_wait3A_183] : memref<200704xi32, #tpu.memory_space<hbm>> -> memref<32xi32, #tpu.memory_space<hbm>>
      tpu.wait_dma2 semaphore(%arg39 : memref<!tpu.dma_semaphore, #tpu.memory_space<semaphore_mem>>) src(%dma_wait3A_184 : memref<32xi32, #tpu.memory_space<hbm>>) dst(%arg20 : memref<32xi32, #tpu.memory_space<vmem>>)
      %dma_wait3A_185 = arith.constant 0 : i32
      %dma_wait3A_186 = tpu.memref_slice %arg4[%dma_wait3A_185] : memref<200704xi32, #tpu.memory_space<hbm>> -> memref<32xi32, #tpu.memory_space<hbm>>
      %dma_wait3A_187 = arith.constant 0 : i32
      %dma_wait3A_188 = tpu.memref_slice %arg4[%dma_wait3A_187] : memref<200704xi32, #tpu.memory_space<hbm>> -> memref<32xi32, #tpu.memory_space<hbm>>
      tpu.wait_dma2 semaphore(%arg39 : memref<!tpu.dma_semaphore, #tpu.memory_space<semaphore_mem>>) src(%dma_wait3A_188 : memref<32xi32, #tpu.memory_space<hbm>>) dst(%arg21 : memref<32xi32, #tpu.memory_space<vmem>>)
      %dma_wait3A_189 = arith.constant 0 : i32
      %dma_wait3A_190 = tpu.memref_slice %arg5[%dma_wait3A_189] : memref<200704xi32, #tpu.memory_space<hbm>> -> memref<32xi32, #tpu.memory_space<hbm>>
      %dma_wait3A_191 = arith.constant 0 : i32
      %dma_wait3A_192 = tpu.memref_slice %arg5[%dma_wait3A_191] : memref<200704xi32, #tpu.memory_space<hbm>> -> memref<32xi32, #tpu.memory_space<hbm>>
      tpu.wait_dma2 semaphore(%arg39 : memref<!tpu.dma_semaphore, #tpu.memory_space<semaphore_mem>>) src(%dma_wait3A_192 : memref<32xi32, #tpu.memory_space<hbm>>) dst(%arg22 : memref<32xi32, #tpu.memory_space<vmem>>)
      %dma_wait3A_193 = arith.constant 0 : i32
      %dma_wait3A_194 = tpu.memref_slice %arg6[%dma_wait3A_193] : memref<200704xi32, #tpu.memory_space<hbm>> -> memref<32xi32, #tpu.memory_space<hbm>>
      %dma_wait3A_195 = arith.constant 0 : i32
      %dma_wait3A_196 = tpu.memref_slice %arg6[%dma_wait3A_195] : memref<200704xi32, #tpu.memory_space<hbm>> -> memref<32xi32, #tpu.memory_space<hbm>>
      tpu.wait_dma2 semaphore(%arg39 : memref<!tpu.dma_semaphore, #tpu.memory_space<semaphore_mem>>) src(%dma_wait3A_196 : memref<32xi32, #tpu.memory_space<hbm>>) dst(%arg23 : memref<32xi32, #tpu.memory_space<vmem>>)
      %dma_wait3A_197 = arith.constant 0 : i32
      %dma_wait3A_198 = tpu.memref_slice %arg7[%dma_wait3A_197] : memref<200704xf32, #tpu.memory_space<hbm>> -> memref<32xf32, #tpu.memory_space<hbm>>
      %dma_wait3A_199 = arith.constant 0 : i32
      %dma_wait3A_200 = tpu.memref_slice %arg7[%dma_wait3A_199] : memref<200704xf32, #tpu.memory_space<hbm>> -> memref<32xf32, #tpu.memory_space<hbm>>
      tpu.wait_dma2 semaphore(%arg39 : memref<!tpu.dma_semaphore, #tpu.memory_space<semaphore_mem>>) src(%dma_wait3A_200 : memref<32xf32, #tpu.memory_space<hbm>>) dst(%arg24 : memref<32xf32, #tpu.memory_space<vmem>>)
      %dma_wait3A_201 = arith.constant 0 : i32
      %dma_wait3A_202 = tpu.memref_slice %arg8[%dma_wait3A_201] : memref<200704xf32, #tpu.memory_space<hbm>> -> memref<32xf32, #tpu.memory_space<hbm>>
      %dma_wait3A_203 = arith.constant 0 : i32
      %dma_wait3A_204 = tpu.memref_slice %arg8[%dma_wait3A_203] : memref<200704xf32, #tpu.memory_space<hbm>> -> memref<32xf32, #tpu.memory_space<hbm>>
      tpu.wait_dma2 semaphore(%arg39 : memref<!tpu.dma_semaphore, #tpu.memory_space<semaphore_mem>>) src(%dma_wait3A_204 : memref<32xf32, #tpu.memory_space<hbm>>) dst(%arg25 : memref<32xf32, #tpu.memory_space<vmem>>)
      %dma_wait3A_205 = arith.constant 0 : i32
      %dma_wait3A_206 = tpu.memref_slice %arg9[%dma_wait3A_205] : memref<200704xf32, #tpu.memory_space<hbm>> -> memref<32xf32, #tpu.memory_space<hbm>>
      %dma_wait3A_207 = arith.constant 0 : i32
      %dma_wait3A_208 = tpu.memref_slice %arg9[%dma_wait3A_207] : memref<200704xf32, #tpu.memory_space<hbm>> -> memref<32xf32, #tpu.memory_space<hbm>>
      tpu.wait_dma2 semaphore(%arg39 : memref<!tpu.dma_semaphore, #tpu.memory_space<semaphore_mem>>) src(%dma_wait3A_208 : memref<32xf32, #tpu.memory_space<hbm>>) dst(%arg26 : memref<32xf32, #tpu.memory_space<vmem>>)
      %dma_wait3A_209 = arith.constant 0 : i32
      %dma_wait3A_210 = tpu.memref_slice %arg10[%dma_wait3A_209] : memref<200704xf32, #tpu.memory_space<hbm>> -> memref<32xf32, #tpu.memory_space<hbm>>
      %dma_wait3A_211 = arith.constant 0 : i32
      %dma_wait3A_212 = tpu.memref_slice %arg10[%dma_wait3A_211] : memref<200704xf32, #tpu.memory_space<hbm>> -> memref<32xf32, #tpu.memory_space<hbm>>
      tpu.wait_dma2 semaphore(%arg39 : memref<!tpu.dma_semaphore, #tpu.memory_space<semaphore_mem>>) src(%dma_wait3A_212 : memref<32xf32, #tpu.memory_space<hbm>>) dst(%arg27 : memref<32xf32, #tpu.memory_space<vmem>>)
      %dma_start3A_213 = arith.constant 0 : i32
      %dma_start3A_214 = arith.constant 0 : i32
      %dma_start3A_215 = arith.constant 0 : i32
      %dma_start3A_216 = tpu.memref_slice %arg2[%dma_start3A_213, %dma_start3A_214, %dma_start3A_215] : memref<200704x2x128xf32, #tpu.memory_space<hbm>> -> memref<200704x2x128xf32, #tpu.memory_space<hbm>>
      tpu.enqueue_indirect_dma source(%dma_start3A_216 : memref<200704x2x128xf32, #tpu.memory_space<hbm>>) target(%arg32 : memref<32x2x128xf32, #tpu.memory_space<vmem>>) offsets(%arg20 : memref<32xi32, #tpu.memory_space<vmem>>) semaphore(%arg41 : memref<!tpu.dma_semaphore, #tpu.memory_space<semaphore_mem>>)
      %dma_start3A_217 = arith.constant 0 : i32
      %dma_start3A_218 = arith.constant 0 : i32
      %dma_start3A_219 = arith.constant 0 : i32
      %dma_start3A_220 = tpu.memref_slice %arg2[%dma_start3A_217, %dma_start3A_218, %dma_start3A_219] : memref<200704x2x128xf32, #tpu.memory_space<hbm>> -> memref<200704x2x128xf32, #tpu.memory_space<hbm>>
      tpu.enqueue_indirect_dma source(%dma_start3A_220 : memref<200704x2x128xf32, #tpu.memory_space<hbm>>) target(%arg33 : memref<32x2x128xf32, #tpu.memory_space<vmem>>) offsets(%arg21 : memref<32xi32, #tpu.memory_space<vmem>>) semaphore(%arg41 : memref<!tpu.dma_semaphore, #tpu.memory_space<semaphore_mem>>)
      %dma_start3A_221 = arith.constant 0 : i32
      %dma_start3A_222 = arith.constant 0 : i32
      %dma_start3A_223 = arith.constant 0 : i32
      %dma_start3A_224 = tpu.memref_slice %arg2[%dma_start3A_221, %dma_start3A_222, %dma_start3A_223] : memref<200704x2x128xf32, #tpu.memory_space<hbm>> -> memref<200704x2x128xf32, #tpu.memory_space<hbm>>
      tpu.enqueue_indirect_dma source(%dma_start3A_224 : memref<200704x2x128xf32, #tpu.memory_space<hbm>>) target(%arg34 : memref<32x2x128xf32, #tpu.memory_space<vmem>>) offsets(%arg22 : memref<32xi32, #tpu.memory_space<vmem>>) semaphore(%arg41 : memref<!tpu.dma_semaphore, #tpu.memory_space<semaphore_mem>>)
      %dma_start3A_225 = arith.constant 0 : i32
      %dma_start3A_226 = arith.constant 0 : i32
      %dma_start3A_227 = arith.constant 0 : i32
      %dma_start3A_228 = tpu.memref_slice %arg2[%dma_start3A_225, %dma_start3A_226, %dma_start3A_227] : memref<200704x2x128xf32, #tpu.memory_space<hbm>> -> memref<200704x2x128xf32, #tpu.memory_space<hbm>>
      tpu.enqueue_indirect_dma source(%dma_start3A_228 : memref<200704x2x128xf32, #tpu.memory_space<hbm>>) target(%arg35 : memref<32x2x128xf32, #tpu.memory_space<vmem>>) offsets(%arg23 : memref<32xi32, #tpu.memory_space<vmem>>) semaphore(%arg41 : memref<!tpu.dma_semaphore, #tpu.memory_space<semaphore_mem>>)
      %ge3A = arith.constant 1 : i32
      %ge3A_229 = arith.cmpi sge, %add3A_162, %ge3A : i32
      %convert_element_type3A = arith.extui %ge3A_229 : i1 to i32
      %cond3A = arith.constant 0 : i32
      %cond3A_230 = arith.cmpi ne, %convert_element_type3A, %cond3A : i32
      scf.if %cond3A_230 {
        %dma_wait3A_373 = arith.constant 0 : i32
        %dma_wait3A_374 = arith.constant 0 : i32
        %dma_wait3A_375 = arith.constant 0 : i32
        %dma_wait3A_376 = tpu.memref_slice %arg11[%dma_wait3A_373, %dma_wait3A_374, %dma_wait3A_375] : memref<200704x2x128xf32, #tpu.memory_space<hbm>> -> memref<32x2x128xf32, #tpu.memory_space<hbm>>
        %dma_wait3A_377 = arith.constant 0 : i32
        %dma_wait3A_378 = arith.constant 0 : i32
        %dma_wait3A_379 = arith.constant 0 : i32
        %dma_wait3A_380 = tpu.memref_slice %arg11[%dma_wait3A_377, %dma_wait3A_378, %dma_wait3A_379] : memref<200704x2x128xf32, #tpu.memory_space<hbm>> -> memref<32x2x128xf32, #tpu.memory_space<hbm>>
        tpu.wait_dma2 semaphore(%arg42 : memref<!tpu.dma_semaphore, #tpu.memory_space<semaphore_mem>>) src(%arg36 : memref<32x2x128xf32, #tpu.memory_space<vmem>>) dst(%dma_wait3A_380 : memref<32x2x128xf32, #tpu.memory_space<hbm>>)
      } else {
      }
      %scan3A_231 = arith.constant 0 : i32
      %scan3A_232 = arith.constant 32 : i32
      %scan3A_233 = arith.addi %scan3A_231, %scan3A_232 : i32
      %scan3A_234 = arith.constant 1 : i32
      scf.for %scan3A_373 = %scan3A_231 to %scan3A_233 step %scan3A_234  : i32 {
        %mul3A_374 = arith.constant 1 : i32
        %mul3A_375 = arith.muli %scan3A_373, %mul3A_374 : i32
        %add3A_376 = arith.constant 0 : i32
        %add3A_377 = arith.addi %add3A_376, %mul3A_375 : i32
        %broadcast_in_dim3A = vector.broadcast %add3A_377 : i32 to vector<16xi32>
        %gather3A = tpu.vector_load_idx %arg16[%broadcast_in_dim3A] : memref<32xf32, #tpu.memory_space<vmem>>[vector<16xi32>], vector<16xf32>,
        %gather3A_378 = tpu.vector_load_idx %arg17[%broadcast_in_dim3A] : memref<32xf32, #tpu.memory_space<vmem>>[vector<16xi32>], vector<16xf32>,
        %gather3A_379 = tpu.vector_load_idx %arg18[%broadcast_in_dim3A] : memref<32xf32, #tpu.memory_space<vmem>>[vector<16xi32>], vector<16xf32>,
        %gather3A_380 = tpu.vector_load_idx %arg19[%broadcast_in_dim3A] : memref<32xf32, #tpu.memory_space<vmem>>[vector<16xi32>], vector<16xf32>,
        %get3A = arith.constant 0 : i32
        %get3A_381 = arith.index_cast %add3A_377 : i32 to index
        %get3A_382 = arith.index_cast %get3A : i32 to index
        %get3A_383 = arith.constant 0 : index
        %get3A_384 = tpu.vector_load %arg28[%get3A_381, %get3A_382, %get3A_383] {strides = array<i32>} : memref<32x2x128xf32, #tpu.memory_space<vmem>>, vector<16xf32>,
        %mul3A_385 = arith.mulf %gather3A, %get3A_384 : vector<16xf32>
        %get3A_386 = arith.constant 0 : i32
        %get3A_387 = arith.index_cast %add3A_377 : i32 to index
        %get3A_388 = arith.index_cast %get3A_386 : i32 to index
        %get3A_389 = arith.constant 0 : index
        %get3A_390 = tpu.vector_load %arg29[%get3A_387, %get3A_388, %get3A_389] {strides = array<i32>} : memref<32x2x128xf32, #tpu.memory_space<vmem>>, vector<16xf32>,
        %mul3A_391 = arith.mulf %gather3A_378, %get3A_390 : vector<16xf32>
        %add3A_392 = arith.addf %mul3A_385, %mul3A_391 : vector<16xf32>
        %get3A_393 = arith.constant 0 : i32
        %get3A_394 = arith.index_cast %add3A_377 : i32 to index
        %get3A_395 = arith.index_cast %get3A_393 : i32 to index
        %get3A_396 = arith.constant 0 : index
        %get3A_397 = tpu.vector_load %arg30[%get3A_394, %get3A_395, %get3A_396] {strides = array<i32>} : memref<32x2x128xf32, #tpu.memory_space<vmem>>, vector<16xf32>,
        %mul3A_398 = arith.mulf %gather3A_379, %get3A_397 : vector<16xf32>
        %add3A_399 = arith.addf %add3A_392, %mul3A_398 : vector<16xf32>
        %get3A_400 = arith.constant 0 : i32
        %get3A_401 = arith.index_cast %add3A_377 : i32 to index
        %get3A_402 = arith.index_cast %get3A_400 : i32 to index
        %get3A_403 = arith.constant 0 : index
        %get3A_404 = tpu.vector_load %arg31[%get3A_401, %get3A_402, %get3A_403] {strides = array<i32>} : memref<32x2x128xf32, #tpu.memory_space<vmem>>, vector<16xf32>,
        %mul3A_405 = arith.mulf %gather3A_380, %get3A_404 : vector<16xf32>
        %add3A_406 = arith.addf %add3A_399, %mul3A_405 : vector<16xf32>
        %swap3A = arith.constant 0 : i32
        %swap3A_407 = arith.index_cast %add3A_377 : i32 to index
        %swap3A_408 = arith.index_cast %swap3A : i32 to index
        %swap3A_409 = arith.constant 0 : index
        %swap3A_410 = tpu.vector_load %arg36[%swap3A_407, %swap3A_408, %swap3A_409] {strides = array<i32>} : memref<32x2x128xf32, #tpu.memory_space<vmem>>, vector<16xf32>,
        tpu.vector_store %arg36[%swap3A_407, %swap3A_408, %swap3A_409], %add3A_406 {strides = array<i32>} : memref<32x2x128xf32, #tpu.memory_space<vmem>>, vector<16xf32>,
        %get3A_411 = arith.constant 0 : i32
        %get3A_412 = arith.index_cast %add3A_377 : i32 to index
        %get3A_413 = arith.index_cast %get3A_411 : i32 to index
        %get3A_414 = arith.constant 16 : index
        %get3A_415 = tpu.vector_load %arg28[%get3A_412, %get3A_413, %get3A_414] {strides = array<i32>} : memref<32x2x128xf32, #tpu.memory_space<vmem>>, vector<16xf32>,
        %mul3A_416 = arith.mulf %gather3A, %get3A_415 : vector<16xf32>
        %get3A_417 = arith.constant 0 : i32
        %get3A_418 = arith.index_cast %add3A_377 : i32 to index
        %get3A_419 = arith.index_cast %get3A_417 : i32 to index
        %get3A_420 = arith.constant 16 : index
        %get3A_421 = tpu.vector_load %arg29[%get3A_418, %get3A_419, %get3A_420] {strides = array<i32>} : memref<32x2x128xf32, #tpu.memory_space<vmem>>, vector<16xf32>,
        %mul3A_422 = arith.mulf %gather3A_378, %get3A_421 : vector<16xf32>
        %add3A_423 = arith.addf %mul3A_416, %mul3A_422 : vector<16xf32>
        %get3A_424 = arith.constant 0 : i32
        %get3A_425 = arith.index_cast %add3A_377 : i32 to index
        %get3A_426 = arith.index_cast %get3A_424 : i32 to index
        %get3A_427 = arith.constant 16 : index
        %get3A_428 = tpu.vector_load %arg30[%get3A_425, %get3A_426, %get3A_427] {strides = array<i32>} : memref<32x2x128xf32, #tpu.memory_space<vmem>>, vector<16xf32>,
        %mul3A_429 = arith.mulf %gather3A_379, %get3A_428 : vector<16xf32>
        %add3A_430 = arith.addf %add3A_423, %mul3A_429 : vector<16xf32>
        %get3A_431 = arith.constant 0 : i32
        %get3A_432 = arith.index_cast %add3A_377 : i32 to index
        %get3A_433 = arith.index_cast %get3A_431 : i32 to index
        %get3A_434 = arith.constant 16 : index
        %get3A_435 = tpu.vector_load %arg31[%get3A_432, %get3A_433, %get3A_434] {strides = array<i32>} : memref<32x2x128xf32, #tpu.memory_space<vmem>>, vector<16xf32>,
        %mul3A_436 = arith.mulf %gather3A_380, %get3A_435 : vector<16xf32>
        %add3A_437 = arith.addf %add3A_430, %mul3A_436 : vector<16xf32>
        %swap3A_438 = arith.constant 0 : i32
        %swap3A_439 = arith.index_cast %add3A_377 : i32 to index
        %swap3A_440 = arith.index_cast %swap3A_438 : i32 to index
        %swap3A_441 = arith.constant 16 : index
        %swap3A_442 = tpu.vector_load %arg36[%swap3A_439, %swap3A_440, %swap3A_441] {strides = array<i32>} : memref<32x2x128xf32, #tpu.memory_space<vmem>>, vector<16xf32>,
        tpu.vector_store %arg36[%swap3A_439, %swap3A_440, %swap3A_441], %add3A_437 {strides = array<i32>} : memref<32x2x128xf32, #tpu.memory_space<vmem>>, vector<16xf32>,
        %get3A_443 = arith.constant 0 : i32
        %get3A_444 = arith.index_cast %add3A_377 : i32 to index
        %get3A_445 = arith.index_cast %get3A_443 : i32 to index
        %get3A_446 = arith.constant 32 : index
        %get3A_447 = tpu.vector_load %arg28[%get3A_444, %get3A_445, %get3A_446] {strides = array<i32>} : memref<32x2x128xf32, #tpu.memory_space<vmem>>, vector<16xf32>,
        %mul3A_448 = arith.mulf %gather3A, %get3A_447 : vector<16xf32>
        %get3A_449 = arith.constant 0 : i32
        %get3A_450 = arith.index_cast %add3A_377 : i32 to index
        %get3A_451 = arith.index_cast %get3A_449 : i32 to index
        %get3A_452 = arith.constant 32 : index
        %get3A_453 = tpu.vector_load %arg29[%get3A_450, %get3A_451, %get3A_452] {strides = array<i32>} : memref<32x2x128xf32, #tpu.memory_space<vmem>>, vector<16xf32>,
        %mul3A_454 = arith.mulf %gather3A_378, %get3A_453 : vector<16xf32>
        %add3A_455 = arith.addf %mul3A_448, %mul3A_454 : vector<16xf32>
        %get3A_456 = arith.constant 0 : i32
        %get3A_457 = arith.index_cast %add3A_377 : i32 to index
        %get3A_458 = arith.index_cast %get3A_456 : i32 to index
        %get3A_459 = arith.constant 32 : index
        %get3A_460 = tpu.vector_load %arg30[%get3A_457, %get3A_458, %get3A_459] {strides = array<i32>} : memref<32x2x128xf32, #tpu.memory_space<vmem>>, vector<16xf32>,
        %mul3A_461 = arith.mulf %gather3A_379, %get3A_460 : vector<16xf32>
        %add3A_462 = arith.addf %add3A_455, %mul3A_461 : vector<16xf32>
        %get3A_463 = arith.constant 0 : i32
        %get3A_464 = arith.index_cast %add3A_377 : i32 to index
        %get3A_465 = arith.index_cast %get3A_463 : i32 to index
        %get3A_466 = arith.constant 32 : index
        %get3A_467 = tpu.vector_load %arg31[%get3A_464, %get3A_465, %get3A_466] {strides = array<i32>} : memref<32x2x128xf32, #tpu.memory_space<vmem>>, vector<16xf32>,
        %mul3A_468 = arith.mulf %gather3A_380, %get3A_467 : vector<16xf32>
        %add3A_469 = arith.addf %add3A_462, %mul3A_468 : vector<16xf32>
        %swap3A_470 = arith.constant 0 : i32
        %swap3A_471 = arith.index_cast %add3A_377 : i32 to index
        %swap3A_472 = arith.index_cast %swap3A_470 : i32 to index
        %swap3A_473 = arith.constant 32 : index
        %swap3A_474 = tpu.vector_load %arg36[%swap3A_471, %swap3A_472, %swap3A_473] {strides = array<i32>} : memref<32x2x128xf32, #tpu.memory_space<vmem>>, vector<16xf32>,
        tpu.vector_store %arg36[%swap3A_471, %swap3A_472, %swap3A_473], %add3A_469 {strides = array<i32>} : memref<32x2x128xf32, #tpu.memory_space<vmem>>, vector<16xf32>,
        %get3A_475 = arith.constant 0 : i32
        %get3A_476 = arith.index_cast %add3A_377 : i32 to index
        %get3A_477 = arith.index_cast %get3A_475 : i32 to index
        %get3A_478 = arith.constant 48 : index
        %get3A_479 = tpu.vector_load %arg28[%get3A_476, %get3A_477, %get3A_478] {strides = array<i32>} : memref<32x2x128xf32, #tpu.memory_space<vmem>>, vector<16xf32>,
        %mul3A_480 = arith.mulf %gather3A, %get3A_479 : vector<16xf32>
        %get3A_481 = arith.constant 0 : i32
        %get3A_482 = arith.index_cast %add3A_377 : i32 to index
        %get3A_483 = arith.index_cast %get3A_481 : i32 to index
        %get3A_484 = arith.constant 48 : index
        %get3A_485 = tpu.vector_load %arg29[%get3A_482, %get3A_483, %get3A_484] {strides = array<i32>} : memref<32x2x128xf32, #tpu.memory_space<vmem>>, vector<16xf32>,
        %mul3A_486 = arith.mulf %gather3A_378, %get3A_485 : vector<16xf32>
        %add3A_487 = arith.addf %mul3A_480, %mul3A_486 : vector<16xf32>
        %get3A_488 = arith.constant 0 : i32
        %get3A_489 = arith.index_cast %add3A_377 : i32 to index
        %get3A_490 = arith.index_cast %get3A_488 : i32 to index
        %get3A_491 = arith.constant 48 : index
        %get3A_492 = tpu.vector_load %arg30[%get3A_489, %get3A_490, %get3A_491] {strides = array<i32>} : memref<32x2x128xf32, #tpu.memory_space<vmem>>, vector<16xf32>,
        %mul3A_493 = arith.mulf %gather3A_379, %get3A_492 : vector<16xf32>
        %add3A_494 = arith.addf %add3A_487, %mul3A_493 : vector<16xf32>
        %get3A_495 = arith.constant 0 : i32
        %get3A_496 = arith.index_cast %add3A_377 : i32 to index
        %get3A_497 = arith.index_cast %get3A_495 : i32 to index
        %get3A_498 = arith.constant 48 : index
        %get3A_499 = tpu.vector_load %arg31[%get3A_496, %get3A_497, %get3A_498] {strides = array<i32>} : memref<32x2x128xf32, #tpu.memory_space<vmem>>, vector<16xf32>,
        %mul3A_500 = arith.mulf %gather3A_380, %get3A_499 : vector<16xf32>
        %add3A_501 = arith.addf %add3A_494, %mul3A_500 : vector<16xf32>
        %swap3A_502 = arith.constant 0 : i32
        %swap3A_503 = arith.index_cast %add3A_377 : i32 to index
        %swap3A_504 = arith.index_cast %swap3A_502 : i32 to index
        %swap3A_505 = arith.constant 48 : index
        %swap3A_506 = tpu.vector_load %arg36[%swap3A_503, %swap3A_504, %swap3A_505] {strides = array<i32>} : memref<32x2x128xf32, #tpu.memory_space<vmem>>, vector<16xf32>,
        tpu.vector_store %arg36[%swap3A_503, %swap3A_504, %swap3A_505], %add3A_501 {strides = array<i32>} : memref<32x2x128xf32, #tpu.memory_space<vmem>>, vector<16xf32>,
        %get3A_507 = arith.constant 0 : i32
        %get3A_508 = arith.index_cast %add3A_377 : i32 to index
        %get3A_509 = arith.index_cast %get3A_507 : i32 to index
        %get3A_510 = arith.constant 64 : index
        %get3A_511 = tpu.vector_load %arg28[%get3A_508, %get3A_509, %get3A_510] {strides = array<i32>} : memref<32x2x128xf32, #tpu.memory_space<vmem>>, vector<16xf32>,
        %mul3A_512 = arith.mulf %gather3A, %get3A_511 : vector<16xf32>
        %get3A_513 = arith.constant 0 : i32
        %get3A_514 = arith.index_cast %add3A_377 : i32 to index
        %get3A_515 = arith.index_cast %get3A_513 : i32 to index
        %get3A_516 = arith.constant 64 : index
        %get3A_517 = tpu.vector_load %arg29[%get3A_514, %get3A_515, %get3A_516] {strides = array<i32>} : memref<32x2x128xf32, #tpu.memory_space<vmem>>, vector<16xf32>,
        %mul3A_518 = arith.mulf %gather3A_378, %get3A_517 : vector<16xf32>
        %add3A_519 = arith.addf %mul3A_512, %mul3A_518 : vector<16xf32>
        %get3A_520 = arith.constant 0 : i32
        %get3A_521 = arith.index_cast %add3A_377 : i32 to index
        %get3A_522 = arith.index_cast %get3A_520 : i32 to index
        %get3A_523 = arith.constant 64 : index
        %get3A_524 = tpu.vector_load %arg30[%get3A_521, %get3A_522, %get3A_523] {strides = array<i32>} : memref<32x2x128xf32, #tpu.memory_space<vmem>>, vector<16xf32>,
        %mul3A_525 = arith.mulf %gather3A_379, %get3A_524 : vector<16xf32>
        %add3A_526 = arith.addf %add3A_519, %mul3A_525 : vector<16xf32>
        %get3A_527 = arith.constant 0 : i32
        %get3A_528 = arith.index_cast %add3A_377 : i32 to index
        %get3A_529 = arith.index_cast %get3A_527 : i32 to index
        %get3A_530 = arith.constant 64 : index
        %get3A_531 = tpu.vector_load %arg31[%get3A_528, %get3A_529, %get3A_530] {strides = array<i32>} : memref<32x2x128xf32, #tpu.memory_space<vmem>>, vector<16xf32>,
        %mul3A_532 = arith.mulf %gather3A_380, %get3A_531 : vector<16xf32>
        %add3A_533 = arith.addf %add3A_526, %mul3A_532 : vector<16xf32>
        %swap3A_534 = arith.constant 0 : i32
        %swap3A_535 = arith.index_cast %add3A_377 : i32 to index
        %swap3A_536 = arith.index_cast %swap3A_534 : i32 to index
        %swap3A_537 = arith.constant 64 : index
        %swap3A_538 = tpu.vector_load %arg36[%swap3A_535, %swap3A_536, %swap3A_537] {strides = array<i32>} : memref<32x2x128xf32, #tpu.memory_space<vmem>>, vector<16xf32>,
        tpu.vector_store %arg36[%swap3A_535, %swap3A_536, %swap3A_537], %add3A_533 {strides = array<i32>} : memref<32x2x128xf32, #tpu.memory_space<vmem>>, vector<16xf32>,
        %get3A_539 = arith.constant 0 : i32
        %get3A_540 = arith.index_cast %add3A_377 : i32 to index
        %get3A_541 = arith.index_cast %get3A_539 : i32 to index
        %get3A_542 = arith.constant 80 : index
        %get3A_543 = tpu.vector_load %arg28[%get3A_540, %get3A_541, %get3A_542] {strides = array<i32>} : memref<32x2x128xf32, #tpu.memory_space<vmem>>, vector<16xf32>,
        %mul3A_544 = arith.mulf %gather3A, %get3A_543 : vector<16xf32>
        %get3A_545 = arith.constant 0 : i32
        %get3A_546 = arith.index_cast %add3A_377 : i32 to index
        %get3A_547 = arith.index_cast %get3A_545 : i32 to index
        %get3A_548 = arith.constant 80 : index
        %get3A_549 = tpu.vector_load %arg29[%get3A_546, %get3A_547, %get3A_548] {strides = array<i32>} : memref<32x2x128xf32, #tpu.memory_space<vmem>>, vector<16xf32>,
        %mul3A_550 = arith.mulf %gather3A_378, %get3A_549 : vector<16xf32>
        %add3A_551 = arith.addf %mul3A_544, %mul3A_550 : vector<16xf32>
        %get3A_552 = arith.constant 0 : i32
        %get3A_553 = arith.index_cast %add3A_377 : i32 to index
        %get3A_554 = arith.index_cast %get3A_552 : i32 to index
        %get3A_555 = arith.constant 80 : index
        %get3A_556 = tpu.vector_load %arg30[%get3A_553, %get3A_554, %get3A_555] {strides = array<i32>} : memref<32x2x128xf32, #tpu.memory_space<vmem>>, vector<16xf32>,
        %mul3A_557 = arith.mulf %gather3A_379, %get3A_556 : vector<16xf32>
        %add3A_558 = arith.addf %add3A_551, %mul3A_557 : vector<16xf32>
        %get3A_559 = arith.constant 0 : i32
        %get3A_560 = arith.index_cast %add3A_377 : i32 to index
        %get3A_561 = arith.index_cast %get3A_559 : i32 to index
        %get3A_562 = arith.constant 80 : index
        %get3A_563 = tpu.vector_load %arg31[%get3A_560, %get3A_561, %get3A_562] {strides = array<i32>} : memref<32x2x128xf32, #tpu.memory_space<vmem>>, vector<16xf32>,
        %mul3A_564 = arith.mulf %gather3A_380, %get3A_563 : vector<16xf32>
        %add3A_565 = arith.addf %add3A_558, %mul3A_564 : vector<16xf32>
        %swap3A_566 = arith.constant 0 : i32
        %swap3A_567 = arith.index_cast %add3A_377 : i32 to index
        %swap3A_568 = arith.index_cast %swap3A_566 : i32 to index
        %swap3A_569 = arith.constant 80 : index
        %swap3A_570 = tpu.vector_load %arg36[%swap3A_567, %swap3A_568, %swap3A_569] {strides = array<i32>} : memref<32x2x128xf32, #tpu.memory_space<vmem>>, vector<16xf32>,
        tpu.vector_store %arg36[%swap3A_567, %swap3A_568, %swap3A_569], %add3A_565 {strides = array<i32>} : memref<32x2x128xf32, #tpu.memory_space<vmem>>, vector<16xf32>,
        %get3A_571 = arith.constant 0 : i32
        %get3A_572 = arith.index_cast %add3A_377 : i32 to index
        %get3A_573 = arith.index_cast %get3A_571 : i32 to index
        %get3A_574 = arith.constant 96 : index
        %get3A_575 = tpu.vector_load %arg28[%get3A_572, %get3A_573, %get3A_574] {strides = array<i32>} : memref<32x2x128xf32, #tpu.memory_space<vmem>>, vector<16xf32>,
        %mul3A_576 = arith.mulf %gather3A, %get3A_575 : vector<16xf32>
        %get3A_577 = arith.constant 0 : i32
        %get3A_578 = arith.index_cast %add3A_377 : i32 to index
        %get3A_579 = arith.index_cast %get3A_577 : i32 to index
        %get3A_580 = arith.constant 96 : index
        %get3A_581 = tpu.vector_load %arg29[%get3A_578, %get3A_579, %get3A_580] {strides = array<i32>} : memref<32x2x128xf32, #tpu.memory_space<vmem>>, vector<16xf32>,
        %mul3A_582 = arith.mulf %gather3A_378, %get3A_581 : vector<16xf32>
        %add3A_583 = arith.addf %mul3A_576, %mul3A_582 : vector<16xf32>
        %get3A_584 = arith.constant 0 : i32
        %get3A_585 = arith.index_cast %add3A_377 : i32 to index
        %get3A_586 = arith.index_cast %get3A_584 : i32 to index
        %get3A_587 = arith.constant 96 : index
        %get3A_588 = tpu.vector_load %arg30[%get3A_585, %get3A_586, %get3A_587] {strides = array<i32>} : memref<32x2x128xf32, #tpu.memory_space<vmem>>, vector<16xf32>,
        %mul3A_589 = arith.mulf %gather3A_379, %get3A_588 : vector<16xf32>
        %add3A_590 = arith.addf %add3A_583, %mul3A_589 : vector<16xf32>
        %get3A_591 = arith.constant 0 : i32
        %get3A_592 = arith.index_cast %add3A_377 : i32 to index
        %get3A_593 = arith.index_cast %get3A_591 : i32 to index
        %get3A_594 = arith.constant 96 : index
        %get3A_595 = tpu.vector_load %arg31[%get3A_592, %get3A_593, %get3A_594] {strides = array<i32>} : memref<32x2x128xf32, #tpu.memory_space<vmem>>, vector<16xf32>,
        %mul3A_596 = arith.mulf %gather3A_380, %get3A_595 : vector<16xf32>
        %add3A_597 = arith.addf %add3A_590, %mul3A_596 : vector<16xf32>
        %swap3A_598 = arith.constant 0 : i32
        %swap3A_599 = arith.index_cast %add3A_377 : i32 to index
        %swap3A_600 = arith.index_cast %swap3A_598 : i32 to index
        %swap3A_601 = arith.constant 96 : index
        %swap3A_602 = tpu.vector_load %arg36[%swap3A_599, %swap3A_600, %swap3A_601] {strides = array<i32>} : memref<32x2x128xf32, #tpu.memory_space<vmem>>, vector<16xf32>,
        tpu.vector_store %arg36[%swap3A_599, %swap3A_600, %swap3A_601], %add3A_597 {strides = array<i32>} : memref<32x2x128xf32, #tpu.memory_space<vmem>>, vector<16xf32>,
        %get3A_603 = arith.constant 0 : i32
        %get3A_604 = arith.index_cast %add3A_377 : i32 to index
        %get3A_605 = arith.index_cast %get3A_603 : i32 to index
        %get3A_606 = arith.constant 112 : index
        %get3A_607 = tpu.vector_load %arg28[%get3A_604, %get3A_605, %get3A_606] {strides = array<i32>} : memref<32x2x128xf32, #tpu.memory_space<vmem>>, vector<16xf32>,
        %mul3A_608 = arith.mulf %gather3A, %get3A_607 : vector<16xf32>
        %get3A_609 = arith.constant 0 : i32
        %get3A_610 = arith.index_cast %add3A_377 : i32 to index
        %get3A_611 = arith.index_cast %get3A_609 : i32 to index
        %get3A_612 = arith.constant 112 : index
        %get3A_613 = tpu.vector_load %arg29[%get3A_610, %get3A_611, %get3A_612] {strides = array<i32>} : memref<32x2x128xf32, #tpu.memory_space<vmem>>, vector<16xf32>,
        %mul3A_614 = arith.mulf %gather3A_378, %get3A_613 : vector<16xf32>
        %add3A_615 = arith.addf %mul3A_608, %mul3A_614 : vector<16xf32>
        %get3A_616 = arith.constant 0 : i32
        %get3A_617 = arith.index_cast %add3A_377 : i32 to index
        %get3A_618 = arith.index_cast %get3A_616 : i32 to index
        %get3A_619 = arith.constant 112 : index
        %get3A_620 = tpu.vector_load %arg30[%get3A_617, %get3A_618, %get3A_619] {strides = array<i32>} : memref<32x2x128xf32, #tpu.memory_space<vmem>>, vector<16xf32>,
        %mul3A_621 = arith.mulf %gather3A_379, %get3A_620 : vector<16xf32>
        %add3A_622 = arith.addf %add3A_615, %mul3A_621 : vector<16xf32>
        %get3A_623 = arith.constant 0 : i32
        %get3A_624 = arith.index_cast %add3A_377 : i32 to index
        %get3A_625 = arith.index_cast %get3A_623 : i32 to index
        %get3A_626 = arith.constant 112 : index
        %get3A_627 = tpu.vector_load %arg31[%get3A_624, %get3A_625, %get3A_626] {strides = array<i32>} : memref<32x2x128xf32, #tpu.memory_space<vmem>>, vector<16xf32>,
        %mul3A_628 = arith.mulf %gather3A_380, %get3A_627 : vector<16xf32>
        %add3A_629 = arith.addf %add3A_622, %mul3A_628 : vector<16xf32>
        %swap3A_630 = arith.constant 0 : i32
        %swap3A_631 = arith.index_cast %add3A_377 : i32 to index
        %swap3A_632 = arith.index_cast %swap3A_630 : i32 to index
        %swap3A_633 = arith.constant 112 : index
        %swap3A_634 = tpu.vector_load %arg36[%swap3A_631, %swap3A_632, %swap3A_633] {strides = array<i32>} : memref<32x2x128xf32, #tpu.memory_space<vmem>>, vector<16xf32>,
        tpu.vector_store %arg36[%swap3A_631, %swap3A_632, %swap3A_633], %add3A_629 {strides = array<i32>} : memref<32x2x128xf32, #tpu.memory_space<vmem>>, vector<16xf32>,
        %get3A_635 = arith.constant 1 : i32
        %get3A_636 = arith.index_cast %add3A_377 : i32 to index
        %get3A_637 = arith.index_cast %get3A_635 : i32 to index
        %get3A_638 = arith.constant 0 : index
        %get3A_639 = tpu.vector_load %arg28[%get3A_636, %get3A_637, %get3A_638] {strides = array<i32>} : memref<32x2x128xf32, #tpu.memory_space<vmem>>, vector<16xf32>,
        %mul3A_640 = arith.mulf %gather3A, %get3A_639 : vector<16xf32>
        %get3A_641 = arith.constant 1 : i32
        %get3A_642 = arith.index_cast %add3A_377 : i32 to index
        %get3A_643 = arith.index_cast %get3A_641 : i32 to index
        %get3A_644 = arith.constant 0 : index
        %get3A_645 = tpu.vector_load %arg29[%get3A_642, %get3A_643, %get3A_644] {strides = array<i32>} : memref<32x2x128xf32, #tpu.memory_space<vmem>>, vector<16xf32>,
        %mul3A_646 = arith.mulf %gather3A_378, %get3A_645 : vector<16xf32>
        %add3A_647 = arith.addf %mul3A_640, %mul3A_646 : vector<16xf32>
        %get3A_648 = arith.constant 1 : i32
        %get3A_649 = arith.index_cast %add3A_377 : i32 to index
        %get3A_650 = arith.index_cast %get3A_648 : i32 to index
        %get3A_651 = arith.constant 0 : index
        %get3A_652 = tpu.vector_load %arg30[%get3A_649, %get3A_650, %get3A_651] {strides = array<i32>} : memref<32x2x128xf32, #tpu.memory_space<vmem>>, vector<16xf32>,
        %mul3A_653 = arith.mulf %gather3A_379, %get3A_652 : vector<16xf32>
        %add3A_654 = arith.addf %add3A_647, %mul3A_653 : vector<16xf32>
        %get3A_655 = arith.constant 1 : i32
        %get3A_656 = arith.index_cast %add3A_377 : i32 to index
        %get3A_657 = arith.index_cast %get3A_655 : i32 to index
        %get3A_658 = arith.constant 0 : index
        %get3A_659 = tpu.vector_load %arg31[%get3A_656, %get3A_657, %get3A_658] {strides = array<i32>} : memref<32x2x128xf32, #tpu.memory_space<vmem>>, vector<16xf32>,
        %mul3A_660 = arith.mulf %gather3A_380, %get3A_659 : vector<16xf32>
        %add3A_661 = arith.addf %add3A_654, %mul3A_660 : vector<16xf32>
        %swap3A_662 = arith.constant 1 : i32
        %swap3A_663 = arith.index_cast %add3A_377 : i32 to index
        %swap3A_664 = arith.index_cast %swap3A_662 : i32 to index
        %swap3A_665 = arith.constant 0 : index
        %swap3A_666 = tpu.vector_load %arg36[%swap3A_663, %swap3A_664, %swap3A_665] {strides = array<i32>} : memref<32x2x128xf32, #tpu.memory_space<vmem>>, vector<16xf32>,
        tpu.vector_store %arg36[%swap3A_663, %swap3A_664, %swap3A_665], %add3A_661 {strides = array<i32>} : memref<32x2x128xf32, #tpu.memory_space<vmem>>, vector<16xf32>,
        %get3A_667 = arith.constant 1 : i32
        %get3A_668 = arith.index_cast %add3A_377 : i32 to index
        %get3A_669 = arith.index_cast %get3A_667 : i32 to index
        %get3A_670 = arith.constant 16 : index
        %get3A_671 = tpu.vector_load %arg28[%get3A_668, %get3A_669, %get3A_670] {strides = array<i32>} : memref<32x2x128xf32, #tpu.memory_space<vmem>>, vector<16xf32>,
        %mul3A_672 = arith.mulf %gather3A, %get3A_671 : vector<16xf32>
        %get3A_673 = arith.constant 1 : i32
        %get3A_674 = arith.index_cast %add3A_377 : i32 to index
        %get3A_675 = arith.index_cast %get3A_673 : i32 to index
        %get3A_676 = arith.constant 16 : index
        %get3A_677 = tpu.vector_load %arg29[%get3A_674, %get3A_675, %get3A_676] {strides = array<i32>} : memref<32x2x128xf32, #tpu.memory_space<vmem>>, vector<16xf32>,
        %mul3A_678 = arith.mulf %gather3A_378, %get3A_677 : vector<16xf32>
        %add3A_679 = arith.addf %mul3A_672, %mul3A_678 : vector<16xf32>
        %get3A_680 = arith.constant 1 : i32
        %get3A_681 = arith.index_cast %add3A_377 : i32 to index
        %get3A_682 = arith.index_cast %get3A_680 : i32 to index
        %get3A_683 = arith.constant 16 : index
        %get3A_684 = tpu.vector_load %arg30[%get3A_681, %get3A_682, %get3A_683] {strides = array<i32>} : memref<32x2x128xf32, #tpu.memory_space<vmem>>, vector<16xf32>,
        %mul3A_685 = arith.mulf %gather3A_379, %get3A_684 : vector<16xf32>
        %add3A_686 = arith.addf %add3A_679, %mul3A_685 : vector<16xf32>
        %get3A_687 = arith.constant 1 : i32
        %get3A_688 = arith.index_cast %add3A_377 : i32 to index
        %get3A_689 = arith.index_cast %get3A_687 : i32 to index
        %get3A_690 = arith.constant 16 : index
        %get3A_691 = tpu.vector_load %arg31[%get3A_688, %get3A_689, %get3A_690] {strides = array<i32>} : memref<32x2x128xf32, #tpu.memory_space<vmem>>, vector<16xf32>,
        %mul3A_692 = arith.mulf %gather3A_380, %get3A_691 : vector<16xf32>
        %add3A_693 = arith.addf %add3A_686, %mul3A_692 : vector<16xf32>
        %swap3A_694 = arith.constant 1 : i32
        %swap3A_695 = arith.index_cast %add3A_377 : i32 to index
        %swap3A_696 = arith.index_cast %swap3A_694 : i32 to index
        %swap3A_697 = arith.constant 16 : index
        %swap3A_698 = tpu.vector_load %arg36[%swap3A_695, %swap3A_696, %swap3A_697] {strides = array<i32>} : memref<32x2x128xf32, #tpu.memory_space<vmem>>, vector<16xf32>,
        tpu.vector_store %arg36[%swap3A_695, %swap3A_696, %swap3A_697], %add3A_693 {strides = array<i32>} : memref<32x2x128xf32, #tpu.memory_space<vmem>>, vector<16xf32>,
        %get3A_699 = arith.constant 1 : i32
        %get3A_700 = arith.index_cast %add3A_377 : i32 to index
        %get3A_701 = arith.index_cast %get3A_699 : i32 to index
        %get3A_702 = arith.constant 32 : index
        %get3A_703 = tpu.vector_load %arg28[%get3A_700, %get3A_701, %get3A_702] {strides = array<i32>} : memref<32x2x128xf32, #tpu.memory_space<vmem>>, vector<16xf32>,
        %mul3A_704 = arith.mulf %gather3A, %get3A_703 : vector<16xf32>
        %get3A_705 = arith.constant 1 : i32
        %get3A_706 = arith.index_cast %add3A_377 : i32 to index
        %get3A_707 = arith.index_cast %get3A_705 : i32 to index
        %get3A_708 = arith.constant 32 : index
        %get3A_709 = tpu.vector_load %arg29[%get3A_706, %get3A_707, %get3A_708] {strides = array<i32>} : memref<32x2x128xf32, #tpu.memory_space<vmem>>, vector<16xf32>,
        %mul3A_710 = arith.mulf %gather3A_378, %get3A_709 : vector<16xf32>
        %add3A_711 = arith.addf %mul3A_704, %mul3A_710 : vector<16xf32>
        %get3A_712 = arith.constant 1 : i32
        %get3A_713 = arith.index_cast %add3A_377 : i32 to index
        %get3A_714 = arith.index_cast %get3A_712 : i32 to index
        %get3A_715 = arith.constant 32 : index
        %get3A_716 = tpu.vector_load %arg30[%get3A_713, %get3A_714, %get3A_715] {strides = array<i32>} : memref<32x2x128xf32, #tpu.memory_space<vmem>>, vector<16xf32>,
        %mul3A_717 = arith.mulf %gather3A_379, %get3A_716 : vector<16xf32>
        %add3A_718 = arith.addf %add3A_711, %mul3A_717 : vector<16xf32>
        %get3A_719 = arith.constant 1 : i32
        %get3A_720 = arith.index_cast %add3A_377 : i32 to index
        %get3A_721 = arith.index_cast %get3A_719 : i32 to index
        %get3A_722 = arith.constant 32 : index
        %get3A_723 = tpu.vector_load %arg31[%get3A_720, %get3A_721, %get3A_722] {strides = array<i32>} : memref<32x2x128xf32, #tpu.memory_space<vmem>>, vector<16xf32>,
        %mul3A_724 = arith.mulf %gather3A_380, %get3A_723 : vector<16xf32>
        %add3A_725 = arith.addf %add3A_718, %mul3A_724 : vector<16xf32>
        %swap3A_726 = arith.constant 1 : i32
        %swap3A_727 = arith.index_cast %add3A_377 : i32 to index
        %swap3A_728 = arith.index_cast %swap3A_726 : i32 to index
        %swap3A_729 = arith.constant 32 : index
        %swap3A_730 = tpu.vector_load %arg36[%swap3A_727, %swap3A_728, %swap3A_729] {strides = array<i32>} : memref<32x2x128xf32, #tpu.memory_space<vmem>>, vector<16xf32>,
        tpu.vector_store %arg36[%swap3A_727, %swap3A_728, %swap3A_729], %add3A_725 {strides = array<i32>} : memref<32x2x128xf32, #tpu.memory_space<vmem>>, vector<16xf32>,
        %get3A_731 = arith.constant 1 : i32
        %get3A_732 = arith.index_cast %add3A_377 : i32 to index
        %get3A_733 = arith.index_cast %get3A_731 : i32 to index
        %get3A_734 = arith.constant 48 : index
        %get3A_735 = tpu.vector_load %arg28[%get3A_732, %get3A_733, %get3A_734] {strides = array<i32>} : memref<32x2x128xf32, #tpu.memory_space<vmem>>, vector<16xf32>,
        %mul3A_736 = arith.mulf %gather3A, %get3A_735 : vector<16xf32>
        %get3A_737 = arith.constant 1 : i32
        %get3A_738 = arith.index_cast %add3A_377 : i32 to index
        %get3A_739 = arith.index_cast %get3A_737 : i32 to index
        %get3A_740 = arith.constant 48 : index
        %get3A_741 = tpu.vector_load %arg29[%get3A_738, %get3A_739, %get3A_740] {strides = array<i32>} : memref<32x2x128xf32, #tpu.memory_space<vmem>>, vector<16xf32>,
        %mul3A_742 = arith.mulf %gather3A_378, %get3A_741 : vector<16xf32>
        %add3A_743 = arith.addf %mul3A_736, %mul3A_742 : vector<16xf32>
        %get3A_744 = arith.constant 1 : i32
        %get3A_745 = arith.index_cast %add3A_377 : i32 to index
        %get3A_746 = arith.index_cast %get3A_744 : i32 to index
        %get3A_747 = arith.constant 48 : index
        %get3A_748 = tpu.vector_load %arg30[%get3A_745, %get3A_746, %get3A_747] {strides = array<i32>} : memref<32x2x128xf32, #tpu.memory_space<vmem>>, vector<16xf32>,
        %mul3A_749 = arith.mulf %gather3A_379, %get3A_748 : vector<16xf32>
        %add3A_750 = arith.addf %add3A_743, %mul3A_749 : vector<16xf32>
        %get3A_751 = arith.constant 1 : i32
        %get3A_752 = arith.index_cast %add3A_377 : i32 to index
        %get3A_753 = arith.index_cast %get3A_751 : i32 to index
        %get3A_754 = arith.constant 48 : index
        %get3A_755 = tpu.vector_load %arg31[%get3A_752, %get3A_753, %get3A_754] {strides = array<i32>} : memref<32x2x128xf32, #tpu.memory_space<vmem>>, vector<16xf32>,
        %mul3A_756 = arith.mulf %gather3A_380, %get3A_755 : vector<16xf32>
        %add3A_757 = arith.addf %add3A_750, %mul3A_756 : vector<16xf32>
        %swap3A_758 = arith.constant 1 : i32
        %swap3A_759 = arith.index_cast %add3A_377 : i32 to index
        %swap3A_760 = arith.index_cast %swap3A_758 : i32 to index
        %swap3A_761 = arith.constant 48 : index
        %swap3A_762 = tpu.vector_load %arg36[%swap3A_759, %swap3A_760, %swap3A_761] {strides = array<i32>} : memref<32x2x128xf32, #tpu.memory_space<vmem>>, vector<16xf32>,
        tpu.vector_store %arg36[%swap3A_759, %swap3A_760, %swap3A_761], %add3A_757 {strides = array<i32>} : memref<32x2x128xf32, #tpu.memory_space<vmem>>, vector<16xf32>,
      }
      %scan3A_235 = arith.constant 32 : i32
      %mul3A_236 = arith.constant 32 : i32
      %mul3A_237 = arith.muli %mul3A_164, %mul3A_236 : i32
      %add3A_238 = arith.addi %mul3A_2, %mul3A_237 : i32
      %dma_start3A_239 = arith.constant 0 : i32
      %dma_start3A_240 = arith.constant 0 : i32
      %dma_start3A_241 = tpu.memref_slice %arg11[%add3A_238, %dma_start3A_239, %dma_start3A_240] : memref<200704x2x128xf32, #tpu.memory_space<hbm>> -> memref<32x2x128xf32, #tpu.memory_space<hbm>>
      %dma_start3A_242 = arith.constant 0 : i32
      %dma_start3A_243 = arith.constant 0 : i32
      %dma_start3A_244 = tpu.memref_slice %arg11[%add3A_238, %dma_start3A_242, %dma_start3A_243] : memref<200704x2x128xf32, #tpu.memory_space<hbm>> -> memref<32x2x128xf32, #tpu.memory_space<hbm>>
      tpu.enqueue_dma source(%arg36 : memref<32x2x128xf32, #tpu.memory_space<vmem>>) target(%dma_start3A_244 : memref<32x2x128xf32, #tpu.memory_space<hbm>>) target_semaphore(%arg42 : memref<!tpu.dma_semaphore, #tpu.memory_space<semaphore_mem>>)
      %add3A_245 = arith.constant 2 : i32
      %add3A_246 = arith.addi %mul3A_164, %add3A_245 : i32
      %min3A = arith.minsi %add3A_246, %scan3A : i32
      %mul3A_247 = arith.constant 32 : i32
      %mul3A_248 = arith.muli %min3A, %mul3A_247 : i32
      %add3A_249 = arith.addi %mul3A_2, %mul3A_248 : i32
      %dma_start3A_250 = tpu.memref_slice %arg3[%add3A_249] : memref<200704xi32, #tpu.memory_space<hbm>> -> memref<32xi32, #tpu.memory_space<hbm>>
      %dma_start3A_251 = tpu.memref_slice %arg3[%add3A_249] : memref<200704xi32, #tpu.memory_space<hbm>> -> memref<32xi32, #tpu.memory_space<hbm>>
      tpu.enqueue_dma source(%dma_start3A_251 : memref<32xi32, #tpu.memory_space<hbm>>) target(%arg12 : memref<32xi32, #tpu.memory_space<vmem>>) target_semaphore(%arg38 : memref<!tpu.dma_semaphore, #tpu.memory_space<semaphore_mem>>)
      %dma_start3A_252 = tpu.memref_slice %arg4[%add3A_249] : memref<200704xi32, #tpu.memory_space<hbm>> -> memref<32xi32, #tpu.memory_space<hbm>>
      %dma_start3A_253 = tpu.memref_slice %arg4[%add3A_249] : memref<200704xi32, #tpu.memory_space<hbm>> -> memref<32xi32, #tpu.memory_space<hbm>>
      tpu.enqueue_dma source(%dma_start3A_253 : memref<32xi32, #tpu.memory_space<hbm>>) target(%arg13 : memref<32xi32, #tpu.memory_space<vmem>>) target_semaphore(%arg38 : memref<!tpu.dma_semaphore, #tpu.memory_space<semaphore_mem>>)
      %dma_start3A_254 = tpu.memref_slice %arg5[%add3A_249] : memref<200704xi32, #tpu.memory_space<hbm>> -> memref<32xi32, #tpu.memory_space<hbm>>
      %dma_start3A_255 = tpu.memref_slice %arg5[%add3A_249] : memref<200704xi32, #tpu.memory_space<hbm>> -> memref<32xi32, #tpu.memory_space<hbm>>
      tpu.enqueue_dma source(%dma_start3A_255 : memref<32xi32, #tpu.memory_space<hbm>>) target(%arg14 : memref<32xi32, #tpu.memory_space<vmem>>) target_semaphore(%arg38 : memref<!tpu.dma_semaphore, #tpu.memory_space<semaphore_mem>>)
      %dma_start3A_256 = tpu.memref_slice %arg6[%add3A_249] : memref<200704xi32, #tpu.memory_space<hbm>> -> memref<32xi32, #tpu.memory_space<hbm>>
      %dma_start3A_257 = tpu.memref_slice %arg6[%add3A_249] : memref<200704xi32, #tpu.memory_space<hbm>> -> memref<32xi32, #tpu.memory_space<hbm>>
      tpu.enqueue_dma source(%dma_start3A_257 : memref<32xi32, #tpu.memory_space<hbm>>) target(%arg15 : memref<32xi32, #tpu.memory_space<vmem>>) target_semaphore(%arg38 : memref<!tpu.dma_semaphore, #tpu.memory_space<semaphore_mem>>)
      %dma_start3A_258 = tpu.memref_slice %arg7[%add3A_249] : memref<200704xf32, #tpu.memory_space<hbm>> -> memref<32xf32, #tpu.memory_space<hbm>>
      %dma_start3A_259 = tpu.memref_slice %arg7[%add3A_249] : memref<200704xf32, #tpu.memory_space<hbm>> -> memref<32xf32, #tpu.memory_space<hbm>>
      tpu.enqueue_dma source(%dma_start3A_259 : memref<32xf32, #tpu.memory_space<hbm>>) target(%arg16 : memref<32xf32, #tpu.memory_space<vmem>>) target_semaphore(%arg38 : memref<!tpu.dma_semaphore, #tpu.memory_space<semaphore_mem>>)
      %dma_start3A_260 = tpu.memref_slice %arg8[%add3A_249] : memref<200704xf32, #tpu.memory_space<hbm>> -> memref<32xf32, #tpu.memory_space<hbm>>
      %dma_start3A_261 = tpu.memref_slice %arg8[%add3A_249] : memref<200704xf32, #tpu.memory_space<hbm>> -> memref<32xf32, #tpu.memory_space<hbm>>
      tpu.enqueue_dma source(%dma_start3A_261 : memref<32xf32, #tpu.memory_space<hbm>>) target(%arg17 : memref<32xf32, #tpu.memory_space<vmem>>) target_semaphore(%arg38 : memref<!tpu.dma_semaphore, #tpu.memory_space<semaphore_mem>>)
      %dma_start3A_262 = tpu.memref_slice %arg9[%add3A_249] : memref<200704xf32, #tpu.memory_space<hbm>> -> memref<32xf32, #tpu.memory_space<hbm>>
      %dma_start3A_263 = tpu.memref_slice %arg9[%add3A_249] : memref<200704xf32, #tpu.memory_space<hbm>> -> memref<32xf32, #tpu.memory_space<hbm>>
      tpu.enqueue_dma source(%dma_start3A_263 : memref<32xf32, #tpu.memory_space<hbm>>) target(%arg18 : memref<32xf32, #tpu.memory_space<vmem>>) target_semaphore(%arg38 : memref<!tpu.dma_semaphore, #tpu.memory_space<semaphore_mem>>)
      %dma_start3A_264 = tpu.memref_slice %arg10[%add3A_249] : memref<200704xf32, #tpu.memory_space<hbm>> -> memref<32xf32, #tpu.memory_space<hbm>>
      %dma_start3A_265 = tpu.memref_slice %arg10[%add3A_249] : memref<200704xf32, #tpu.memory_space<hbm>> -> memref<32xf32, #tpu.memory_space<hbm>>
      tpu.enqueue_dma source(%dma_start3A_265 : memref<32xf32, #tpu.memory_space<hbm>>) target(%arg19 : memref<32xf32, #tpu.memory_space<vmem>>) target_semaphore(%arg38 : memref<!tpu.dma_semaphore, #tpu.memory_space<semaphore_mem>>)
      %dma_wait3A_266 = arith.constant 0 : i32
      %dma_wait3A_267 = arith.constant 0 : i32
      %dma_wait3A_268 = arith.constant 0 : i32
      %dma_wait3A_269 = tpu.memref_slice %arg2[%dma_wait3A_266, %dma_wait3A_267, %dma_wait3A_268] : memref<200704x2x128xf32, #tpu.memory_space<hbm>> -> memref<200704x2x128xf32, #tpu.memory_space<hbm>>
      tpu.wait_indirect_dma semaphore(%arg41 : memref<!tpu.dma_semaphore, #tpu.memory_space<semaphore_mem>>) src(%dma_wait3A_269 : memref<200704x2x128xf32, #tpu.memory_space<hbm>>) dst(%arg32 : memref<32x2x128xf32, #tpu.memory_space<vmem>>)
      %dma_wait3A_270 = arith.constant 0 : i32
      %dma_wait3A_271 = arith.constant 0 : i32
      %dma_wait3A_272 = arith.constant 0 : i32
      %dma_wait3A_273 = tpu.memref_slice %arg2[%dma_wait3A_270, %dma_wait3A_271, %dma_wait3A_272] : memref<200704x2x128xf32, #tpu.memory_space<hbm>> -> memref<200704x2x128xf32, #tpu.memory_space<hbm>>
      tpu.wait_indirect_dma semaphore(%arg41 : memref<!tpu.dma_semaphore, #tpu.memory_space<semaphore_mem>>) src(%dma_wait3A_273 : memref<200704x2x128xf32, #tpu.memory_space<hbm>>) dst(%arg33 : memref<32x2x128xf32, #tpu.memory_space<vmem>>)
      %dma_wait3A_274 = arith.constant 0 : i32
      %dma_wait3A_275 = arith.constant 0 : i32
      %dma_wait3A_276 = arith.constant 0 : i32
      %dma_wait3A_277 = tpu.memref_slice %arg2[%dma_wait3A_274, %dma_wait3A_275, %dma_wait3A_276] : memref<200704x2x128xf32, #tpu.memory_space<hbm>> -> memref<200704x2x128xf32, #tpu.memory_space<hbm>>
      tpu.wait_indirect_dma semaphore(%arg41 : memref<!tpu.dma_semaphore, #tpu.memory_space<semaphore_mem>>) src(%dma_wait3A_277 : memref<200704x2x128xf32, #tpu.memory_space<hbm>>) dst(%arg34 : memref<32x2x128xf32, #tpu.memory_space<vmem>>)
      %dma_wait3A_278 = arith.constant 0 : i32
      %dma_wait3A_279 = arith.constant 0 : i32
      %dma_wait3A_280 = arith.constant 0 : i32
      %dma_wait3A_281 = tpu.memref_slice %arg2[%dma_wait3A_278, %dma_wait3A_279, %dma_wait3A_280] : memref<200704x2x128xf32, #tpu.memory_space<hbm>> -> memref<200704x2x128xf32, #tpu.memory_space<hbm>>
      tpu.wait_indirect_dma semaphore(%arg41 : memref<!tpu.dma_semaphore, #tpu.memory_space<semaphore_mem>>) src(%dma_wait3A_281 : memref<200704x2x128xf32, #tpu.memory_space<hbm>>) dst(%arg35 : memref<32x2x128xf32, #tpu.memory_space<vmem>>)
      %dma_wait3A_282 = arith.constant 0 : i32
      %dma_wait3A_283 = tpu.memref_slice %arg3[%dma_wait3A_282] : memref<200704xi32, #tpu.memory_space<hbm>> -> memref<32xi32, #tpu.memory_space<hbm>>
      %dma_wait3A_284 = arith.constant 0 : i32
      %dma_wait3A_285 = tpu.memref_slice %arg3[%dma_wait3A_284] : memref<200704xi32, #tpu.memory_space<hbm>> -> memref<32xi32, #tpu.memory_space<hbm>>
      tpu.wait_dma2 semaphore(%arg38 : memref<!tpu.dma_semaphore, #tpu.memory_space<semaphore_mem>>) src(%dma_wait3A_285 : memref<32xi32, #tpu.memory_space<hbm>>) dst(%arg12 : memref<32xi32, #tpu.memory_space<vmem>>)
      %dma_wait3A_286 = arith.constant 0 : i32
      %dma_wait3A_287 = tpu.memref_slice %arg4[%dma_wait3A_286] : memref<200704xi32, #tpu.memory_space<hbm>> -> memref<32xi32, #tpu.memory_space<hbm>>
      %dma_wait3A_288 = arith.constant 0 : i32
      %dma_wait3A_289 = tpu.memref_slice %arg4[%dma_wait3A_288] : memref<200704xi32, #tpu.memory_space<hbm>> -> memref<32xi32, #tpu.memory_space<hbm>>
      tpu.wait_dma2 semaphore(%arg38 : memref<!tpu.dma_semaphore, #tpu.memory_space<semaphore_mem>>) src(%dma_wait3A_289 : memref<32xi32, #tpu.memory_space<hbm>>) dst(%arg13 : memref<32xi32, #tpu.memory_space<vmem>>)
      %dma_wait3A_290 = arith.constant 0 : i32
      %dma_wait3A_291 = tpu.memref_slice %arg5[%dma_wait3A_290] : memref<200704xi32, #tpu.memory_space<hbm>> -> memref<32xi32, #tpu.memory_space<hbm>>
      %dma_wait3A_292 = arith.constant 0 : i32
      %dma_wait3A_293 = tpu.memref_slice %arg5[%dma_wait3A_292] : memref<200704xi32, #tpu.memory_space<hbm>> -> memref<32xi32, #tpu.memory_space<hbm>>
      tpu.wait_dma2 semaphore(%arg38 : memref<!tpu.dma_semaphore, #tpu.memory_space<semaphore_mem>>) src(%dma_wait3A_293 : memref<32xi32, #tpu.memory_space<hbm>>) dst(%arg14 : memref<32xi32, #tpu.memory_space<vmem>>)
      %dma_wait3A_294 = arith.constant 0 : i32
      %dma_wait3A_295 = tpu.memref_slice %arg6[%dma_wait3A_294] : memref<200704xi32, #tpu.memory_space<hbm>> -> memref<32xi32, #tpu.memory_space<hbm>>
      %dma_wait3A_296 = arith.constant 0 : i32
      %dma_wait3A_297 = tpu.memref_slice %arg6[%dma_wait3A_296] : memref<200704xi32, #tpu.memory_space<hbm>> -> memref<32xi32, #tpu.memory_space<hbm>>
      tpu.wait_dma2 semaphore(%arg38 : memref<!tpu.dma_semaphore, #tpu.memory_space<semaphore_mem>>) src(%dma_wait3A_297 : memref<32xi32, #tpu.memory_space<hbm>>) dst(%arg15 : memref<32xi32, #tpu.memory_space<vmem>>)
      %dma_wait3A_298 = arith.constant 0 : i32
      %dma_wait3A_299 = tpu.memref_slice %arg7[%dma_wait3A_298] : memref<200704xf32, #tpu.memory_space<hbm>> -> memref<32xf32, #tpu.memory_space<hbm>>
      %dma_wait3A_300 = arith.constant 0 : i32
      %dma_wait3A_301 = tpu.memref_slice %arg7[%dma_wait3A_300] : memref<200704xf32, #tpu.memory_space<hbm>> -> memref<32xf32, #tpu.memory_space<hbm>>
      tpu.wait_dma2 semaphore(%arg38 : memref<!tpu.dma_semaphore, #tpu.memory_space<semaphore_mem>>) src(%dma_wait3A_301 : memref<32xf32, #tpu.memory_space<hbm>>) dst(%arg16 : memref<32xf32, #tpu.memory_space<vmem>>)
      %dma_wait3A_302 = arith.constant 0 : i32
      %dma_wait3A_303 = tpu.memref_slice %arg8[%dma_wait3A_302] : memref<200704xf32, #tpu.memory_space<hbm>> -> memref<32xf32, #tpu.memory_space<hbm>>
      %dma_wait3A_304 = arith.constant 0 : i32
      %dma_wait3A_305 = tpu.memref_slice %arg8[%dma_wait3A_304] : memref<200704xf32, #tpu.memory_space<hbm>> -> memref<32xf32, #tpu.memory_space<hbm>>
      tpu.wait_dma2 semaphore(%arg38 : memref<!tpu.dma_semaphore, #tpu.memory_space<semaphore_mem>>) src(%dma_wait3A_305 : memref<32xf32, #tpu.memory_space<hbm>>) dst(%arg17 : memref<32xf32, #tpu.memory_space<vmem>>)
      %dma_wait3A_306 = arith.constant 0 : i32
      %dma_wait3A_307 = tpu.memref_slice %arg9[%dma_wait3A_306] : memref<200704xf32, #tpu.memory_space<hbm>> -> memref<32xf32, #tpu.memory_space<hbm>>
      %dma_wait3A_308 = arith.constant 0 : i32
      %dma_wait3A_309 = tpu.memref_slice %arg9[%dma_wait3A_308] : memref<200704xf32, #tpu.memory_space<hbm>> -> memref<32xf32, #tpu.memory_space<hbm>>
      tpu.wait_dma2 semaphore(%arg38 : memref<!tpu.dma_semaphore, #tpu.memory_space<semaphore_mem>>) src(%dma_wait3A_309 : memref<32xf32, #tpu.memory_space<hbm>>) dst(%arg18 : memref<32xf32, #tpu.memory_space<vmem>>)
      %dma_wait3A_310 = arith.constant 0 : i32
      %dma_wait3A_311 = tpu.memref_slice %arg10[%dma_wait3A_310] : memref<200704xf32, #tpu.memory_space<hbm>> -> memref<32xf32, #tpu.memory_space<hbm>>
      %dma_wait3A_312 = arith.constant 0 : i32
      %dma_wait3A_313 = tpu.memref_slice %arg10[%dma_wait3A_312] : memref<200704xf32, #tpu.memory_space<hbm>> -> memref<32xf32, #tpu.memory_space<hbm>>
      tpu.wait_dma2 semaphore(%arg38 : memref<!tpu.dma_semaphore, #tpu.memory_space<semaphore_mem>>) src(%dma_wait3A_313 : memref<32xf32, #tpu.memory_space<hbm>>) dst(%arg19 : memref<32xf32, #tpu.memory_space<vmem>>)
      %dma_start3A_314 = arith.constant 0 : i32
      %dma_start3A_315 = arith.constant 0 : i32
      %dma_start3A_316 = arith.constant 0 : i32
      %dma_start3A_317 = tpu.memref_slice %arg2[%dma_start3A_314, %dma_start3A_315, %dma_start3A_316] : memref<200704x2x128xf32, #tpu.memory_space<hbm>> -> memref<200704x2x128xf32, #tpu.memory_space<hbm>>
      tpu.enqueue_indirect_dma source(%dma_start3A_317 : memref<200704x2x128xf32, #tpu.memory_space<hbm>>) target(%arg28 : memref<32x2x128xf32, #tpu.memory_space<vmem>>) offsets(%arg12 : memref<32xi32, #tpu.memory_space<vmem>>) semaphore(%arg40 : memref<!tpu.dma_semaphore, #tpu.memory_space<semaphore_mem>>)
      %dma_start3A_318 = arith.constant 0 : i32
      %dma_start3A_319 = arith.constant 0 : i32
      %dma_start3A_320 = arith.constant 0 : i32
      %dma_start3A_321 = tpu.memref_slice %arg2[%dma_start3A_318, %dma_start3A_319, %dma_start3A_320] : memref<200704x2x128xf32, #tpu.memory_space<hbm>> -> memref<200704x2x128xf32, #tpu.memory_space<hbm>>
      tpu.enqueue_indirect_dma source(%dma_start3A_321 : memref<200704x2x128xf32, #tpu.memory_space<hbm>>) target(%arg29 : memref<32x2x128xf32, #tpu.memory_space<vmem>>) offsets(%arg13 : memref<32xi32, #tpu.memory_space<vmem>>) semaphore(%arg40 : memref<!tpu.dma_semaphore, #tpu.memory_space<semaphore_mem>>)
      %dma_start3A_322 = arith.constant 0 : i32
      %dma_start3A_323 = arith.constant 0 : i32
      %dma_start3A_324 = arith.constant 0 : i32
      %dma_start3A_325 = tpu.memref_slice %arg2[%dma_start3A_322, %dma_start3A_323, %dma_start3A_324] : memref<200704x2x128xf32, #tpu.memory_space<hbm>> -> memref<200704x2x128xf32, #tpu.memory_space<hbm>>
      tpu.enqueue_indirect_dma source(%dma_start3A_325 : memref<200704x2x128xf32, #tpu.memory_space<hbm>>) target(%arg30 : memref<32x2x128xf32, #tpu.memory_space<vmem>>) offsets(%arg14 : memref<32xi32, #tpu.memory_space<vmem>>) semaphore(%arg40 : memref<!tpu.dma_semaphore, #tpu.memory_space<semaphore_mem>>)
      %dma_start3A_326 = arith.constant 0 : i32
      %dma_start3A_327 = arith.constant 0 : i32
      %dma_start3A_328 = arith.constant 0 : i32
      %dma_start3A_329 = tpu.memref_slice %arg2[%dma_start3A_326, %dma_start3A_327, %dma_start3A_328] : memref<200704x2x128xf32, #tpu.memory_space<hbm>> -> memref<200704x2x128xf32, #tpu.memory_space<hbm>>
      tpu.enqueue_indirect_dma source(%dma_start3A_329 : memref<200704x2x128xf32, #tpu.memory_space<hbm>>) target(%arg31 : memref<32x2x128xf32, #tpu.memory_space<vmem>>) offsets(%arg15 : memref<32xi32, #tpu.memory_space<vmem>>) semaphore(%arg40 : memref<!tpu.dma_semaphore, #tpu.memory_space<semaphore_mem>>)
      %ge3A_330 = arith.constant 1 : i32
      %ge3A_331 = arith.cmpi sge, %add3A_162, %ge3A_330 : i32
      %convert_element_type3A_332 = arith.extui %ge3A_331 : i1 to i32
      %cond3A_333 = arith.constant 0 : i32
      %cond3A_334 = arith.cmpi ne, %convert_element_type3A_332, %cond3A_333 : i32
      scf.if %cond3A_334 {
        %dma_wait3A_373 = arith.constant 0 : i32
        %dma_wait3A_374 = arith.constant 0 : i32
        %dma_wait3A_375 = arith.constant 0 : i32
        %dma_wait3A_376 = tpu.memref_slice %arg11[%dma_wait3A_373, %dma_wait3A_374, %dma_wait3A_375] : memref<200704x2x128xf32, #tpu.memory_space<hbm>> -> memref<32x2x128xf32, #tpu.memory_space<hbm>>
        %dma_wait3A_377 = arith.constant 0 : i32
        %dma_wait3A_378 = arith.constant 0 : i32
        %dma_wait3A_379 = arith.constant 0 : i32
        %dma_wait3A_380 = tpu.memref_slice %arg11[%dma_wait3A_377, %dma_wait3A_378, %dma_wait3A_379] : memref<200704x2x128xf32, #tpu.memory_space<hbm>> -> memref<32x2x128xf32, #tpu.memory_space<hbm>>
        tpu.wait_dma2 semaphore(%arg43 : memref<!tpu.dma_semaphore, #tpu.memory_space<semaphore_mem>>) src(%arg37 : memref<32x2x128xf32, #tpu.memory_space<vmem>>) dst(%dma_wait3A_380 : memref<32x2x128xf32, #tpu.memory_space<hbm>>)
      } else {
      }
      %scan3A_335 = arith.constant 0 : i32
      %scan3A_336 = arith.constant 32 : i32
      %scan3A_337 = arith.addi %scan3A_335, %scan3A_336 : i32
      %scan3A_338 = arith.constant 1 : i32
      scf.for %scan3A_373 = %scan3A_335 to %scan3A_337 step %scan3A_338  : i32 {
        %mul3A_374 = arith.constant 1 : i32
        %mul3A_375 = arith.muli %scan3A_373, %mul3A_374 : i32
        %add3A_376 = arith.constant 0 : i32
        %add3A_377 = arith.addi %add3A_376, %mul3A_375 : i32
        %broadcast_in_dim3A = vector.broadcast %add3A_377 : i32 to vector<16xi32>
        %gather3A = tpu.vector_load_idx %arg24[%broadcast_in_dim3A] : memref<32xf32, #tpu.memory_space<vmem>>[vector<16xi32>], vector<16xf32>,
        %gather3A_378 = tpu.vector_load_idx %arg25[%broadcast_in_dim3A] : memref<32xf32, #tpu.memory_space<vmem>>[vector<16xi32>], vector<16xf32>,
        %gather3A_379 = tpu.vector_load_idx %arg26[%broadcast_in_dim3A] : memref<32xf32, #tpu.memory_space<vmem>>[vector<16xi32>], vector<16xf32>,
        %gather3A_380 = tpu.vector_load_idx %arg27[%broadcast_in_dim3A] : memref<32xf32, #tpu.memory_space<vmem>>[vector<16xi32>], vector<16xf32>,
        %get3A = arith.constant 0 : i32
        %get3A_381 = arith.index_cast %add3A_377 : i32 to index
        %get3A_382 = arith.index_cast %get3A : i32 to index
        %get3A_383 = arith.constant 0 : index
        %get3A_384 = tpu.vector_load %arg32[%get3A_381, %get3A_382, %get3A_383] {strides = array<i32>} : memref<32x2x128xf32, #tpu.memory_space<vmem>>, vector<16xf32>,
        %mul3A_385 = arith.mulf %gather3A, %get3A_384 : vector<16xf32>
        %get3A_386 = arith.constant 0 : i32
        %get3A_387 = arith.index_cast %add3A_377 : i32 to index
        %get3A_388 = arith.index_cast %get3A_386 : i32 to index
        %get3A_389 = arith.constant 0 : index
        %get3A_390 = tpu.vector_load %arg33[%get3A_387, %get3A_388, %get3A_389] {strides = array<i32>} : memref<32x2x128xf32, #tpu.memory_space<vmem>>, vector<16xf32>,
        %mul3A_391 = arith.mulf %gather3A_378, %get3A_390 : vector<16xf32>
        %add3A_392 = arith.addf %mul3A_385, %mul3A_391 : vector<16xf32>
        %get3A_393 = arith.constant 0 : i32
        %get3A_394 = arith.index_cast %add3A_377 : i32 to index
        %get3A_395 = arith.index_cast %get3A_393 : i32 to index
        %get3A_396 = arith.constant 0 : index
        %get3A_397 = tpu.vector_load %arg34[%get3A_394, %get3A_395, %get3A_396] {strides = array<i32>} : memref<32x2x128xf32, #tpu.memory_space<vmem>>, vector<16xf32>,
        %mul3A_398 = arith.mulf %gather3A_379, %get3A_397 : vector<16xf32>
        %add3A_399 = arith.addf %add3A_392, %mul3A_398 : vector<16xf32>
        %get3A_400 = arith.constant 0 : i32
        %get3A_401 = arith.index_cast %add3A_377 : i32 to index
        %get3A_402 = arith.index_cast %get3A_400 : i32 to index
        %get3A_403 = arith.constant 0 : index
        %get3A_404 = tpu.vector_load %arg35[%get3A_401, %get3A_402, %get3A_403] {strides = array<i32>} : memref<32x2x128xf32, #tpu.memory_space<vmem>>, vector<16xf32>,
        %mul3A_405 = arith.mulf %gather3A_380, %get3A_404 : vector<16xf32>
        %add3A_406 = arith.addf %add3A_399, %mul3A_405 : vector<16xf32>
        %swap3A = arith.constant 0 : i32
        %swap3A_407 = arith.index_cast %add3A_377 : i32 to index
        %swap3A_408 = arith.index_cast %swap3A : i32 to index
        %swap3A_409 = arith.constant 0 : index
        %swap3A_410 = tpu.vector_load %arg37[%swap3A_407, %swap3A_408, %swap3A_409] {strides = array<i32>} : memref<32x2x128xf32, #tpu.memory_space<vmem>>, vector<16xf32>,
        tpu.vector_store %arg37[%swap3A_407, %swap3A_408, %swap3A_409], %add3A_406 {strides = array<i32>} : memref<32x2x128xf32, #tpu.memory_space<vmem>>, vector<16xf32>,
        %get3A_411 = arith.constant 0 : i32
        %get3A_412 = arith.index_cast %add3A_377 : i32 to index
        %get3A_413 = arith.index_cast %get3A_411 : i32 to index
        %get3A_414 = arith.constant 16 : index
        %get3A_415 = tpu.vector_load %arg32[%get3A_412, %get3A_413, %get3A_414] {strides = array<i32>} : memref<32x2x128xf32, #tpu.memory_space<vmem>>, vector<16xf32>,
        %mul3A_416 = arith.mulf %gather3A, %get3A_415 : vector<16xf32>
        %get3A_417 = arith.constant 0 : i32
        %get3A_418 = arith.index_cast %add3A_377 : i32 to index
        %get3A_419 = arith.index_cast %get3A_417 : i32 to index
        %get3A_420 = arith.constant 16 : index
        %get3A_421 = tpu.vector_load %arg33[%get3A_418, %get3A_419, %get3A_420] {strides = array<i32>} : memref<32x2x128xf32, #tpu.memory_space<vmem>>, vector<16xf32>,
        %mul3A_422 = arith.mulf %gather3A_378, %get3A_421 : vector<16xf32>
        %add3A_423 = arith.addf %mul3A_416, %mul3A_422 : vector<16xf32>
        %get3A_424 = arith.constant 0 : i32
        %get3A_425 = arith.index_cast %add3A_377 : i32 to index
        %get3A_426 = arith.index_cast %get3A_424 : i32 to index
        %get3A_427 = arith.constant 16 : index
        %get3A_428 = tpu.vector_load %arg34[%get3A_425, %get3A_426, %get3A_427] {strides = array<i32>} : memref<32x2x128xf32, #tpu.memory_space<vmem>>, vector<16xf32>,
        %mul3A_429 = arith.mulf %gather3A_379, %get3A_428 : vector<16xf32>
        %add3A_430 = arith.addf %add3A_423, %mul3A_429 : vector<16xf32>
        %get3A_431 = arith.constant 0 : i32
        %get3A_432 = arith.index_cast %add3A_377 : i32 to index
        %get3A_433 = arith.index_cast %get3A_431 : i32 to index
        %get3A_434 = arith.constant 16 : index
        %get3A_435 = tpu.vector_load %arg35[%get3A_432, %get3A_433, %get3A_434] {strides = array<i32>} : memref<32x2x128xf32, #tpu.memory_space<vmem>>, vector<16xf32>,
        %mul3A_436 = arith.mulf %gather3A_380, %get3A_435 : vector<16xf32>
        %add3A_437 = arith.addf %add3A_430, %mul3A_436 : vector<16xf32>
        %swap3A_438 = arith.constant 0 : i32
        %swap3A_439 = arith.index_cast %add3A_377 : i32 to index
        %swap3A_440 = arith.index_cast %swap3A_438 : i32 to index
        %swap3A_441 = arith.constant 16 : index
        %swap3A_442 = tpu.vector_load %arg37[%swap3A_439, %swap3A_440, %swap3A_441] {strides = array<i32>} : memref<32x2x128xf32, #tpu.memory_space<vmem>>, vector<16xf32>,
        tpu.vector_store %arg37[%swap3A_439, %swap3A_440, %swap3A_441], %add3A_437 {strides = array<i32>} : memref<32x2x128xf32, #tpu.memory_space<vmem>>, vector<16xf32>,
        %get3A_443 = arith.constant 0 : i32
        %get3A_444 = arith.index_cast %add3A_377 : i32 to index
        %get3A_445 = arith.index_cast %get3A_443 : i32 to index
        %get3A_446 = arith.constant 32 : index
        %get3A_447 = tpu.vector_load %arg32[%get3A_444, %get3A_445, %get3A_446] {strides = array<i32>} : memref<32x2x128xf32, #tpu.memory_space<vmem>>, vector<16xf32>,
        %mul3A_448 = arith.mulf %gather3A, %get3A_447 : vector<16xf32>
        %get3A_449 = arith.constant 0 : i32
        %get3A_450 = arith.index_cast %add3A_377 : i32 to index
        %get3A_451 = arith.index_cast %get3A_449 : i32 to index
        %get3A_452 = arith.constant 32 : index
        %get3A_453 = tpu.vector_load %arg33[%get3A_450, %get3A_451, %get3A_452] {strides = array<i32>} : memref<32x2x128xf32, #tpu.memory_space<vmem>>, vector<16xf32>,
        %mul3A_454 = arith.mulf %gather3A_378, %get3A_453 : vector<16xf32>
        %add3A_455 = arith.addf %mul3A_448, %mul3A_454 : vector<16xf32>
        %get3A_456 = arith.constant 0 : i32
        %get3A_457 = arith.index_cast %add3A_377 : i32 to index
        %get3A_458 = arith.index_cast %get3A_456 : i32 to index
        %get3A_459 = arith.constant 32 : index
        %get3A_460 = tpu.vector_load %arg34[%get3A_457, %get3A_458, %get3A_459] {strides = array<i32>} : memref<32x2x128xf32, #tpu.memory_space<vmem>>, vector<16xf32>,
        %mul3A_461 = arith.mulf %gather3A_379, %get3A_460 : vector<16xf32>
        %add3A_462 = arith.addf %add3A_455, %mul3A_461 : vector<16xf32>
        %get3A_463 = arith.constant 0 : i32
        %get3A_464 = arith.index_cast %add3A_377 : i32 to index
        %get3A_465 = arith.index_cast %get3A_463 : i32 to index
        %get3A_466 = arith.constant 32 : index
        %get3A_467 = tpu.vector_load %arg35[%get3A_464, %get3A_465, %get3A_466] {strides = array<i32>} : memref<32x2x128xf32, #tpu.memory_space<vmem>>, vector<16xf32>,
        %mul3A_468 = arith.mulf %gather3A_380, %get3A_467 : vector<16xf32>
        %add3A_469 = arith.addf %add3A_462, %mul3A_468 : vector<16xf32>
        %swap3A_470 = arith.constant 0 : i32
        %swap3A_471 = arith.index_cast %add3A_377 : i32 to index
        %swap3A_472 = arith.index_cast %swap3A_470 : i32 to index
        %swap3A_473 = arith.constant 32 : index
        %swap3A_474 = tpu.vector_load %arg37[%swap3A_471, %swap3A_472, %swap3A_473] {strides = array<i32>} : memref<32x2x128xf32, #tpu.memory_space<vmem>>, vector<16xf32>,
        tpu.vector_store %arg37[%swap3A_471, %swap3A_472, %swap3A_473], %add3A_469 {strides = array<i32>} : memref<32x2x128xf32, #tpu.memory_space<vmem>>, vector<16xf32>,
        %get3A_475 = arith.constant 0 : i32
        %get3A_476 = arith.index_cast %add3A_377 : i32 to index
        %get3A_477 = arith.index_cast %get3A_475 : i32 to index
        %get3A_478 = arith.constant 48 : index
        %get3A_479 = tpu.vector_load %arg32[%get3A_476, %get3A_477, %get3A_478] {strides = array<i32>} : memref<32x2x128xf32, #tpu.memory_space<vmem>>, vector<16xf32>,
        %mul3A_480 = arith.mulf %gather3A, %get3A_479 : vector<16xf32>
        %get3A_481 = arith.constant 0 : i32
        %get3A_482 = arith.index_cast %add3A_377 : i32 to index
        %get3A_483 = arith.index_cast %get3A_481 : i32 to index
        %get3A_484 = arith.constant 48 : index
        %get3A_485 = tpu.vector_load %arg33[%get3A_482, %get3A_483, %get3A_484] {strides = array<i32>} : memref<32x2x128xf32, #tpu.memory_space<vmem>>, vector<16xf32>,
        %mul3A_486 = arith.mulf %gather3A_378, %get3A_485 : vector<16xf32>
        %add3A_487 = arith.addf %mul3A_480, %mul3A_486 : vector<16xf32>
        %get3A_488 = arith.constant 0 : i32
        %get3A_489 = arith.index_cast %add3A_377 : i32 to index
        %get3A_490 = arith.index_cast %get3A_488 : i32 to index
        %get3A_491 = arith.constant 48 : index
        %get3A_492 = tpu.vector_load %arg34[%get3A_489, %get3A_490, %get3A_491] {strides = array<i32>} : memref<32x2x128xf32, #tpu.memory_space<vmem>>, vector<16xf32>,
        %mul3A_493 = arith.mulf %gather3A_379, %get3A_492 : vector<16xf32>
        %add3A_494 = arith.addf %add3A_487, %mul3A_493 : vector<16xf32>
        %get3A_495 = arith.constant 0 : i32
        %get3A_496 = arith.index_cast %add3A_377 : i32 to index
        %get3A_497 = arith.index_cast %get3A_495 : i32 to index
        %get3A_498 = arith.constant 48 : index
        %get3A_499 = tpu.vector_load %arg35[%get3A_496, %get3A_497, %get3A_498] {strides = array<i32>} : memref<32x2x128xf32, #tpu.memory_space<vmem>>, vector<16xf32>,
        %mul3A_500 = arith.mulf %gather3A_380, %get3A_499 : vector<16xf32>
        %add3A_501 = arith.addf %add3A_494, %mul3A_500 : vector<16xf32>
        %swap3A_502 = arith.constant 0 : i32
        %swap3A_503 = arith.index_cast %add3A_377 : i32 to index
        %swap3A_504 = arith.index_cast %swap3A_502 : i32 to index
        %swap3A_505 = arith.constant 48 : index
        %swap3A_506 = tpu.vector_load %arg37[%swap3A_503, %swap3A_504, %swap3A_505] {strides = array<i32>} : memref<32x2x128xf32, #tpu.memory_space<vmem>>, vector<16xf32>,
        tpu.vector_store %arg37[%swap3A_503, %swap3A_504, %swap3A_505], %add3A_501 {strides = array<i32>} : memref<32x2x128xf32, #tpu.memory_space<vmem>>, vector<16xf32>,
        %get3A_507 = arith.constant 0 : i32
        %get3A_508 = arith.index_cast %add3A_377 : i32 to index
        %get3A_509 = arith.index_cast %get3A_507 : i32 to index
        %get3A_510 = arith.constant 64 : index
        %get3A_511 = tpu.vector_load %arg32[%get3A_508, %get3A_509, %get3A_510] {strides = array<i32>} : memref<32x2x128xf32, #tpu.memory_space<vmem>>, vector<16xf32>,
        %mul3A_512 = arith.mulf %gather3A, %get3A_511 : vector<16xf32>
        %get3A_513 = arith.constant 0 : i32
        %get3A_514 = arith.index_cast %add3A_377 : i32 to index
        %get3A_515 = arith.index_cast %get3A_513 : i32 to index
        %get3A_516 = arith.constant 64 : index
        %get3A_517 = tpu.vector_load %arg33[%get3A_514, %get3A_515, %get3A_516] {strides = array<i32>} : memref<32x2x128xf32, #tpu.memory_space<vmem>>, vector<16xf32>,
        %mul3A_518 = arith.mulf %gather3A_378, %get3A_517 : vector<16xf32>
        %add3A_519 = arith.addf %mul3A_512, %mul3A_518 : vector<16xf32>
        %get3A_520 = arith.constant 0 : i32
        %get3A_521 = arith.index_cast %add3A_377 : i32 to index
        %get3A_522 = arith.index_cast %get3A_520 : i32 to index
        %get3A_523 = arith.constant 64 : index
        %get3A_524 = tpu.vector_load %arg34[%get3A_521, %get3A_522, %get3A_523] {strides = array<i32>} : memref<32x2x128xf32, #tpu.memory_space<vmem>>, vector<16xf32>,
        %mul3A_525 = arith.mulf %gather3A_379, %get3A_524 : vector<16xf32>
        %add3A_526 = arith.addf %add3A_519, %mul3A_525 : vector<16xf32>
        %get3A_527 = arith.constant 0 : i32
        %get3A_528 = arith.index_cast %add3A_377 : i32 to index
        %get3A_529 = arith.index_cast %get3A_527 : i32 to index
        %get3A_530 = arith.constant 64 : index
        %get3A_531 = tpu.vector_load %arg35[%get3A_528, %get3A_529, %get3A_530] {strides = array<i32>} : memref<32x2x128xf32, #tpu.memory_space<vmem>>, vector<16xf32>,
        %mul3A_532 = arith.mulf %gather3A_380, %get3A_531 : vector<16xf32>
        %add3A_533 = arith.addf %add3A_526, %mul3A_532 : vector<16xf32>
        %swap3A_534 = arith.constant 0 : i32
        %swap3A_535 = arith.index_cast %add3A_377 : i32 to index
        %swap3A_536 = arith.index_cast %swap3A_534 : i32 to index
        %swap3A_537 = arith.constant 64 : index
        %swap3A_538 = tpu.vector_load %arg37[%swap3A_535, %swap3A_536, %swap3A_537] {strides = array<i32>} : memref<32x2x128xf32, #tpu.memory_space<vmem>>, vector<16xf32>,
        tpu.vector_store %arg37[%swap3A_535, %swap3A_536, %swap3A_537], %add3A_533 {strides = array<i32>} : memref<32x2x128xf32, #tpu.memory_space<vmem>>, vector<16xf32>,
        %get3A_539 = arith.constant 0 : i32
        %get3A_540 = arith.index_cast %add3A_377 : i32 to index
        %get3A_541 = arith.index_cast %get3A_539 : i32 to index
        %get3A_542 = arith.constant 80 : index
        %get3A_543 = tpu.vector_load %arg32[%get3A_540, %get3A_541, %get3A_542] {strides = array<i32>} : memref<32x2x128xf32, #tpu.memory_space<vmem>>, vector<16xf32>,
        %mul3A_544 = arith.mulf %gather3A, %get3A_543 : vector<16xf32>
        %get3A_545 = arith.constant 0 : i32
        %get3A_546 = arith.index_cast %add3A_377 : i32 to index
        %get3A_547 = arith.index_cast %get3A_545 : i32 to index
        %get3A_548 = arith.constant 80 : index
        %get3A_549 = tpu.vector_load %arg33[%get3A_546, %get3A_547, %get3A_548] {strides = array<i32>} : memref<32x2x128xf32, #tpu.memory_space<vmem>>, vector<16xf32>,
        %mul3A_550 = arith.mulf %gather3A_378, %get3A_549 : vector<16xf32>
        %add3A_551 = arith.addf %mul3A_544, %mul3A_550 : vector<16xf32>
        %get3A_552 = arith.constant 0 : i32
        %get3A_553 = arith.index_cast %add3A_377 : i32 to index
        %get3A_554 = arith.index_cast %get3A_552 : i32 to index
        %get3A_555 = arith.constant 80 : index
        %get3A_556 = tpu.vector_load %arg34[%get3A_553, %get3A_554, %get3A_555] {strides = array<i32>} : memref<32x2x128xf32, #tpu.memory_space<vmem>>, vector<16xf32>,
        %mul3A_557 = arith.mulf %gather3A_379, %get3A_556 : vector<16xf32>
        %add3A_558 = arith.addf %add3A_551, %mul3A_557 : vector<16xf32>
        %get3A_559 = arith.constant 0 : i32
        %get3A_560 = arith.index_cast %add3A_377 : i32 to index
        %get3A_561 = arith.index_cast %get3A_559 : i32 to index
        %get3A_562 = arith.constant 80 : index
        %get3A_563 = tpu.vector_load %arg35[%get3A_560, %get3A_561, %get3A_562] {strides = array<i32>} : memref<32x2x128xf32, #tpu.memory_space<vmem>>, vector<16xf32>,
        %mul3A_564 = arith.mulf %gather3A_380, %get3A_563 : vector<16xf32>
        %add3A_565 = arith.addf %add3A_558, %mul3A_564 : vector<16xf32>
        %swap3A_566 = arith.constant 0 : i32
        %swap3A_567 = arith.index_cast %add3A_377 : i32 to index
        %swap3A_568 = arith.index_cast %swap3A_566 : i32 to index
        %swap3A_569 = arith.constant 80 : index
        %swap3A_570 = tpu.vector_load %arg37[%swap3A_567, %swap3A_568, %swap3A_569] {strides = array<i32>} : memref<32x2x128xf32, #tpu.memory_space<vmem>>, vector<16xf32>,
        tpu.vector_store %arg37[%swap3A_567, %swap3A_568, %swap3A_569], %add3A_565 {strides = array<i32>} : memref<32x2x128xf32, #tpu.memory_space<vmem>>, vector<16xf32>,
        %get3A_571 = arith.constant 0 : i32
        %get3A_572 = arith.index_cast %add3A_377 : i32 to index
        %get3A_573 = arith.index_cast %get3A_571 : i32 to index
        %get3A_574 = arith.constant 96 : index
        %get3A_575 = tpu.vector_load %arg32[%get3A_572, %get3A_573, %get3A_574] {strides = array<i32>} : memref<32x2x128xf32, #tpu.memory_space<vmem>>, vector<16xf32>,
        %mul3A_576 = arith.mulf %gather3A, %get3A_575 : vector<16xf32>
        %get3A_577 = arith.constant 0 : i32
        %get3A_578 = arith.index_cast %add3A_377 : i32 to index
        %get3A_579 = arith.index_cast %get3A_577 : i32 to index
        %get3A_580 = arith.constant 96 : index
        %get3A_581 = tpu.vector_load %arg33[%get3A_578, %get3A_579, %get3A_580] {strides = array<i32>} : memref<32x2x128xf32, #tpu.memory_space<vmem>>, vector<16xf32>,
        %mul3A_582 = arith.mulf %gather3A_378, %get3A_581 : vector<16xf32>
        %add3A_583 = arith.addf %mul3A_576, %mul3A_582 : vector<16xf32>
        %get3A_584 = arith.constant 0 : i32
        %get3A_585 = arith.index_cast %add3A_377 : i32 to index
        %get3A_586 = arith.index_cast %get3A_584 : i32 to index
        %get3A_587 = arith.constant 96 : index
        %get3A_588 = tpu.vector_load %arg34[%get3A_585, %get3A_586, %get3A_587] {strides = array<i32>} : memref<32x2x128xf32, #tpu.memory_space<vmem>>, vector<16xf32>,
        %mul3A_589 = arith.mulf %gather3A_379, %get3A_588 : vector<16xf32>
        %add3A_590 = arith.addf %add3A_583, %mul3A_589 : vector<16xf32>
        %get3A_591 = arith.constant 0 : i32
        %get3A_592 = arith.index_cast %add3A_377 : i32 to index
        %get3A_593 = arith.index_cast %get3A_591 : i32 to index
        %get3A_594 = arith.constant 96 : index
        %get3A_595 = tpu.vector_load %arg35[%get3A_592, %get3A_593, %get3A_594] {strides = array<i32>} : memref<32x2x128xf32, #tpu.memory_space<vmem>>, vector<16xf32>,
        %mul3A_596 = arith.mulf %gather3A_380, %get3A_595 : vector<16xf32>
        %add3A_597 = arith.addf %add3A_590, %mul3A_596 : vector<16xf32>
        %swap3A_598 = arith.constant 0 : i32
        %swap3A_599 = arith.index_cast %add3A_377 : i32 to index
        %swap3A_600 = arith.index_cast %swap3A_598 : i32 to index
        %swap3A_601 = arith.constant 96 : index
        %swap3A_602 = tpu.vector_load %arg37[%swap3A_599, %swap3A_600, %swap3A_601] {strides = array<i32>} : memref<32x2x128xf32, #tpu.memory_space<vmem>>, vector<16xf32>,
        tpu.vector_store %arg37[%swap3A_599, %swap3A_600, %swap3A_601], %add3A_597 {strides = array<i32>} : memref<32x2x128xf32, #tpu.memory_space<vmem>>, vector<16xf32>,
        %get3A_603 = arith.constant 0 : i32
        %get3A_604 = arith.index_cast %add3A_377 : i32 to index
        %get3A_605 = arith.index_cast %get3A_603 : i32 to index
        %get3A_606 = arith.constant 112 : index
        %get3A_607 = tpu.vector_load %arg32[%get3A_604, %get3A_605, %get3A_606] {strides = array<i32>} : memref<32x2x128xf32, #tpu.memory_space<vmem>>, vector<16xf32>,
        %mul3A_608 = arith.mulf %gather3A, %get3A_607 : vector<16xf32>
        %get3A_609 = arith.constant 0 : i32
        %get3A_610 = arith.index_cast %add3A_377 : i32 to index
        %get3A_611 = arith.index_cast %get3A_609 : i32 to index
        %get3A_612 = arith.constant 112 : index
        %get3A_613 = tpu.vector_load %arg33[%get3A_610, %get3A_611, %get3A_612] {strides = array<i32>} : memref<32x2x128xf32, #tpu.memory_space<vmem>>, vector<16xf32>,
        %mul3A_614 = arith.mulf %gather3A_378, %get3A_613 : vector<16xf32>
        %add3A_615 = arith.addf %mul3A_608, %mul3A_614 : vector<16xf32>
        %get3A_616 = arith.constant 0 : i32
        %get3A_617 = arith.index_cast %add3A_377 : i32 to index
        %get3A_618 = arith.index_cast %get3A_616 : i32 to index
        %get3A_619 = arith.constant 112 : index
        %get3A_620 = tpu.vector_load %arg34[%get3A_617, %get3A_618, %get3A_619] {strides = array<i32>} : memref<32x2x128xf32, #tpu.memory_space<vmem>>, vector<16xf32>,
        %mul3A_621 = arith.mulf %gather3A_379, %get3A_620 : vector<16xf32>
        %add3A_622 = arith.addf %add3A_615, %mul3A_621 : vector<16xf32>
        %get3A_623 = arith.constant 0 : i32
        %get3A_624 = arith.index_cast %add3A_377 : i32 to index
        %get3A_625 = arith.index_cast %get3A_623 : i32 to index
        %get3A_626 = arith.constant 112 : index
        %get3A_627 = tpu.vector_load %arg35[%get3A_624, %get3A_625, %get3A_626] {strides = array<i32>} : memref<32x2x128xf32, #tpu.memory_space<vmem>>, vector<16xf32>,
        %mul3A_628 = arith.mulf %gather3A_380, %get3A_627 : vector<16xf32>
        %add3A_629 = arith.addf %add3A_622, %mul3A_628 : vector<16xf32>
        %swap3A_630 = arith.constant 0 : i32
        %swap3A_631 = arith.index_cast %add3A_377 : i32 to index
        %swap3A_632 = arith.index_cast %swap3A_630 : i32 to index
        %swap3A_633 = arith.constant 112 : index
        %swap3A_634 = tpu.vector_load %arg37[%swap3A_631, %swap3A_632, %swap3A_633] {strides = array<i32>} : memref<32x2x128xf32, #tpu.memory_space<vmem>>, vector<16xf32>,
        tpu.vector_store %arg37[%swap3A_631, %swap3A_632, %swap3A_633], %add3A_629 {strides = array<i32>} : memref<32x2x128xf32, #tpu.memory_space<vmem>>, vector<16xf32>,
        %get3A_635 = arith.constant 1 : i32
        %get3A_636 = arith.index_cast %add3A_377 : i32 to index
        %get3A_637 = arith.index_cast %get3A_635 : i32 to index
        %get3A_638 = arith.constant 0 : index
        %get3A_639 = tpu.vector_load %arg32[%get3A_636, %get3A_637, %get3A_638] {strides = array<i32>} : memref<32x2x128xf32, #tpu.memory_space<vmem>>, vector<16xf32>,
        %mul3A_640 = arith.mulf %gather3A, %get3A_639 : vector<16xf32>
        %get3A_641 = arith.constant 1 : i32
        %get3A_642 = arith.index_cast %add3A_377 : i32 to index
        %get3A_643 = arith.index_cast %get3A_641 : i32 to index
        %get3A_644 = arith.constant 0 : index
        %get3A_645 = tpu.vector_load %arg33[%get3A_642, %get3A_643, %get3A_644] {strides = array<i32>} : memref<32x2x128xf32, #tpu.memory_space<vmem>>, vector<16xf32>,
        %mul3A_646 = arith.mulf %gather3A_378, %get3A_645 : vector<16xf32>
        %add3A_647 = arith.addf %mul3A_640, %mul3A_646 : vector<16xf32>
        %get3A_648 = arith.constant 1 : i32
        %get3A_649 = arith.index_cast %add3A_377 : i32 to index
        %get3A_650 = arith.index_cast %get3A_648 : i32 to index
        %get3A_651 = arith.constant 0 : index
        %get3A_652 = tpu.vector_load %arg34[%get3A_649, %get3A_650, %get3A_651] {strides = array<i32>} : memref<32x2x128xf32, #tpu.memory_space<vmem>>, vector<16xf32>,
        %mul3A_653 = arith.mulf %gather3A_379, %get3A_652 : vector<16xf32>
        %add3A_654 = arith.addf %add3A_647, %mul3A_653 : vector<16xf32>
        %get3A_655 = arith.constant 1 : i32
        %get3A_656 = arith.index_cast %add3A_377 : i32 to index
        %get3A_657 = arith.index_cast %get3A_655 : i32 to index
        %get3A_658 = arith.constant 0 : index
        %get3A_659 = tpu.vector_load %arg35[%get3A_656, %get3A_657, %get3A_658] {strides = array<i32>} : memref<32x2x128xf32, #tpu.memory_space<vmem>>, vector<16xf32>,
        %mul3A_660 = arith.mulf %gather3A_380, %get3A_659 : vector<16xf32>
        %add3A_661 = arith.addf %add3A_654, %mul3A_660 : vector<16xf32>
        %swap3A_662 = arith.constant 1 : i32
        %swap3A_663 = arith.index_cast %add3A_377 : i32 to index
        %swap3A_664 = arith.index_cast %swap3A_662 : i32 to index
        %swap3A_665 = arith.constant 0 : index
        %swap3A_666 = tpu.vector_load %arg37[%swap3A_663, %swap3A_664, %swap3A_665] {strides = array<i32>} : memref<32x2x128xf32, #tpu.memory_space<vmem>>, vector<16xf32>,
        tpu.vector_store %arg37[%swap3A_663, %swap3A_664, %swap3A_665], %add3A_661 {strides = array<i32>} : memref<32x2x128xf32, #tpu.memory_space<vmem>>, vector<16xf32>,
        %get3A_667 = arith.constant 1 : i32
        %get3A_668 = arith.index_cast %add3A_377 : i32 to index
        %get3A_669 = arith.index_cast %get3A_667 : i32 to index
        %get3A_670 = arith.constant 16 : index
        %get3A_671 = tpu.vector_load %arg32[%get3A_668, %get3A_669, %get3A_670] {strides = array<i32>} : memref<32x2x128xf32, #tpu.memory_space<vmem>>, vector<16xf32>,
        %mul3A_672 = arith.mulf %gather3A, %get3A_671 : vector<16xf32>
        %get3A_673 = arith.constant 1 : i32
        %get3A_674 = arith.index_cast %add3A_377 : i32 to index
        %get3A_675 = arith.index_cast %get3A_673 : i32 to index
        %get3A_676 = arith.constant 16 : index
        %get3A_677 = tpu.vector_load %arg33[%get3A_674, %get3A_675, %get3A_676] {strides = array<i32>} : memref<32x2x128xf32, #tpu.memory_space<vmem>>, vector<16xf32>,
        %mul3A_678 = arith.mulf %gather3A_378, %get3A_677 : vector<16xf32>
        %add3A_679 = arith.addf %mul3A_672, %mul3A_678 : vector<16xf32>
        %get3A_680 = arith.constant 1 : i32
        %get3A_681 = arith.index_cast %add3A_377 : i32 to index
        %get3A_682 = arith.index_cast %get3A_680 : i32 to index
        %get3A_683 = arith.constant 16 : index
        %get3A_684 = tpu.vector_load %arg34[%get3A_681, %get3A_682, %get3A_683] {strides = array<i32>} : memref<32x2x128xf32, #tpu.memory_space<vmem>>, vector<16xf32>,
        %mul3A_685 = arith.mulf %gather3A_379, %get3A_684 : vector<16xf32>
        %add3A_686 = arith.addf %add3A_679, %mul3A_685 : vector<16xf32>
        %get3A_687 = arith.constant 1 : i32
        %get3A_688 = arith.index_cast %add3A_377 : i32 to index
        %get3A_689 = arith.index_cast %get3A_687 : i32 to index
        %get3A_690 = arith.constant 16 : index
        %get3A_691 = tpu.vector_load %arg35[%get3A_688, %get3A_689, %get3A_690] {strides = array<i32>} : memref<32x2x128xf32, #tpu.memory_space<vmem>>, vector<16xf32>,
        %mul3A_692 = arith.mulf %gather3A_380, %get3A_691 : vector<16xf32>
        %add3A_693 = arith.addf %add3A_686, %mul3A_692 : vector<16xf32>
        %swap3A_694 = arith.constant 1 : i32
        %swap3A_695 = arith.index_cast %add3A_377 : i32 to index
        %swap3A_696 = arith.index_cast %swap3A_694 : i32 to index
        %swap3A_697 = arith.constant 16 : index
        %swap3A_698 = tpu.vector_load %arg37[%swap3A_695, %swap3A_696, %swap3A_697] {strides = array<i32>} : memref<32x2x128xf32, #tpu.memory_space<vmem>>, vector<16xf32>,
        tpu.vector_store %arg37[%swap3A_695, %swap3A_696, %swap3A_697], %add3A_693 {strides = array<i32>} : memref<32x2x128xf32, #tpu.memory_space<vmem>>, vector<16xf32>,
        %get3A_699 = arith.constant 1 : i32
        %get3A_700 = arith.index_cast %add3A_377 : i32 to index
        %get3A_701 = arith.index_cast %get3A_699 : i32 to index
        %get3A_702 = arith.constant 32 : index
        %get3A_703 = tpu.vector_load %arg32[%get3A_700, %get3A_701, %get3A_702] {strides = array<i32>} : memref<32x2x128xf32, #tpu.memory_space<vmem>>, vector<16xf32>,
        %mul3A_704 = arith.mulf %gather3A, %get3A_703 : vector<16xf32>
        %get3A_705 = arith.constant 1 : i32
        %get3A_706 = arith.index_cast %add3A_377 : i32 to index
        %get3A_707 = arith.index_cast %get3A_705 : i32 to index
        %get3A_708 = arith.constant 32 : index
        %get3A_709 = tpu.vector_load %arg33[%get3A_706, %get3A_707, %get3A_708] {strides = array<i32>} : memref<32x2x128xf32, #tpu.memory_space<vmem>>, vector<16xf32>,
        %mul3A_710 = arith.mulf %gather3A_378, %get3A_709 : vector<16xf32>
        %add3A_711 = arith.addf %mul3A_704, %mul3A_710 : vector<16xf32>
        %get3A_712 = arith.constant 1 : i32
        %get3A_713 = arith.index_cast %add3A_377 : i32 to index
        %get3A_714 = arith.index_cast %get3A_712 : i32 to index
        %get3A_715 = arith.constant 32 : index
        %get3A_716 = tpu.vector_load %arg34[%get3A_713, %get3A_714, %get3A_715] {strides = array<i32>} : memref<32x2x128xf32, #tpu.memory_space<vmem>>, vector<16xf32>,
        %mul3A_717 = arith.mulf %gather3A_379, %get3A_716 : vector<16xf32>
        %add3A_718 = arith.addf %add3A_711, %mul3A_717 : vector<16xf32>
        %get3A_719 = arith.constant 1 : i32
        %get3A_720 = arith.index_cast %add3A_377 : i32 to index
        %get3A_721 = arith.index_cast %get3A_719 : i32 to index
        %get3A_722 = arith.constant 32 : index
        %get3A_723 = tpu.vector_load %arg35[%get3A_720, %get3A_721, %get3A_722] {strides = array<i32>} : memref<32x2x128xf32, #tpu.memory_space<vmem>>, vector<16xf32>,
        %mul3A_724 = arith.mulf %gather3A_380, %get3A_723 : vector<16xf32>
        %add3A_725 = arith.addf %add3A_718, %mul3A_724 : vector<16xf32>
        %swap3A_726 = arith.constant 1 : i32
        %swap3A_727 = arith.index_cast %add3A_377 : i32 to index
        %swap3A_728 = arith.index_cast %swap3A_726 : i32 to index
        %swap3A_729 = arith.constant 32 : index
        %swap3A_730 = tpu.vector_load %arg37[%swap3A_727, %swap3A_728, %swap3A_729] {strides = array<i32>} : memref<32x2x128xf32, #tpu.memory_space<vmem>>, vector<16xf32>,
        tpu.vector_store %arg37[%swap3A_727, %swap3A_728, %swap3A_729], %add3A_725 {strides = array<i32>} : memref<32x2x128xf32, #tpu.memory_space<vmem>>, vector<16xf32>,
        %get3A_731 = arith.constant 1 : i32
        %get3A_732 = arith.index_cast %add3A_377 : i32 to index
        %get3A_733 = arith.index_cast %get3A_731 : i32 to index
        %get3A_734 = arith.constant 48 : index
        %get3A_735 = tpu.vector_load %arg32[%get3A_732, %get3A_733, %get3A_734] {strides = array<i32>} : memref<32x2x128xf32, #tpu.memory_space<vmem>>, vector<16xf32>,
        %mul3A_736 = arith.mulf %gather3A, %get3A_735 : vector<16xf32>
        %get3A_737 = arith.constant 1 : i32
        %get3A_738 = arith.index_cast %add3A_377 : i32 to index
        %get3A_739 = arith.index_cast %get3A_737 : i32 to index
        %get3A_740 = arith.constant 48 : index
        %get3A_741 = tpu.vector_load %arg33[%get3A_738, %get3A_739, %get3A_740] {strides = array<i32>} : memref<32x2x128xf32, #tpu.memory_space<vmem>>, vector<16xf32>,
        %mul3A_742 = arith.mulf %gather3A_378, %get3A_741 : vector<16xf32>
        %add3A_743 = arith.addf %mul3A_736, %mul3A_742 : vector<16xf32>
        %get3A_744 = arith.constant 1 : i32
        %get3A_745 = arith.index_cast %add3A_377 : i32 to index
        %get3A_746 = arith.index_cast %get3A_744 : i32 to index
        %get3A_747 = arith.constant 48 : index
        %get3A_748 = tpu.vector_load %arg34[%get3A_745, %get3A_746, %get3A_747] {strides = array<i32>} : memref<32x2x128xf32, #tpu.memory_space<vmem>>, vector<16xf32>,
        %mul3A_749 = arith.mulf %gather3A_379, %get3A_748 : vector<16xf32>
        %add3A_750 = arith.addf %add3A_743, %mul3A_749 : vector<16xf32>
        %get3A_751 = arith.constant 1 : i32
        %get3A_752 = arith.index_cast %add3A_377 : i32 to index
        %get3A_753 = arith.index_cast %get3A_751 : i32 to index
        %get3A_754 = arith.constant 48 : index
        %get3A_755 = tpu.vector_load %arg35[%get3A_752, %get3A_753, %get3A_754] {strides = array<i32>} : memref<32x2x128xf32, #tpu.memory_space<vmem>>, vector<16xf32>,
        %mul3A_756 = arith.mulf %gather3A_380, %get3A_755 : vector<16xf32>
        %add3A_757 = arith.addf %add3A_750, %mul3A_756 : vector<16xf32>
        %swap3A_758 = arith.constant 1 : i32
        %swap3A_759 = arith.index_cast %add3A_377 : i32 to index
        %swap3A_760 = arith.index_cast %swap3A_758 : i32 to index
        %swap3A_761 = arith.constant 48 : index
        %swap3A_762 = tpu.vector_load %arg37[%swap3A_759, %swap3A_760, %swap3A_761] {strides = array<i32>} : memref<32x2x128xf32, #tpu.memory_space<vmem>>, vector<16xf32>,
        tpu.vector_store %arg37[%swap3A_759, %swap3A_760, %swap3A_761], %add3A_757 {strides = array<i32>} : memref<32x2x128xf32, #tpu.memory_space<vmem>>, vector<16xf32>,
      }
      %scan3A_339 = arith.constant 32 : i32
      %add3A_340 = arith.constant 1 : i32
      %add3A_341 = arith.addi %mul3A_164, %add3A_340 : i32
      %mul3A_342 = arith.constant 32 : i32
      %mul3A_343 = arith.muli %add3A_341, %mul3A_342 : i32
      %add3A_344 = arith.addi %mul3A_2, %mul3A_343 : i32
      %dma_start3A_345 = arith.constant 0 : i32
      %dma_start3A_346 = arith.constant 0 : i32
      %dma_start3A_347 = tpu.memref_slice %arg11[%add3A_344, %dma_start3A_345, %dma_start3A_346] : memref<200704x2x128xf32, #tpu.memory_space<hbm>> -> memref<32x2x128xf32, #tpu.memory_space<hbm>>
      %dma_start3A_348 = arith.constant 0 : i32
      %dma_start3A_349 = arith.constant 0 : i32
      %dma_start3A_350 = tpu.memref_slice %arg11[%add3A_344, %dma_start3A_348, %dma_start3A_349] : memref<200704x2x128xf32, #tpu.memory_space<hbm>> -> memref<32x2x128xf32, #tpu.memory_space<hbm>>
      tpu.enqueue_dma source(%arg37 : memref<32x2x128xf32, #tpu.memory_space<vmem>>) target(%dma_start3A_350 : memref<32x2x128xf32, #tpu.memory_space<hbm>>) target_semaphore(%arg43 : memref<!tpu.dma_semaphore, #tpu.memory_space<semaphore_mem>>)
      %add3A_351 = arith.constant 3 : i32
      %add3A_352 = arith.addi %mul3A_164, %add3A_351 : i32
      %min3A_353 = arith.minsi %add3A_352, %scan3A : i32
      %mul3A_354 = arith.constant 32 : i32
      %mul3A_355 = arith.muli %min3A_353, %mul3A_354 : i32
      %add3A_356 = arith.addi %mul3A_2, %mul3A_355 : i32
      %dma_start3A_357 = tpu.memref_slice %arg3[%add3A_356] : memref<200704xi32, #tpu.memory_space<hbm>> -> memref<32xi32, #tpu.memory_space<hbm>>
      %dma_start3A_358 = tpu.memref_slice %arg3[%add3A_356] : memref<200704xi32, #tpu.memory_space<hbm>> -> memref<32xi32, #tpu.memory_space<hbm>>
      tpu.enqueue_dma source(%dma_start3A_358 : memref<32xi32, #tpu.memory_space<hbm>>) target(%arg20 : memref<32xi32, #tpu.memory_space<vmem>>) target_semaphore(%arg39 : memref<!tpu.dma_semaphore, #tpu.memory_space<semaphore_mem>>)
      %dma_start3A_359 = tpu.memref_slice %arg4[%add3A_356] : memref<200704xi32, #tpu.memory_space<hbm>> -> memref<32xi32, #tpu.memory_space<hbm>>
      %dma_start3A_360 = tpu.memref_slice %arg4[%add3A_356] : memref<200704xi32, #tpu.memory_space<hbm>> -> memref<32xi32, #tpu.memory_space<hbm>>
      tpu.enqueue_dma source(%dma_start3A_360 : memref<32xi32, #tpu.memory_space<hbm>>) target(%arg21 : memref<32xi32, #tpu.memory_space<vmem>>) target_semaphore(%arg39 : memref<!tpu.dma_semaphore, #tpu.memory_space<semaphore_mem>>)
      %dma_start3A_361 = tpu.memref_slice %arg5[%add3A_356] : memref<200704xi32, #tpu.memory_space<hbm>> -> memref<32xi32, #tpu.memory_space<hbm>>
      %dma_start3A_362 = tpu.memref_slice %arg5[%add3A_356] : memref<200704xi32, #tpu.memory_space<hbm>> -> memref<32xi32, #tpu.memory_space<hbm>>
      tpu.enqueue_dma source(%dma_start3A_362 : memref<32xi32, #tpu.memory_space<hbm>>) target(%arg22 : memref<32xi32, #tpu.memory_space<vmem>>) target_semaphore(%arg39 : memref<!tpu.dma_semaphore, #tpu.memory_space<semaphore_mem>>)
      %dma_start3A_363 = tpu.memref_slice %arg6[%add3A_356] : memref<200704xi32, #tpu.memory_space<hbm>> -> memref<32xi32, #tpu.memory_space<hbm>>
      %dma_start3A_364 = tpu.memref_slice %arg6[%add3A_356] : memref<200704xi32, #tpu.memory_space<hbm>> -> memref<32xi32, #tpu.memory_space<hbm>>
      tpu.enqueue_dma source(%dma_start3A_364 : memref<32xi32, #tpu.memory_space<hbm>>) target(%arg23 : memref<32xi32, #tpu.memory_space<vmem>>) target_semaphore(%arg39 : memref<!tpu.dma_semaphore, #tpu.memory_space<semaphore_mem>>)
      %dma_start3A_365 = tpu.memref_slice %arg7[%add3A_356] : memref<200704xf32, #tpu.memory_space<hbm>> -> memref<32xf32, #tpu.memory_space<hbm>>
      %dma_start3A_366 = tpu.memref_slice %arg7[%add3A_356] : memref<200704xf32, #tpu.memory_space<hbm>> -> memref<32xf32, #tpu.memory_space<hbm>>
      tpu.enqueue_dma source(%dma_start3A_366 : memref<32xf32, #tpu.memory_space<hbm>>) target(%arg24 : memref<32xf32, #tpu.memory_space<vmem>>) target_semaphore(%arg39 : memref<!tpu.dma_semaphore, #tpu.memory_space<semaphore_mem>>)
      %dma_start3A_367 = tpu.memref_slice %arg8[%add3A_356] : memref<200704xf32, #tpu.memory_space<hbm>> -> memref<32xf32, #tpu.memory_space<hbm>>
      %dma_start3A_368 = tpu.memref_slice %arg8[%add3A_356] : memref<200704xf32, #tpu.memory_space<hbm>> -> memref<32xf32, #tpu.memory_space<hbm>>
      tpu.enqueue_dma source(%dma_start3A_368 : memref<32xf32, #tpu.memory_space<hbm>>) target(%arg25 : memref<32xf32, #tpu.memory_space<vmem>>) target_semaphore(%arg39 : memref<!tpu.dma_semaphore, #tpu.memory_space<semaphore_mem>>)
      %dma_start3A_369 = tpu.memref_slice %arg9[%add3A_356] : memref<200704xf32, #tpu.memory_space<hbm>> -> memref<32xf32, #tpu.memory_space<hbm>>
      %dma_start3A_370 = tpu.memref_slice %arg9[%add3A_356] : memref<200704xf32, #tpu.memory_space<hbm>> -> memref<32xf32, #tpu.memory_space<hbm>>
      tpu.enqueue_dma source(%dma_start3A_370 : memref<32xf32, #tpu.memory_space<hbm>>) target(%arg26 : memref<32xf32, #tpu.memory_space<vmem>>) target_semaphore(%arg39 : memref<!tpu.dma_semaphore, #tpu.memory_space<semaphore_mem>>)
      %dma_start3A_371 = tpu.memref_slice %arg10[%add3A_356] : memref<200704xf32, #tpu.memory_space<hbm>> -> memref<32xf32, #tpu.memory_space<hbm>>
      %dma_start3A_372 = tpu.memref_slice %arg10[%add3A_356] : memref<200704xf32, #tpu.memory_space<hbm>> -> memref<32xf32, #tpu.memory_space<hbm>>
      tpu.enqueue_dma source(%dma_start3A_372 : memref<32xf32, #tpu.memory_space<hbm>>) target(%arg27 : memref<32xf32, #tpu.memory_space<vmem>>) target_semaphore(%arg39 : memref<!tpu.dma_semaphore, #tpu.memory_space<semaphore_mem>>)
    }
    %scan3A_93 = arith.constant 98 : i32
    %dma_wait3A_94 = arith.constant 0 : i32
    %dma_wait3A_95 = arith.constant 0 : i32
    %dma_wait3A_96 = arith.constant 0 : i32
    %dma_wait3A_97 = tpu.memref_slice %arg2[%dma_wait3A_94, %dma_wait3A_95, %dma_wait3A_96] : memref<200704x2x128xf32, #tpu.memory_space<hbm>> -> memref<200704x2x128xf32, #tpu.memory_space<hbm>>
    tpu.wait_indirect_dma semaphore(%arg40 : memref<!tpu.dma_semaphore, #tpu.memory_space<semaphore_mem>>) src(%dma_wait3A_97 : memref<200704x2x128xf32, #tpu.memory_space<hbm>>) dst(%arg28 : memref<32x2x128xf32, #tpu.memory_space<vmem>>)
    %dma_wait3A_98 = arith.constant 0 : i32
    %dma_wait3A_99 = arith.constant 0 : i32
    %dma_wait3A_100 = arith.constant 0 : i32
    %dma_wait3A_101 = tpu.memref_slice %arg2[%dma_wait3A_98, %dma_wait3A_99, %dma_wait3A_100] : memref<200704x2x128xf32, #tpu.memory_space<hbm>> -> memref<200704x2x128xf32, #tpu.memory_space<hbm>>
    tpu.wait_indirect_dma semaphore(%arg40 : memref<!tpu.dma_semaphore, #tpu.memory_space<semaphore_mem>>) src(%dma_wait3A_101 : memref<200704x2x128xf32, #tpu.memory_space<hbm>>) dst(%arg29 : memref<32x2x128xf32, #tpu.memory_space<vmem>>)
    %dma_wait3A_102 = arith.constant 0 : i32
    %dma_wait3A_103 = arith.constant 0 : i32
    %dma_wait3A_104 = arith.constant 0 : i32
    %dma_wait3A_105 = tpu.memref_slice %arg2[%dma_wait3A_102, %dma_wait3A_103, %dma_wait3A_104] : memref<200704x2x128xf32, #tpu.memory_space<hbm>> -> memref<200704x2x128xf32, #tpu.memory_space<hbm>>
    tpu.wait_indirect_dma semaphore(%arg40 : memref<!tpu.dma_semaphore, #tpu.memory_space<semaphore_mem>>) src(%dma_wait3A_105 : memref<200704x2x128xf32, #tpu.memory_space<hbm>>) dst(%arg30 : memref<32x2x128xf32, #tpu.memory_space<vmem>>)
    %dma_wait3A_106 = arith.constant 0 : i32
    %dma_wait3A_107 = arith.constant 0 : i32
    %dma_wait3A_108 = arith.constant 0 : i32
    %dma_wait3A_109 = tpu.memref_slice %arg2[%dma_wait3A_106, %dma_wait3A_107, %dma_wait3A_108] : memref<200704x2x128xf32, #tpu.memory_space<hbm>> -> memref<200704x2x128xf32, #tpu.memory_space<hbm>>
    tpu.wait_indirect_dma semaphore(%arg40 : memref<!tpu.dma_semaphore, #tpu.memory_space<semaphore_mem>>) src(%dma_wait3A_109 : memref<200704x2x128xf32, #tpu.memory_space<hbm>>) dst(%arg31 : memref<32x2x128xf32, #tpu.memory_space<vmem>>)
    %dma_wait3A_110 = arith.constant 0 : i32
    %dma_wait3A_111 = tpu.memref_slice %arg3[%dma_wait3A_110] : memref<200704xi32, #tpu.memory_space<hbm>> -> memref<32xi32, #tpu.memory_space<hbm>>
    %dma_wait3A_112 = arith.constant 0 : i32
    %dma_wait3A_113 = tpu.memref_slice %arg3[%dma_wait3A_112] : memref<200704xi32, #tpu.memory_space<hbm>> -> memref<32xi32, #tpu.memory_space<hbm>>
    tpu.wait_dma2 semaphore(%arg39 : memref<!tpu.dma_semaphore, #tpu.memory_space<semaphore_mem>>) src(%dma_wait3A_113 : memref<32xi32, #tpu.memory_space<hbm>>) dst(%arg20 : memref<32xi32, #tpu.memory_space<vmem>>)
    %dma_wait3A_114 = arith.constant 0 : i32
    %dma_wait3A_115 = tpu.memref_slice %arg4[%dma_wait3A_114] : memref<200704xi32, #tpu.memory_space<hbm>> -> memref<32xi32, #tpu.memory_space<hbm>>
    %dma_wait3A_116 = arith.constant 0 : i32
    %dma_wait3A_117 = tpu.memref_slice %arg4[%dma_wait3A_116] : memref<200704xi32, #tpu.memory_space<hbm>> -> memref<32xi32, #tpu.memory_space<hbm>>
    tpu.wait_dma2 semaphore(%arg39 : memref<!tpu.dma_semaphore, #tpu.memory_space<semaphore_mem>>) src(%dma_wait3A_117 : memref<32xi32, #tpu.memory_space<hbm>>) dst(%arg21 : memref<32xi32, #tpu.memory_space<vmem>>)
    %dma_wait3A_118 = arith.constant 0 : i32
    %dma_wait3A_119 = tpu.memref_slice %arg5[%dma_wait3A_118] : memref<200704xi32, #tpu.memory_space<hbm>> -> memref<32xi32, #tpu.memory_space<hbm>>
    %dma_wait3A_120 = arith.constant 0 : i32
    %dma_wait3A_121 = tpu.memref_slice %arg5[%dma_wait3A_120] : memref<200704xi32, #tpu.memory_space<hbm>> -> memref<32xi32, #tpu.memory_space<hbm>>
    tpu.wait_dma2 semaphore(%arg39 : memref<!tpu.dma_semaphore, #tpu.memory_space<semaphore_mem>>) src(%dma_wait3A_121 : memref<32xi32, #tpu.memory_space<hbm>>) dst(%arg22 : memref<32xi32, #tpu.memory_space<vmem>>)
    %dma_wait3A_122 = arith.constant 0 : i32
    %dma_wait3A_123 = tpu.memref_slice %arg6[%dma_wait3A_122] : memref<200704xi32, #tpu.memory_space<hbm>> -> memref<32xi32, #tpu.memory_space<hbm>>
    %dma_wait3A_124 = arith.constant 0 : i32
    %dma_wait3A_125 = tpu.memref_slice %arg6[%dma_wait3A_124] : memref<200704xi32, #tpu.memory_space<hbm>> -> memref<32xi32, #tpu.memory_space<hbm>>
    tpu.wait_dma2 semaphore(%arg39 : memref<!tpu.dma_semaphore, #tpu.memory_space<semaphore_mem>>) src(%dma_wait3A_125 : memref<32xi32, #tpu.memory_space<hbm>>) dst(%arg23 : memref<32xi32, #tpu.memory_space<vmem>>)
    %dma_wait3A_126 = arith.constant 0 : i32
    %dma_wait3A_127 = tpu.memref_slice %arg7[%dma_wait3A_126] : memref<200704xf32, #tpu.memory_space<hbm>> -> memref<32xf32, #tpu.memory_space<hbm>>
    %dma_wait3A_128 = arith.constant 0 : i32
    %dma_wait3A_129 = tpu.memref_slice %arg7[%dma_wait3A_128] : memref<200704xf32, #tpu.memory_space<hbm>> -> memref<32xf32, #tpu.memory_space<hbm>>
    tpu.wait_dma2 semaphore(%arg39 : memref<!tpu.dma_semaphore, #tpu.memory_space<semaphore_mem>>) src(%dma_wait3A_129 : memref<32xf32, #tpu.memory_space<hbm>>) dst(%arg24 : memref<32xf32, #tpu.memory_space<vmem>>)
    %dma_wait3A_130 = arith.constant 0 : i32
    %dma_wait3A_131 = tpu.memref_slice %arg8[%dma_wait3A_130] : memref<200704xf32, #tpu.memory_space<hbm>> -> memref<32xf32, #tpu.memory_space<hbm>>
    %dma_wait3A_132 = arith.constant 0 : i32
    %dma_wait3A_133 = tpu.memref_slice %arg8[%dma_wait3A_132] : memref<200704xf32, #tpu.memory_space<hbm>> -> memref<32xf32, #tpu.memory_space<hbm>>
    tpu.wait_dma2 semaphore(%arg39 : memref<!tpu.dma_semaphore, #tpu.memory_space<semaphore_mem>>) src(%dma_wait3A_133 : memref<32xf32, #tpu.memory_space<hbm>>) dst(%arg25 : memref<32xf32, #tpu.memory_space<vmem>>)
    %dma_wait3A_134 = arith.constant 0 : i32
    %dma_wait3A_135 = tpu.memref_slice %arg9[%dma_wait3A_134] : memref<200704xf32, #tpu.memory_space<hbm>> -> memref<32xf32, #tpu.memory_space<hbm>>
    %dma_wait3A_136 = arith.constant 0 : i32
    %dma_wait3A_137 = tpu.memref_slice %arg9[%dma_wait3A_136] : memref<200704xf32, #tpu.memory_space<hbm>> -> memref<32xf32, #tpu.memory_space<hbm>>
    tpu.wait_dma2 semaphore(%arg39 : memref<!tpu.dma_semaphore, #tpu.memory_space<semaphore_mem>>) src(%dma_wait3A_137 : memref<32xf32, #tpu.memory_space<hbm>>) dst(%arg26 : memref<32xf32, #tpu.memory_space<vmem>>)
    %dma_wait3A_138 = arith.constant 0 : i32
    %dma_wait3A_139 = tpu.memref_slice %arg10[%dma_wait3A_138] : memref<200704xf32, #tpu.memory_space<hbm>> -> memref<32xf32, #tpu.memory_space<hbm>>
    %dma_wait3A_140 = arith.constant 0 : i32
    %dma_wait3A_141 = tpu.memref_slice %arg10[%dma_wait3A_140] : memref<200704xf32, #tpu.memory_space<hbm>> -> memref<32xf32, #tpu.memory_space<hbm>>
    tpu.wait_dma2 semaphore(%arg39 : memref<!tpu.dma_semaphore, #tpu.memory_space<semaphore_mem>>) src(%dma_wait3A_141 : memref<32xf32, #tpu.memory_space<hbm>>) dst(%arg27 : memref<32xf32, #tpu.memory_space<vmem>>)
    %dma_wait3A_142 = arith.constant 0 : i32
    %dma_wait3A_143 = arith.constant 0 : i32
    %dma_wait3A_144 = arith.constant 0 : i32
    %dma_wait3A_145 = tpu.memref_slice %arg11[%dma_wait3A_142, %dma_wait3A_143, %dma_wait3A_144] : memref<200704x2x128xf32, #tpu.memory_space<hbm>> -> memref<32x2x128xf32, #tpu.memory_space<hbm>>
    %dma_wait3A_146 = arith.constant 0 : i32
    %dma_wait3A_147 = arith.constant 0 : i32
    %dma_wait3A_148 = arith.constant 0 : i32
    %dma_wait3A_149 = tpu.memref_slice %arg11[%dma_wait3A_146, %dma_wait3A_147, %dma_wait3A_148] : memref<200704x2x128xf32, #tpu.memory_space<hbm>> -> memref<32x2x128xf32, #tpu.memory_space<hbm>>
    tpu.wait_dma2 semaphore(%arg42 : memref<!tpu.dma_semaphore, #tpu.memory_space<semaphore_mem>>) src(%arg36 : memref<32x2x128xf32, #tpu.memory_space<vmem>>) dst(%dma_wait3A_149 : memref<32x2x128xf32, #tpu.memory_space<hbm>>)
    %dma_wait3A_150 = arith.constant 0 : i32
    %dma_wait3A_151 = arith.constant 0 : i32
    %dma_wait3A_152 = arith.constant 0 : i32
    %dma_wait3A_153 = tpu.memref_slice %arg11[%dma_wait3A_150, %dma_wait3A_151, %dma_wait3A_152] : memref<200704x2x128xf32, #tpu.memory_space<hbm>> -> memref<32x2x128xf32, #tpu.memory_space<hbm>>
    %dma_wait3A_154 = arith.constant 0 : i32
    %dma_wait3A_155 = arith.constant 0 : i32
    %dma_wait3A_156 = arith.constant 0 : i32
    %dma_wait3A_157 = tpu.memref_slice %arg11[%dma_wait3A_154, %dma_wait3A_155, %dma_wait3A_156] : memref<200704x2x128xf32, #tpu.memory_space<hbm>> -> memref<32x2x128xf32, #tpu.memory_space<hbm>>
    tpu.wait_dma2 semaphore(%arg43 : memref<!tpu.dma_semaphore, #tpu.memory_space<semaphore_mem>>) src(%arg37 : memref<32x2x128xf32, #tpu.memory_space<vmem>>) dst(%dma_wait3A_157 : memref<32x2x128xf32, #tpu.memory_space<hbm>>)
    return
  }
}

module attributes {stable_mosaic.version = 14 : i64} {
  func.func @_index_body(%arg0: i32, %arg1: memref<8x224xf32, #tpu.memory_space<vmem>>, %arg2: memref<8x224xf32, #tpu.memory_space<vmem>>, %arg3: memref<1x224xf32, #tpu.memory_space<vmem>>, %arg4: memref<8x1xf32, #tpu.memory_space<vmem>>, %arg5: memref<8x224xi32, #tpu.memory_space<vmem>>, %arg6: memref<8x224xi32, #tpu.memory_space<vmem>>, %arg7: memref<8x224xi32, #tpu.memory_space<vmem>>, %arg8: memref<8x224xi32, #tpu.memory_space<vmem>>, %arg9: memref<8x224xf32, #tpu.memory_space<vmem>>, %arg10: memref<8x224xf32, #tpu.memory_space<vmem>>, %arg11: memref<8x224xf32, #tpu.memory_space<vmem>>, %arg12: memref<8x224xf32, #tpu.memory_space<vmem>>) attributes {dimension_semantics = [#tpu.dimension_semantics<arbitrary>], iteration_bounds = array<i64: 112>, scalar_prefetch = 0 : i64, scratch_operands = 0 : i64, tpu.core_type = #tpu.core_type<tc>, window_params = [{transform_indices = @transform_0, window_bounds = array<i64: 8, 224>}, {transform_indices = @transform_1, window_bounds = array<i64: 8, 224>}, {pipeline_mode = #tpu.pipeline_mode<synchronous>, transform_indices = @transform_2, window_bounds = array<i64: 1, 224>}, {transform_indices = @transform_3, window_bounds = array<i64: 8, 1>}, {transform_indices = @transform_4, window_bounds = array<i64: 8, 224>}, {transform_indices = @transform_5, window_bounds = array<i64: 8, 224>}, {transform_indices = @transform_6, window_bounds = array<i64: 8, 224>}, {transform_indices = @transform_7, window_bounds = array<i64: 8, 224>}, {transform_indices = @transform_8, window_bounds = array<i64: 8, 224>}, {transform_indices = @transform_9, window_bounds = array<i64: 8, 224>}, {transform_indices = @transform_10, window_bounds = array<i64: 8, 224>}, {transform_indices = @transform_11, window_bounds = array<i64: 8, 224>}]} {
    %mul3A = arith.constant 8 : i32
    %mul3A_0 = arith.muli %arg0, %mul3A : i32
    %iota3A = tpu.iota {dimensions = array<i32: 0>} : vector<8x224xi32>
    %add3A = vector.broadcast %mul3A_0 : i32 to vector<8x224xi32>
    %add3A_1 = arith.addi %add3A, %iota3A : vector<8x224xi32>
    %ge3A = arith.constant 224 : i32
    %ge3A_2 = vector.broadcast %ge3A : i32 to vector<8x224xi32>
    %ge3A_3 = arith.cmpi sge, %add3A_1, %ge3A_2 : vector<8x224xi32>
    %convert_element_type3A = arith.extui %ge3A_3 : vector<8x224xi1> to vector<8x224xi32>
    %ge3A_4 = arith.constant 448 : i32
    %ge3A_5 = vector.broadcast %ge3A_4 : i32 to vector<8x224xi32>
    %ge3A_6 = arith.cmpi sge, %add3A_1, %ge3A_5 : vector<8x224xi32>
    %convert_element_type3A_7 = arith.extui %ge3A_6 : vector<8x224xi1> to vector<8x224xi32>
    %add3A_8 = arith.addi %convert_element_type3A, %convert_element_type3A_7 : vector<8x224xi32>
    %ge3A_9 = arith.constant 672 : i32
    %ge3A_10 = vector.broadcast %ge3A_9 : i32 to vector<8x224xi32>
    %ge3A_11 = arith.cmpi sge, %add3A_1, %ge3A_10 : vector<8x224xi32>
    %convert_element_type3A_12 = arith.extui %ge3A_11 : vector<8x224xi1> to vector<8x224xi32>
    %add3A_13 = arith.addi %add3A_8, %convert_element_type3A_12 : vector<8x224xi32>
    %get3A = arith.constant 0 : index
    %get3A_14 = arith.constant 0 : index
    %get3A_15 = vector.load %arg3[%get3A, %get3A_14] : memref<1x224xf32, #tpu.memory_space<vmem>>, vector<1x224xf32>
    %get3A_16 = arith.constant 0 : index
    %get3A_17 = arith.constant 0 : index
    %get3A_18 = vector.load %arg1[%get3A_16, %get3A_17] : memref<8x224xf32, #tpu.memory_space<vmem>>, vector<8x224xf32>
    %div3A = arith.constant 2.240000e+02 : f32
    %div3A_19 = vector.broadcast %div3A : f32 to vector<8x224xf32>
    %div3A_20 = arith.divf %get3A_18, %div3A_19 : vector<8x224xf32>
    %add3A_21 = vector.broadcast %get3A_15 : vector<1x224xf32> to vector<8x224xf32>
    %add3A_22 = arith.addf %add3A_21, %div3A_20 : vector<8x224xf32>
    %get3A_23 = arith.constant 0 : index
    %get3A_24 = arith.constant 0 : index
    %get3A_25 = vector.load %arg4[%get3A_23, %get3A_24] : memref<8x1xf32, #tpu.memory_space<vmem>>, vector<8x1xf32>
    %get3A_26 = arith.constant 0 : index
    %get3A_27 = arith.constant 0 : index
    %get3A_28 = vector.load %arg2[%get3A_26, %get3A_27] : memref<8x224xf32, #tpu.memory_space<vmem>>, vector<8x224xf32>
    %div3A_29 = arith.constant 2.240000e+02 : f32
    %div3A_30 = vector.broadcast %div3A_29 : f32 to vector<8x224xf32>
    %div3A_31 = arith.divf %get3A_28, %div3A_30 : vector<8x224xf32>
    %add3A_32 = vector.broadcast %get3A_25 : vector<8x1xf32> to vector<8x224xf32>
    %add3A_33 = arith.addf %add3A_32, %div3A_31 : vector<8x224xf32>
    %add3A_34 = arith.constant 1.000000e+00 : f32
    %add3A_35 = vector.broadcast %add3A_34 : f32 to vector<8x224xf32>
    %add3A_36 = arith.addf %add3A_22, %add3A_35 : vector<8x224xf32>
    %mul3A_37 = arith.constant 2.240000e+02 : f32
    %mul3A_38 = vector.broadcast %mul3A_37 : f32 to vector<8x224xf32>
    %mul3A_39 = arith.mulf %add3A_36, %mul3A_38 : vector<8x224xf32>
    %div3A_40 = arith.constant 2.000000e+00 : f32
    %div3A_41 = vector.broadcast %div3A_40 : f32 to vector<8x224xf32>
    %div3A_42 = arith.divf %mul3A_39, %div3A_41 : vector<8x224xf32>
    %add3A_43 = arith.constant 1.000000e+00 : f32
    %add3A_44 = vector.broadcast %add3A_43 : f32 to vector<8x224xf32>
    %add3A_45 = arith.addf %add3A_33, %add3A_44 : vector<8x224xf32>
    %mul3A_46 = arith.constant 2.240000e+02 : f32
    %mul3A_47 = vector.broadcast %mul3A_46 : f32 to vector<8x224xf32>
    %mul3A_48 = arith.mulf %add3A_45, %mul3A_47 : vector<8x224xf32>
    %div3A_49 = arith.constant 2.000000e+00 : f32
    %div3A_50 = vector.broadcast %div3A_49 : f32 to vector<8x224xf32>
    %div3A_51 = arith.divf %mul3A_48, %div3A_50 : vector<8x224xf32>
    %floor3A = math.floor %div3A_42 : vector<8x224xf32>
    %convert_element_type3A_52 = arith.fptosi %floor3A : vector<8x224xf32> to vector<8x224xi32>
    %floor3A_53 = math.floor %div3A_51 : vector<8x224xf32>
    %convert_element_type3A_54 = arith.fptosi %floor3A_53 : vector<8x224xf32> to vector<8x224xi32>
    %add3A_55 = arith.constant 1 : i32
    %add3A_56 = vector.broadcast %add3A_55 : i32 to vector<8x224xi32>
    %add3A_57 = arith.addi %convert_element_type3A_52, %add3A_56 : vector<8x224xi32>
    %add3A_58 = arith.constant 1 : i32
    %add3A_59 = vector.broadcast %add3A_58 : i32 to vector<8x224xi32>
    %add3A_60 = arith.addi %convert_element_type3A_54, %add3A_59 : vector<8x224xi32>
    %jit3A = arith.constant 0 : i32
    %jit3A_61 = arith.constant 223 : i32
    %max3A = vector.broadcast %jit3A : i32 to vector<8x224xi32>
    %max3A_62 = arith.maxsi %max3A, %convert_element_type3A_52 : vector<8x224xi32>
    %min3A = vector.broadcast %jit3A_61 : i32 to vector<8x224xi32>
    %min3A_63 = arith.minsi %min3A, %max3A_62 : vector<8x224xi32>
    %jit3A_64 = arith.constant 0 : i32
    %jit3A_65 = arith.constant 223 : i32
    %max3A_66 = vector.broadcast %jit3A_64 : i32 to vector<8x224xi32>
    %max3A_67 = arith.maxsi %max3A_66, %add3A_57 : vector<8x224xi32>
    %min3A_68 = vector.broadcast %jit3A_65 : i32 to vector<8x224xi32>
    %min3A_69 = arith.minsi %min3A_68, %max3A_67 : vector<8x224xi32>
    %jit3A_70 = arith.constant 0 : i32
    %jit3A_71 = arith.constant 223 : i32
    %max3A_72 = vector.broadcast %jit3A_70 : i32 to vector<8x224xi32>
    %max3A_73 = arith.maxsi %max3A_72, %convert_element_type3A_54 : vector<8x224xi32>
    %min3A_74 = vector.broadcast %jit3A_71 : i32 to vector<8x224xi32>
    %min3A_75 = arith.minsi %min3A_74, %max3A_73 : vector<8x224xi32>
    %jit3A_76 = arith.constant 0 : i32
    %jit3A_77 = arith.constant 223 : i32
    %max3A_78 = vector.broadcast %jit3A_76 : i32 to vector<8x224xi32>
    %max3A_79 = arith.maxsi %max3A_78, %add3A_60 : vector<8x224xi32>
    %min3A_80 = vector.broadcast %jit3A_77 : i32 to vector<8x224xi32>
    %min3A_81 = arith.minsi %min3A_80, %max3A_79 : vector<8x224xi32>
    %convert_element_type3A_82 = arith.sitofp %min3A_63 : vector<8x224xi32> to vector<8x224xf32>
    %convert_element_type3A_83 = arith.sitofp %min3A_69 : vector<8x224xi32> to vector<8x224xf32>
    %convert_element_type3A_84 = arith.sitofp %min3A_75 : vector<8x224xi32> to vector<8x224xf32>
    %convert_element_type3A_85 = arith.sitofp %min3A_81 : vector<8x224xi32> to vector<8x224xf32>
    %sub3A = arith.subf %convert_element_type3A_83, %div3A_42 : vector<8x224xf32>
    %sub3A_86 = arith.subf %div3A_42, %convert_element_type3A_82 : vector<8x224xf32>
    %sub3A_87 = arith.subf %convert_element_type3A_85, %div3A_51 : vector<8x224xf32>
    %sub3A_88 = arith.subf %div3A_51, %convert_element_type3A_84 : vector<8x224xf32>
    %mul3A_89 = arith.constant 50176 : i32
    %mul3A_90 = vector.broadcast %mul3A_89 : i32 to vector<8x224xi32>
    %mul3A_91 = arith.muli %add3A_13, %mul3A_90 : vector<8x224xi32>
    %mul3A_92 = arith.constant 224 : i32
    %mul3A_93 = vector.broadcast %mul3A_92 : i32 to vector<8x224xi32>
    %mul3A_94 = arith.muli %min3A_75, %mul3A_93 : vector<8x224xi32>
    %add3A_95 = arith.addi %mul3A_91, %mul3A_94 : vector<8x224xi32>
    %mul3A_96 = arith.constant 224 : i32
    %mul3A_97 = vector.broadcast %mul3A_96 : i32 to vector<8x224xi32>
    %mul3A_98 = arith.muli %min3A_81, %mul3A_97 : vector<8x224xi32>
    %add3A_99 = arith.addi %mul3A_91, %mul3A_98 : vector<8x224xi32>
    %add3A_100 = arith.addi %add3A_95, %min3A_63 : vector<8x224xi32>
    %swap3A = arith.constant 0 : index
    %swap3A_101 = arith.constant 0 : index
    %swap3A_102 = vector.load %arg5[%swap3A, %swap3A_101] : memref<8x224xi32, #tpu.memory_space<vmem>>, vector<8x224xi32>
    tpu.vector_store %arg5[%swap3A, %swap3A_101], %add3A_100 {strides = array<i32>} : memref<8x224xi32, #tpu.memory_space<vmem>>, vector<8x224xi32>,
    %add3A_103 = arith.addi %add3A_99, %min3A_63 : vector<8x224xi32>
    %swap3A_104 = arith.constant 0 : index
    %swap3A_105 = arith.constant 0 : index
    %swap3A_106 = vector.load %arg6[%swap3A_104, %swap3A_105] : memref<8x224xi32, #tpu.memory_space<vmem>>, vector<8x224xi32>
    tpu.vector_store %arg6[%swap3A_104, %swap3A_105], %add3A_103 {strides = array<i32>} : memref<8x224xi32, #tpu.memory_space<vmem>>, vector<8x224xi32>,
    %add3A_107 = arith.addi %add3A_95, %min3A_69 : vector<8x224xi32>
    %swap3A_108 = arith.constant 0 : index
    %swap3A_109 = arith.constant 0 : index
    %swap3A_110 = vector.load %arg7[%swap3A_108, %swap3A_109] : memref<8x224xi32, #tpu.memory_space<vmem>>, vector<8x224xi32>
    tpu.vector_store %arg7[%swap3A_108, %swap3A_109], %add3A_107 {strides = array<i32>} : memref<8x224xi32, #tpu.memory_space<vmem>>, vector<8x224xi32>,
    %add3A_111 = arith.addi %add3A_99, %min3A_69 : vector<8x224xi32>
    %swap3A_112 = arith.constant 0 : index
    %swap3A_113 = arith.constant 0 : index
    %swap3A_114 = vector.load %arg8[%swap3A_112, %swap3A_113] : memref<8x224xi32, #tpu.memory_space<vmem>>, vector<8x224xi32>
    tpu.vector_store %arg8[%swap3A_112, %swap3A_113], %add3A_111 {strides = array<i32>} : memref<8x224xi32, #tpu.memory_space<vmem>>, vector<8x224xi32>,
    %mul3A_115 = arith.mulf %sub3A, %sub3A_87 : vector<8x224xf32>
    %swap3A_116 = arith.constant 0 : index
    %swap3A_117 = arith.constant 0 : index
    %swap3A_118 = vector.load %arg9[%swap3A_116, %swap3A_117] : memref<8x224xf32, #tpu.memory_space<vmem>>, vector<8x224xf32>
    tpu.vector_store %arg9[%swap3A_116, %swap3A_117], %mul3A_115 {strides = array<i32>} : memref<8x224xf32, #tpu.memory_space<vmem>>, vector<8x224xf32>,
    %mul3A_119 = arith.mulf %sub3A, %sub3A_88 : vector<8x224xf32>
    %swap3A_120 = arith.constant 0 : index
    %swap3A_121 = arith.constant 0 : index
    %swap3A_122 = vector.load %arg10[%swap3A_120, %swap3A_121] : memref<8x224xf32, #tpu.memory_space<vmem>>, vector<8x224xf32>
    tpu.vector_store %arg10[%swap3A_120, %swap3A_121], %mul3A_119 {strides = array<i32>} : memref<8x224xf32, #tpu.memory_space<vmem>>, vector<8x224xf32>,
    %mul3A_123 = arith.mulf %sub3A_86, %sub3A_87 : vector<8x224xf32>
    %swap3A_124 = arith.constant 0 : index
    %swap3A_125 = arith.constant 0 : index
    %swap3A_126 = vector.load %arg11[%swap3A_124, %swap3A_125] : memref<8x224xf32, #tpu.memory_space<vmem>>, vector<8x224xf32>
    tpu.vector_store %arg11[%swap3A_124, %swap3A_125], %mul3A_123 {strides = array<i32>} : memref<8x224xf32, #tpu.memory_space<vmem>>, vector<8x224xf32>,
    %mul3A_127 = arith.mulf %sub3A_86, %sub3A_88 : vector<8x224xf32>
    %swap3A_128 = arith.constant 0 : index
    %swap3A_129 = arith.constant 0 : index
    %swap3A_130 = vector.load %arg12[%swap3A_128, %swap3A_129] : memref<8x224xf32, #tpu.memory_space<vmem>>, vector<8x224xf32>
    tpu.vector_store %arg12[%swap3A_128, %swap3A_129], %mul3A_127 {strides = array<i32>} : memref<8x224xf32, #tpu.memory_space<vmem>>, vector<8x224xf32>,
    return
  }
  func.func @transform_0(%arg0: i32) -> (i32, i32) {
    %c0_i32 = arith.constant 0 : i32
    %c0_i32_0 = arith.constant 0 : i32
    return %arg0, %c0_i32 : i32, i32
  }
  func.func @transform_1(%arg0: i32) -> (i32, i32) {
    %c0_i32 = arith.constant 0 : i32
    %c0_i32_0 = arith.constant 0 : i32
    return %arg0, %c0_i32 : i32, i32
  }
  func.func @transform_2(%arg0: i32) -> (i32, i32) {
    %c0_i32 = arith.constant 0 : i32
    %c0_i32_0 = arith.constant 0 : i32
    %c0_i32_1 = arith.constant 0 : i32
    return %c0_i32, %c0_i32_0 : i32, i32
  }
  func.func @transform_3(%arg0: i32) -> (i32, i32) {
    %c0_i32 = arith.constant 0 : i32
    %c0_i32_0 = arith.constant 0 : i32
    return %arg0, %c0_i32 : i32, i32
  }
  func.func @transform_4(%arg0: i32) -> (i32, i32) {
    %c0_i32 = arith.constant 0 : i32
    %c0_i32_0 = arith.constant 0 : i32
    return %arg0, %c0_i32 : i32, i32
  }
  func.func @transform_5(%arg0: i32) -> (i32, i32) {
    %c0_i32 = arith.constant 0 : i32
    %c0_i32_0 = arith.constant 0 : i32
    return %arg0, %c0_i32 : i32, i32
  }
  func.func @transform_6(%arg0: i32) -> (i32, i32) {
    %c0_i32 = arith.constant 0 : i32
    %c0_i32_0 = arith.constant 0 : i32
    return %arg0, %c0_i32 : i32, i32
  }
  func.func @transform_7(%arg0: i32) -> (i32, i32) {
    %c0_i32 = arith.constant 0 : i32
    %c0_i32_0 = arith.constant 0 : i32
    return %arg0, %c0_i32 : i32, i32
  }
  func.func @transform_8(%arg0: i32) -> (i32, i32) {
    %c0_i32 = arith.constant 0 : i32
    %c0_i32_0 = arith.constant 0 : i32
    return %arg0, %c0_i32 : i32, i32
  }
  func.func @transform_9(%arg0: i32) -> (i32, i32) {
    %c0_i32 = arith.constant 0 : i32
    %c0_i32_0 = arith.constant 0 : i32
    return %arg0, %c0_i32 : i32, i32
  }
  func.func @transform_10(%arg0: i32) -> (i32, i32) {
    %c0_i32 = arith.constant 0 : i32
    %c0_i32_0 = arith.constant 0 : i32
    return %arg0, %c0_i32 : i32, i32
  }
  func.func @transform_11(%arg0: i32) -> (i32, i32) {
    %c0_i32 = arith.constant 0 : i32
    %c0_i32_0 = arith.constant 0 : i32
    return %arg0, %c0_i32 : i32, i32
  }
}

module attributes {stable_mosaic.version = 14 : i64} {
  func.func @_repack_body(%arg0: i32, %arg1: i32, %arg2: memref<1x28x224x192xf32, #tpu.memory_space<vmem>>, %arg3: memref<6272x2x128xf32, #tpu.memory_space<vmem>>) attributes {dimension_semantics = [#tpu.dimension_semantics<arbitrary>, #tpu.dimension_semantics<arbitrary>], iteration_bounds = array<i64: 4, 8>, scalar_prefetch = 0 : i64, scratch_operands = 0 : i64, tpu.core_type = #tpu.core_type<tc>, window_params = [{transform_indices = @transform_0, window_bounds = array<i64: 1, 28, 224, 192>}, {transform_indices = @transform_1, window_bounds = array<i64: 6272, 2, 128>}]} {
    %get3A = arith.constant 0 : index
    %get3A_0 = arith.constant 0 : index
    %get3A_1 = arith.constant 0 : index
    %get3A_2 = arith.constant 0 : index
    %get3A_3 = vector.load %arg2[%get3A, %get3A_0, %get3A_1, %get3A_2] : memref<1x28x224x192xf32, #tpu.memory_space<vmem>>, vector<1x28x224x192xf32>
    %get3A_4 = vector.shape_cast %get3A_3 : vector<1x28x224x192xf32> to vector<28x224x192xf32>
    %slice3A = vector.extract_strided_slice %get3A_4 {offsets = [0, 0, 0], sizes = [28, 224, 128], strides = [1, 1, 1]} : vector<28x224x192xf32> to vector<28x224x128xf32>
    %reshape3A = vector.shape_cast %slice3A : vector<28x224x128xf32> to vector<6272x128xf32>
    %swap3A = arith.constant 0 : index
    %swap3A_5 = arith.constant 0 : index
    %swap3A_6 = arith.constant 0 : index
    %swap3A_7 = vector.load %arg3[%swap3A, %swap3A_5, %swap3A_6] : memref<6272x2x128xf32, #tpu.memory_space<vmem>>, vector<6272x1x128xf32>
    %swap3A_8 = vector.shape_cast %swap3A_7 : vector<6272x1x128xf32> to vector<6272x128xf32>
    %swap3A_9 = vector.shape_cast %reshape3A : vector<6272x128xf32> to vector<6272x1x128xf32>
    tpu.vector_store %arg3[%swap3A, %swap3A_5, %swap3A_6], %swap3A_9 {strides = array<i32>} : memref<6272x2x128xf32, #tpu.memory_space<vmem>>, vector<6272x1x128xf32>,
    %slice3A_10 = vector.extract_strided_slice %get3A_4 {offsets = [0, 0, 128], sizes = [28, 224, 64], strides = [1, 1, 1]} : vector<28x224x192xf32> to vector<28x224x64xf32>
    %reshape3A_11 = vector.shape_cast %slice3A_10 : vector<28x224x64xf32> to vector<6272x64xf32>
    %swap3A_12 = arith.constant 0 : index
    %swap3A_13 = arith.constant 1 : index
    %swap3A_14 = arith.constant 0 : index
    %swap3A_15 = vector.load %arg3[%swap3A_12, %swap3A_13, %swap3A_14] : memref<6272x2x128xf32, #tpu.memory_space<vmem>>, vector<6272x1x64xf32>
    %swap3A_16 = vector.shape_cast %swap3A_15 : vector<6272x1x64xf32> to vector<6272x64xf32>
    %swap3A_17 = vector.shape_cast %reshape3A_11 : vector<6272x64xf32> to vector<6272x1x64xf32>
    tpu.vector_store %arg3[%swap3A_12, %swap3A_13, %swap3A_14], %swap3A_17 {strides = array<i32>} : memref<6272x2x128xf32, #tpu.memory_space<vmem>>, vector<6272x1x64xf32>,
    return
  }
  func.func @transform_0(%arg0: i32, %arg1: i32) -> (i32, i32, i32, i32) {
    %c0_i32 = arith.constant 0 : i32
    %c0_i32_0 = arith.constant 0 : i32
    %c0_i32_1 = arith.constant 0 : i32
    return %arg0, %arg1, %c0_i32, %c0_i32_0 : i32, i32, i32, i32
  }
  func.func @transform_1(%arg0: i32, %arg1: i32) -> (i32, i32, i32) {
    %mul3A = arith.constant 8 : i32
    %mul3A_0 = arith.muli %arg0, %mul3A : i32
    %add3A = arith.addi %mul3A_0, %arg1 : i32
    %c0_i32 = arith.constant 0 : i32
    %c0_i32_1 = arith.constant 0 : i32
    %c0_i32_2 = arith.constant 0 : i32
    return %add3A, %c0_i32, %c0_i32_1 : i32, i32, i32
  }
}

module attributes {stable_mosaic.version = 14 : i64} {
  func.func @_unpack_body(%arg0: i32, %arg1: i32, %arg2: memref<6272x2x128xf32, #tpu.memory_space<vmem>>, %arg3: memref<1x28x224x192xf32, #tpu.memory_space<vmem>>) attributes {dimension_semantics = [#tpu.dimension_semantics<arbitrary>, #tpu.dimension_semantics<arbitrary>], iteration_bounds = array<i64: 4, 8>, scalar_prefetch = 0 : i64, scratch_operands = 0 : i64, tpu.core_type = #tpu.core_type<tc>, window_params = [{transform_indices = @transform_0, window_bounds = array<i64: 6272, 2, 128>}, {transform_indices = @transform_1, window_bounds = array<i64: 1, 28, 224, 192>}]} {
    %get3A = arith.constant 0 : index
    %get3A_0 = arith.constant 0 : index
    %get3A_1 = arith.constant 0 : index
    %get3A_2 = vector.load %arg2[%get3A, %get3A_0, %get3A_1] : memref<6272x2x128xf32, #tpu.memory_space<vmem>>, vector<6272x2x128xf32>
    %reshape3A = vector.shape_cast %get3A_2 : vector<6272x2x128xf32> to vector<28x224x2x128xf32>
    %slice3A = vector.extract_strided_slice %reshape3A {offsets = [0, 0, 0, 0], sizes = [28, 224, 1, 128], strides = [1, 1, 1, 1]} : vector<28x224x2x128xf32> to vector<28x224x1x128xf32>
    %squeeze3A = vector.shape_cast %slice3A : vector<28x224x1x128xf32> to vector<28x224x128xf32>
    %swap3A = arith.constant 0 : index
    %swap3A_3 = arith.constant 0 : index
    %swap3A_4 = arith.constant 0 : index
    %swap3A_5 = arith.constant 0 : index
    %swap3A_6 = vector.load %arg3[%swap3A, %swap3A_3, %swap3A_4, %swap3A_5] : memref<1x28x224x192xf32, #tpu.memory_space<vmem>>, vector<1x28x224x128xf32>
    %swap3A_7 = vector.shape_cast %swap3A_6 : vector<1x28x224x128xf32> to vector<28x224x128xf32>
    %swap3A_8 = vector.shape_cast %squeeze3A : vector<28x224x128xf32> to vector<1x28x224x128xf32>
    tpu.vector_store %arg3[%swap3A, %swap3A_3, %swap3A_4, %swap3A_5], %swap3A_8 {strides = array<i32>} : memref<1x28x224x192xf32, #tpu.memory_space<vmem>>, vector<1x28x224x128xf32>,
    %slice3A_9 = vector.extract_strided_slice %reshape3A {offsets = [0, 0, 1, 0], sizes = [28, 224, 1, 64], strides = [1, 1, 1, 1]} : vector<28x224x2x128xf32> to vector<28x224x1x64xf32>
    %squeeze3A_10 = vector.shape_cast %slice3A_9 : vector<28x224x1x64xf32> to vector<28x224x64xf32>
    %swap3A_11 = arith.constant 0 : index
    %swap3A_12 = arith.constant 0 : index
    %swap3A_13 = arith.constant 0 : index
    %swap3A_14 = arith.constant 128 : index
    %swap3A_15 = vector.load %arg3[%swap3A_11, %swap3A_12, %swap3A_13, %swap3A_14] : memref<1x28x224x192xf32, #tpu.memory_space<vmem>>, vector<1x28x224x64xf32>
    %swap3A_16 = vector.shape_cast %swap3A_15 : vector<1x28x224x64xf32> to vector<28x224x64xf32>
    %swap3A_17 = vector.shape_cast %squeeze3A_10 : vector<28x224x64xf32> to vector<1x28x224x64xf32>
    tpu.vector_store %arg3[%swap3A_11, %swap3A_12, %swap3A_13, %swap3A_14], %swap3A_17 {strides = array<i32>} : memref<1x28x224x192xf32, #tpu.memory_space<vmem>>, vector<1x28x224x64xf32>,
    return
  }
  func.func @transform_0(%arg0: i32, %arg1: i32) -> (i32, i32, i32) {
    %mul3A = arith.constant 8 : i32
    %mul3A_0 = arith.muli %arg0, %mul3A : i32
    %add3A = arith.addi %mul3A_0, %arg1 : i32
    %c0_i32 = arith.constant 0 : i32
    %c0_i32_1 = arith.constant 0 : i32
    %c0_i32_2 = arith.constant 0 : i32
    return %add3A, %c0_i32, %c0_i32_1 : i32, i32, i32
  }
  func.func @transform_1(%arg0: i32, %arg1: i32) -> (i32, i32, i32, i32) {
    %c0_i32 = arith.constant 0 : i32
    %c0_i32_0 = arith.constant 0 : i32
    %c0_i32_1 = arith.constant 0 : i32
    return %arg0, %arg1, %c0_i32, %c0_i32_0 : i32, i32, i32, i32
  }
}

</mosaic_0001>

<sc_bundles>
// kernel: kernel.6.cloned.1.call-start
scs
__scs_entry_jumppad:
0x0: {  	(pc) =	sbr.rel $0x88, $3  }
0x1: {  	(tag) =	ssettag $0x0;
	lr =	simm.s32 $0x1  }
0x2: {  	[smem:$0x3F9F] =	sst lr;
	_ =	strace $0xD0000000  }
0x3: {  	_ = 	snop  }
0x4: {  	_ = 	snop  }
0x5: {  	_ = 	snop  }
0x6: {  	_ = 	snop  }
0x7: {  	_ = 	snop  }
__scs_overlays_trampoline_lowered:
0x8: {  	[smem:$0x3FAE] =	sst s0  }
0x9: {  	[smem:$0x3FAF] =	sst s1  }
0xa: {  	[smem:$0x3FB0] =	sst s2  }
0xb: {  	[smem:$0x3FB1] =	sst s3  }
0xc: {  	[smem:$0x3FB2] =	sst s4  }
0xd: {  	[smem:$0x3FB3] =	sst s5  }
0xe: {  	[smem:$0x3FB4] =	sst s6  }
0xf: {  	[smem:$0x3FB5] =	sst s7  }
0x10: {  	[smem:$0x3FB6] =	sst s8  }
0x11: {  	[smem:$0x3FB7] =	sst s9;
	s0 =	simm.s32 @!p0 $0x0  }
0x12: {  	s1 =	sld [smem:$0x3F9D];
	s0 =	simm.s32 @p0 $0x1  }
0x13: {  	[smem:$0x3FB8] =	sst s0;
	s0 =	simm.s32 @!p1 $0x0  }
0x14: {  	s2 =	sld [smem:$0x3F9C];
	s0 =	simm.s32 @p1 $0x1  }
0x15: {  	[smem:$0x3FB9] =	sst s0;
	s0 =	simm.s32 @!p2 $0x0  }
0x16: {  	s3 =	sld [smem:$0x3FDB];
	s0 =	simm.s32 @p2 $0x1  }
0x17: {  	s4 =	simm.s32 $0x1BF5;
	[smem:$0x3FBB] =	sst s0  }
0x18: {  	s0 =	sld [smem:$0x3F9E];
	_ =	swait.ge [sflag:s4], $0x0  }
0x19: {  	s7 =	sld [smem:$0x3F9F]  }
0x1a: {  	s8 =	sadd.s32 $0xFFFFE003, lr  }
0x1b: {  	s9 =	sadd.s32 $0xFFFFFEF7, lr;
	s5 =	simm.s32 $0xFFFFFFFF;
	p2 =	slt.u32 s8, $0xFFFFF086  }
0x1c: {  	p1 =	slt.u32 s9, $0xF7A;
	s5 =	simm.s32 @!p2 $0x0  }
0x1d: {  	s5 =	simm.s32 @p1 $0x1;
	p0 =	seq.s32 s7, s2  }
0x1e: {  	s7 =	smul.u32 @!p0 $0xF7A, s2;
	p2 =	seq.s32 @!p0 s5, $0x0  }
0x1f: {  	s9 =	smul.u32 $0xF7A, s1;
	s8 =	simm.s32 @!p0 $0x1BF5;
	p2 =	por !p2, p0  }
0x20: {  	[sflag:s8] =	ssyncset.s32 @!p0 $0xFFFFF086;
	s6 =	sadd.s32 @!p0 s3, s7;
	s7 =	simm.s32 @!p0 $0x108  }
0x21: {  	s3 =	sadd.s32 s3, s9;
	s6 =	sadd.s32 @!p0 $0x88, s6;
	s7 =	simm.s32 @p2 $0x1082  }
0x22: {  	[simem:s7], [sflag:s8] =	dma.local @!p0 [hbm:s6], $0xF7A  }
0x23: {  	s9 =	sor.u32 $0xD0000000, s2;
	s6 =	simm.s32 $0x108;
	_ =	swait.ge @!p0 [sflag:s8], $0x0  }
0x24: {  	s3 =	sadd.s32 $0x88, s3;
	s6 =	simm.s32 @!p1 $0x1082;
	[sflag:s4] =	ssyncset.s32 $0xFFFFF086  }
0x25: {  	[simem:s6], [sflag:s4] =	dma.local [hbm:s3], $0xF7A  }
0x26: {  	[smem:$0x3F9F] =	sst s1;
	(tag) =	ssettag s2;
	_ =	strace s9  }
0x27: {  	s1 =	sld [smem:$0x3FAF]  }
0x28: {  	s2 =	sld [smem:$0x3FB0]  }
0x29: {  	s4 =	sld [smem:$0x3FB2]  }
0x2a: {  	p0 =	seq.s32 s5, $0x0;
	s5 =	sld [smem:$0x3FB3]  }
0x2b: {  	s6 =	sld [smem:$0x3FB4]  }
0x2c: {  	s7 =	sld [smem:$0x3FB5]  }
0x2d: {  	s3 =	simm.s32 $0x108;
	s8 =	sld [smem:$0x3FB6]  }
0x2e: {  	s3 =	simm.s32 @!p0 $0x1082;
	s9 =	sld [smem:$0x3FB7]  }
0x2f: {  	lr =	sadd.s32 s0, s3;
	s0 =	sld [smem:$0x3FAE]  }
0x30: {  	s3 =	sld [smem:$0x3FB1]  }
0x31: {  	[smem:$0x3FBA] =	sst s10  }
0x32: {  	s10 =	sld [smem:$0x3FB8];
	_ =	sdelay $0x3  }
0x33: {  	p0 =	seq.s32 s10, $0x1;
	s10 =	sld [smem:$0x3FBA];
	_ =	sdelay $0x3  }
0x34: {  	[smem:$0x3FBA] =	sst s10  }
0x35: {  	s10 =	sld [smem:$0x3FB9];
	_ =	sdelay $0x3  }
0x36: {  	p1 =	seq.s32 s10, $0x1;
	s10 =	sld [smem:$0x3FBA];
	_ =	sdelay $0x3  }
0x37: {  	[smem:$0x3FBA] =	sst s10  }
0x38: {  	s10 =	sld [smem:$0x3FBB]  }
0x39: {  	_ = 	snop;
	(pc) =	sbr.ind lr, $3  }
0x3a: {  	_ = 	snop  }
0x3b: {  	_ = 	snop  }
0x3c: {  	p2 =	seq.s32 s10, $0x1;
	s10 =	sld [smem:$0x3FBA]  }
0x3d: {  	_ =	shalt  }
0x3e: {  	_ =	shalt  }
0x3f: {  	_ =	shalt  }
0x40: {  	_ =	shalt  }
0x41: {  	_ =	shalt  }
0x42: {  	_ =	shalt  }
0x43: {  	_ =	shalt  }
0x44: {  	_ =	shalt  }
0x45: {  	_ =	shalt  }
0x46: {  	_ =	shalt  }
0x47: {  	_ =	shalt  }
0x48: {  	_ =	shalt  }
0x49: {  	_ =	shalt  }
0x4a: {  	_ =	shalt  }
0x4b: {  	_ =	shalt  }
0x4c: {  	_ =	shalt  }
0x4d: {  	_ =	shalt  }
0x4e: {  	_ =	shalt  }
0x4f: {  	_ =	shalt  }
0x50: {  	_ =	shalt  }
0x51: {  	_ =	shalt  }
0x52: {  	_ =	shalt  }
0x53: {  	_ =	shalt  }
0x54: {  	_ =	shalt  }
0x55: {  	_ =	shalt  }
0x56: {  	_ =	shalt  }
0x57: {  	_ =	shalt  }
0x58: {  	_ =	shalt  }
0x59: {  	_ =	shalt  }
0x5a: {  	_ =	shalt  }
0x5b: {  	_ =	shalt  }
0x5c: {  	_ =	shalt  }
0x5d: {  	_ =	shalt  }
0x5e: {  	_ =	shalt  }
0x5f: {  	_ =	shalt  }
0x60: {  	_ =	shalt  }
0x61: {  	_ =	shalt  }
0x62: {  	_ =	shalt  }
0x63: {  	_ =	shalt  }
0x64: {  	_ =	shalt  }
0x65: {  	_ =	shalt  }
0x66: {  	_ =	shalt  }
0x67: {  	_ =	shalt  }
0x68: {  	_ =	shalt  }
0x69: {  	_ =	shalt  }
0x6a: {  	_ =	shalt  }
0x6b: {  	_ =	shalt  }
0x6c: {  	_ =	shalt  }
0x6d: {  	_ =	shalt  }
0x6e: {  	_ =	shalt  }
0x6f: {  	_ =	shalt  }
0x70: {  	_ =	shalt  }
0x71: {  	_ =	shalt  }
0x72: {  	_ =	shalt  }
0x73: {  	_ =	shalt  }
0x74: {  	_ =	shalt  }
0x75: {  	_ =	shalt  }
0x76: {  	_ =	shalt  }
0x77: {  	_ =	shalt  }
0x78: {  	_ =	shalt  }
0x79: {  	_ =	shalt  }
0x7a: {  	_ =	shalt  }
0x7b: {  	_ =	shalt  }
0x7c: {  	_ =	shalt  }
0x7d: {  	_ =	shalt  }
0x7e: {  	_ =	shalt  }
0x7f: {  	_ =	shalt  }
0x80: {  	_ =	shalt  }
0x81: {  	_ =	shalt  }
0x82: {  	_ =	shalt  }
0x83: {  	_ =	shalt  }
0x84: {  	_ =	shalt  }
0x85: {  	_ =	shalt  }
0x86: {  	_ =	shalt  }
0x87: {  	_ =	shalt  }
.Lfunc_end0:
.L_simem_size_0:
called_computation_lowered:
.L_overlay_start_0:
0x88: {  	s2 =	sld [smem:$0x3FD9]  }
0x89: {  	s3 =	sld [smem:$0x3FFE];
	_ =	sdelay $0x1  }
0x8a: {  	s1 =	srdreg.scid  }
0x8b: {  	s0 =	sand.u32 $0x1, s1  }
0x8c: {  	s17 =	sshll.u32 s0, $0xA;
	s2 =	sadd.s32 s3, s2  }
0x8d: {  	s2 =	sadd.s32 s2, s17  }
0x8e: {  	[smem:$0x3FC6] =	sst s2  }
0x8f: {  	_ = 	snop  }
0x90: {  	s2 =	sld [smem:$0x3FD0];
	(tm) =	ssettm $0x1  }
0x91: {  	s18 =	sld [smem:$0x3FFB];
	_ =	sdelay $0x3  }
0x92: {  	_ =	strace s18  }
0x93: {  	s3 =	sld [smem:$0x3FFC];
	_ =	sdelay $0x3  }
0x94: {  	_ =	strace s3  }
0x95: {  	s3 =	sld [smem:$0x3FFD];
	_ =	sdelay $0x3  }
0x96: {  	_ =	strace s3  }
0x97: {  	_ =	strace $0x8FFFFFFF  }
0x98: {  	s19 =	sld [smem:$0x3FDB];
	_ =	sdelay $0x1  }
0x99: {  	s4 =	simm.s32 $_scs_section_size  }
0x9a: {  	s5 =	simm.s32 $_size__tile_overlayer_lowered;
	s6 =	simm.s32 $_tile_overlayer_lowered  }
0x9b: {  	s22 =	simm.s32 $0x1BFF;
	s21 =	sshll.u32 s6, $0x1;
	s3 =	sadd.s32 s4, s19  }
0x9c: {  	s7 =	simm.s32 $0x0;
	s20 =	sshll.u32 s5, $0x1;
	s5 =	sadd.s32 s21, s3  }
0x9d: {  	[timem:s7], [sflag:s22] =	dma.local [hbm:s5], s20  }
0x9e: {  	_ =	swait.ge [sflag:s22], s20  }
0x9f: {  	s4 =	ssub.s32 $0x0, s20;
	[sflag:s22] =	ssyncset.done $0x0  }
0xa0: {  	[sflag:s22] =	ssyncadd.s32 s4;
	_ =	sdelay $0x1  }
0xa1: {  	s23 =	simm.s32 $0x1B8B  }
0xa2: {  	_ =	swait.ge [sflag:s23], $0x1  }
0xa3: {  	[sflag:s23] =	ssyncset.done $0x0  }
0xa4: {  	s25 =	simm.s32 $0x1B8E;
	s24 =	sld [smem:$0x3FFE];
	[sflag:s23] =	ssyncadd.s32 $0xFFFFFFFF  }
0xa5: {  	s26 =	simm.s32 $execute0_lowered;
	[smem:$0x3FD2] =	sst s25  }
0xa6: {  	s5 =	sshll.u32 s26, $0x1;
	_ =	strace $0x80000046;
	[dreg:$0x1] =	wrdreg $0xFFFFFFFF  }
0xa7: {  	s28 =	simm.s32 $_size_execute0_lowered;
	s3 =	sadd.s32 s3, s5;
	[dreg:$0x0] =	wrdreg $0x0  }
0xa8: {  	s5 =	sshll.u32 s28, $0x1;
	[dreg:$0x2] =	wrdreg s3  }
0xa9: {  	[dreg:$0x3] =	wrdreg s5  }
0xaa: {  	[dreg:$0x4] =	wrdreg $0xC0  }
0xab: {  	_ =	task [dreg:s7], $0x5FFFF  }
0xac: {  	[dreg:$0x1] =	wrdreg $0xFFFFFFFF  }
0xad: {  	[dreg:$0x0] =	wrdreg $0x60  }
0xae: {  	[dreg:$0x2] =	wrdreg s24  }
0xaf: {  	[dreg:$0x3] =	wrdreg s2  }
0xb0: {  	[dreg:$0x4] =	wrdreg $0x9  }
0xb1: {  	_ =	task.clear_ibuf [dreg:s7], $0x5FFFF;
	_ =	strace $0x90000046  }
0xb2: {  	s29 =	simm.s32 $0x9;
	_ =	strace $0x80000048  }
0xb3: {  	_ =	swait.ge [sflag:s29], $0x1  }
0xb4: {  	[sflag:s29] =	ssyncadd.s32 $0xFFFFFFFF  }
0xb5: {  	_ =	strace $0x90000048  }
0xb6: {  	_ =	sfence  }
0xb7: {  	s30 =	sld [smem:$0x0];
	_ =	sdelay $0x2  }
0xb8: {  	s31 =	sshll.u32 s1, $0xD;
	s1 =	sshrl.u32 s1, $0x2  }
0xb9: {  	s3 =	sand.u32 $0x4000, s31;
	s1 =	sadd.s32 s1, s30  }
0xba: {  	s0 =	sor.u32 s3, s0;
	s1 =	sshll.u32 s1, $0x11  }
0xbb: {  	s0 =	sor.u32 s1, s0  }
0xbc: {  	s0 =	sadd.s32 $0x8F2B, s0  }
0xbd: {  	[sflag:s0] =	ssyncadd.remote.s32 $0x1  }
0xbe: {  	_ =	sfence.sel $0xFFFF  }
0xbf: {  	[dreg:$0x0] =	wrdreg $0xFFFFFFFF;
	(pc) =	sbr.abs _section_cstart, $3  }
0xc0: {  	[dreg:$0x1] =	wrdreg $0xFFFFFFFF  }
0xc1: {  	_ =	task.clear_ibuf [dreg:s7], $0x2FFFF;
	_ =	strace $0x9FFFFFFF  }
0xc2: {  	(tm) =	ssettm $0x7FFFFFFF  }
0xc3: {  	_ =	shalt  }
tec
execute0_lowered:
.L_overlay_start_1:
0x0: {  	(tag) =	ssettag $0x1  }
0x1: {  	s0 =	rddreg [dreg:$0x0]  }
0x2: {  	s7 =	rddreg [dreg:$0x1];
	s2 =	simm.s32 $0x0;
	s1 =	srdreg.scid  }
0x3: {  	s3 =	stileid.u32;
	[smem:$0x7FF] =	sst s2;
	s4 =	sadd.s32 $0x64B600, s0  }
0x4: {  	s8 =	sadd.s32 $0x800, s0;
	s1 =	sand.u32 $0x1, s1;
	s3 =	sshll.u32 s3, $0x1  }
0x5: {  	s9 =	sadd.s32 $0x6A00, s0;
	s12 =	sadd.s32 $0xCC00, s0;
	s13 =	sadd.s32 $0x12E00, s0  }
0x6: {  	s14 =	sadd.s32 $0x19000, s0;
	_ =	strace $0x80000047;
	[dreg:$0x3] =	wrdreg s8  }
0x7: {  	s15 =	sadd.s32 $0x1F200, s0;
	s16 =	sadd.s32 $0x25400, s0;
	[dreg:$0x4] =	wrdreg s9  }
0x8: {  	s3 =	sor.u32 s1, s3;
	s1 =	ssub.s32 $0x2, s1;
	[dreg:$0x5] =	wrdreg s12  }
0x9: {  	[dreg:$0x6] =	wrdreg s13;
	s5 =	smul.u32 $0x1880, s3;
	s21 =	sshrl.u32 s1, $0x1  }
0xa: {  	s17 =	sadd.s32 $0x2B600, s0;
	[dreg:$0x7] =	wrdreg s14;
	s0 =	ssub.s32 s1, s21  }
0xb: {  	[dreg:$0x8] =	wrdreg s17;
	s6 =	sshrl.u32 s5, $0x3;
	s0 =	smax.u32 s0, $0x1  }
0xc: {  	s22 =	sadd.s32 s7, s6;
	[dreg:$0x1c] =	wrdreg s0  }
0xd: {  	s23 =	sadd.s32 s8, s6;
	[dreg:$0x9] =	wrdreg s22  }
0xe: {  	s24 =	sadd.s32 s9, s6;
	[dreg:$0xa] =	wrdreg s23  }
0xf: {  	s25 =	sadd.s32 s12, s6;
	[dreg:$0xb] =	wrdreg s24  }
0x10: {  	s26 =	sadd.s32 s13, s6;
	[dreg:$0xc] =	wrdreg s25  }
0x11: {  	s30 =	simm.s32 $0x4;
	s28 =	sadd.s32 s14, s6;
	[dreg:$0xd] =	wrdreg s26  }
0x12: {  	s11 =	smov.u32 s15;
	s29 =	sadd.s32 s15, s6;
	[dreg:$0xe] =	wrdreg s28  }
0x13: {  	s31 =	sor.u32 $0x4, s6;
	s6 =	sadd.s32 s16, s6;
	[dreg:$0xf] =	wrdreg s29  }
0x14: {  	s10 =	smov.u32 s16;
	[dreg:$0x10] =	wrdreg s6;
	s18 =	sadd.s32 s7, s31  }
0x15: {  	s19 =	sadd.s32 s8, s31;
	s20 =	sadd.s32 s9, s31;
	[dreg:$0x11] =	wrdreg s18  }
0x16: {  	s21 =	sadd.s32 s12, s31;
	s22 =	sadd.s32 s13, s31;
	[dreg:$0x12] =	wrdreg s19  }
0x17: {  	s23 =	sadd.s32 s14, s31;
	s24 =	sadd.s32 s15, s31;
	[dreg:$0x13] =	wrdreg s20  }
0x18: {  	s25 =	smul.u32 $0x31000, s3;
	s1 =	sadd.s32 s16, s31;
	[dreg:$0x14] =	wrdreg s21  }
0x19: {  	s26 =	smul.u32 $0x188000, s3;
	s28 =	sor.u32 $0x40, s5;
	[dreg:$0x15] =	wrdreg s22  }
0x1a: {  	s29 =	sor.u32 $0x60, s5;
	s14 =	simm.s32 $0x20;
	[dreg:$0x16] =	wrdreg s23  }
0x1b: {  	s6 =	simm.s32 $0x100;
	s7 =	simm.s32 $0x120;
	[dreg:$0x17] =	wrdreg s24  }
0x1c: {  	s8 =	simm.s32 $0x140;
	s9 =	simm.s32 $0x160;
	[dreg:$0x18] =	wrdreg s1  }
0x1d: {  	s12 =	simm.s32 $0x2;
	s5 =	simm.s32 $0x0;
	[dreg:$0x1a] =	wrdreg s28  }
0x1e: {  	[dreg:$0x1b] =	wrdreg s29;
	s18 =	simm.s32 $0xA0;
	s19 =	simm.s32 $0xC0  }
0x1f: {  	s20 =	simm.s32 $0xE0;
	s21 =	simm.s32 $0x1;
	s22 =	simm.s32 $0x180  }
0x20: {  	s23 =	simm.s32 $0x1A0;
	s24 =	simm.s32 $0x1C0;
	s31 =	sadd.s32 s25, s17  }
0x21: {  	s1 =	simm.s32 $0x3;
	[dreg:$0x19] =	wrdreg s26;
	s0 =	sadd.s32 $0x400, s31  }
0x22: {  	s17 =	simm.s32 $0x80;
	s25 =	simm.s32 $0x1E0;
	[dreg:$0x1d] =	wrdreg s0  }
.LBB2_1:
0x23: {  	[dreg:$0x1e] =	wrdreg s5  }
0x24: {  	s0 =	rddreg [dreg:$0x9]  }
0x25: {  	[tilespmem:s2], [sflag:$0x1] =	stream.linear.gather [hbm4b:s0+s2], $0x20, $0x38;
	[tilespmem:$0x14200] =	vst v63  }
0x26: {  	s15 =	rddreg [dreg:$0xa]  }
0x27: {  	[tilespmem:s14], [sflag:$0x1] =	stream.linear.gather [hbm4b:s15+s2], $0x20, $0x38;
	[tilespmem:$0x14200] =	vst v63  }
0x28: {  	s16 =	rddreg [dreg:$0xb];
	s3 =	simm.s32 $0x40  }
0x29: {  	[tilespmem:s3], [sflag:$0x1] =	stream.linear.gather [hbm4b:s16+s2], $0x20, $0x38;
	[tilespmem:$0x14200] =	vst v63  }
0x2a: {  	s26 =	rddreg [dreg:$0xc];
	s5 =	simm.s32 $0x60  }
0x2b: {  	[tilespmem:s5], [sflag:$0x1] =	stream.linear.gather [hbm4b:s26+s2], $0x20, $0x38;
	[tilespmem:$0x14200] =	vst v63  }
0x2c: {  	s28 =	rddreg [dreg:$0xd]  }
0x2d: {  	[tilespmem:s17], [sflag:$0x1] =	stream.linear.gather [hbm4b:s28+s2], $0x20, $0x38;
	[tilespmem:$0x14200] =	vst v63  }
0x2e: {  	s29 =	rddreg [dreg:$0xe]  }
0x2f: {  	[tilespmem:s18], [sflag:$0x1] =	stream.linear.gather [hbm4b:s29+s2], $0x20, $0x38;
	[tilespmem:$0x14200] =	vst v63  }
0x30: {  	s13 =	rddreg [dreg:$0xf]  }
0x31: {  	[tilespmem:s19], [sflag:$0x1] =	stream.linear.gather [hbm4b:s13+s2], $0x20, $0x38;
	[tilespmem:$0x14200] =	vst v63  }
0x32: {  	s15 =	rddreg [dreg:$0x10]  }
0x33: {  	[tilespmem:s20], [sflag:$0x1] =	stream.linear.gather [hbm4b:s15+s2], $0x20, $0x38;
	[tilespmem:$0x14200] =	vst v63  }
0x34: {  	_ =	swait.ge [sflag:s21], $0x20  }
0x35: {  	[sflag:s21] =	ssyncset.done $0x0  }
0x36: {  	[sflag:s21] =	ssyncadd.s32 $0xFFFFFFE0  }
0x37: {  	_ =	swait.ge [sflag:s21], $0x20  }
0x38: {  	[sflag:s21] =	ssyncset.done $0x0  }
0x39: {  	[sflag:s21] =	ssyncadd.s32 $0xFFFFFFE0  }
0x3a: {  	_ =	swait.ge [sflag:s21], $0x20  }
0x3b: {  	[sflag:s21] =	ssyncset.done $0x0  }
0x3c: {  	[sflag:s21] =	ssyncadd.s32 $0xFFFFFFE0  }
0x3d: {  	_ =	swait.ge [sflag:s21], $0x20  }
0x3e: {  	[sflag:s21] =	ssyncset.done $0x0  }
0x3f: {  	[sflag:s21] =	ssyncadd.s32 $0xFFFFFFE0  }
0x40: {  	_ =	swait.ge [sflag:s21], $0x20  }
0x41: {  	[sflag:s21] =	ssyncset.done $0x0  }
0x42: {  	[sflag:s21] =	ssyncadd.s32 $0xFFFFFFE0  }
0x43: {  	_ =	swait.ge [sflag:s21], $0x20  }
0x44: {  	[sflag:s21] =	ssyncset.done $0x0  }
0x45: {  	[sflag:s21] =	ssyncadd.s32 $0xFFFFFFE0  }
0x46: {  	_ =	swait.ge [sflag:s21], $0x20  }
0x47: {  	[sflag:s21] =	ssyncset.done $0x0  }
0x48: {  	[sflag:s21] =	ssyncadd.s32 $0xFFFFFFE0  }
0x49: {  	_ =	swait.ge [sflag:s21], $0x20  }
0x4a: {  	[sflag:s21] =	ssyncset.done $0x0  }
0x4b: {  	s16 =	simm.s32 $0x200;
	[sflag:s21] =	ssyncadd.s32 $0xFFFFFFE0  }
0x4c: {  	[tilespmem:s16], [sflag:$0x3] =	stream.indirect.gather [hbm4b:s4+s14], $0x100, s2, s14, $0xb8;
	[tilespmem:$0x14200] =	vst v63  }
0x4d: {  	s26 =	simm.s32 $0x2200  }
0x4e: {  	[tilespmem:s26], [sflag:$0x3] =	stream.indirect.gather [hbm4b:s4+s14], $0x100, s14, s14, $0xb8;
	[tilespmem:$0x14200] =	vst v63  }
0x4f: {  	s28 =	simm.s32 $0x4200  }
0x50: {  	[tilespmem:s28], [sflag:$0x3] =	stream.indirect.gather [hbm4b:s4+s14], $0x100, s3, s14, $0xb8;
	[tilespmem:$0x14200] =	vst v63  }
0x51: {  	s29 =	simm.s32 $0x6200  }
0x52: {  	[tilespmem:s29], [sflag:$0x3] =	stream.indirect.gather [hbm4b:s4+s14], $0x100, s5, s14, $0xb8;
	[tilespmem:$0x14200] =	vst v63  }
0x53: {  	s3 =	rddreg [dreg:$0x11]  }
0x54: {  	[tilespmem:s6], [sflag:$0x2] =	stream.linear.gather [hbm4b:s3+s2], $0x20, $0x38;
	[tilespmem:$0x14200] =	vst v63  }
0x55: {  	s5 =	rddreg [dreg:$0x12]  }
0x56: {  	[tilespmem:s7], [sflag:$0x2] =	stream.linear.gather [hbm4b:s5+s2], $0x20, $0x38;
	[tilespmem:$0x14200] =	vst v63  }
0x57: {  	s13 =	rddreg [dreg:$0x13]  }
0x58: {  	[tilespmem:s8], [sflag:$0x2] =	stream.linear.gather [hbm4b:s13+s2], $0x20, $0x38;
	[tilespmem:$0x14200] =	vst v63  }
0x59: {  	s15 =	rddreg [dreg:$0x14]  }
0x5a: {  	[tilespmem:s9], [sflag:$0x2] =	stream.linear.gather [hbm4b:s15+s2], $0x20, $0x38;
	[tilespmem:$0x14200] =	vst v63  }
0x5b: {  	s16 =	rddreg [dreg:$0x15]  }
0x5c: {  	[tilespmem:s22], [sflag:$0x2] =	stream.linear.gather [hbm4b:s16+s2], $0x20, $0x38;
	[tilespmem:$0x14200] =	vst v63  }
0x5d: {  	s26 =	rddreg [dreg:$0x16]  }
0x5e: {  	[tilespmem:s23], [sflag:$0x2] =	stream.linear.gather [hbm4b:s26+s2], $0x20, $0x38;
	[tilespmem:$0x14200] =	vst v63  }
0x5f: {  	s28 =	rddreg [dreg:$0x17]  }
0x60: {  	[tilespmem:s24], [sflag:$0x2] =	stream.linear.gather [hbm4b:s28+s2], $0x20, $0x38;
	[tilespmem:$0x14200] =	vst v63  }
0x61: {  	s31 =	simm.s32 $0x0;
	s29 =	rddreg [dreg:$0x18]  }
0x62: {  	[tilespmem:s25], [sflag:$0x2] =	stream.linear.gather [hbm4b:s29+s2], $0x20, $0x38;
	[tilespmem:$0x14200] =	vst v63  }
.LBB2_2:
0x63: {  	_ =	swait.ge [sflag:s1], $0x2000  }
0x64: {  	[sflag:s1] =	ssyncset.done $0x0  }
0x65: {  	[sflag:s1] =	ssyncadd.s32 $0xFFFFE000  }
0x66: {  	_ =	swait.ge [sflag:s1], $0x2000  }
0x67: {  	[sflag:s1] =	ssyncset.done $0x0  }
0x68: {  	[sflag:s1] =	ssyncadd.s32 $0xFFFFE000  }
0x69: {  	_ =	swait.ge [sflag:s1], $0x2000  }
0x6a: {  	[sflag:s1] =	ssyncset.done $0x0  }
0x6b: {  	[sflag:s1] =	ssyncadd.s32 $0xFFFFE000  }
0x6c: {  	_ =	swait.ge [sflag:s1], $0x2000  }
0x6d: {  	[sflag:s1] =	ssyncset.done $0x0  }
0x6e: {  	[sflag:s1] =	ssyncadd.s32 $0xFFFFE000  }
0x6f: {  	_ =	swait.ge [sflag:s12], $0x20  }
0x70: {  	[sflag:s12] =	ssyncset.done $0x0  }
0x71: {  	[sflag:s12] =	ssyncadd.s32 $0xFFFFFFE0  }
0x72: {  	_ =	swait.ge [sflag:s12], $0x20  }
0x73: {  	[sflag:s12] =	ssyncset.done $0x0  }
0x74: {  	[sflag:s12] =	ssyncadd.s32 $0xFFFFFFE0  }
0x75: {  	_ =	swait.ge [sflag:s12], $0x20  }
0x76: {  	[sflag:s12] =	ssyncset.done $0x0  }
0x77: {  	[sflag:s12] =	ssyncadd.s32 $0xFFFFFFE0  }
0x78: {  	_ =	swait.ge [sflag:s12], $0x20  }
0x79: {  	[sflag:s12] =	ssyncset.done $0x0  }
0x7a: {  	[sflag:s12] =	ssyncadd.s32 $0xFFFFFFE0  }
0x7b: {  	_ =	swait.ge [sflag:s12], $0x20  }
0x7c: {  	[sflag:s12] =	ssyncset.done $0x0  }
0x7d: {  	[sflag:s12] =	ssyncadd.s32 $0xFFFFFFE0  }
0x7e: {  	_ =	swait.ge [sflag:s12], $0x20  }
0x7f: {  	[sflag:s12] =	ssyncset.done $0x0  }
0x80: {  	[sflag:s12] =	ssyncadd.s32 $0xFFFFFFE0  }
0x81: {  	_ =	swait.ge [sflag:s12], $0x20  }
0x82: {  	[sflag:s12] =	ssyncset.done $0x0  }
0x83: {  	[sflag:s12] =	ssyncadd.s32 $0xFFFFFFE0  }
0x84: {  	_ =	swait.ge [sflag:s12], $0x20  }
0x85: {  	[sflag:s12] =	ssyncset.done $0x0  }
0x86: {  	s0 =	simm.s32 $0x8200;
	[sflag:s12] =	ssyncadd.s32 $0xFFFFFFE0  }
0x87: {  	[tilespmem:s0], [sflag:$0x4] =	stream.indirect.gather [hbm4b:s4+s14], $0x100, s6, s14, $0xb8;
	[tilespmem:$0x14200] =	vst v63  }
0x88: {  	s13 =	simm.s32 $0xA200  }
0x89: {  	[tilespmem:s13], [sflag:$0x4] =	stream.indirect.gather [hbm4b:s4+s14], $0x100, s7, s14, $0xb8;
	[tilespmem:$0x14200] =	vst v63  }
0x8a: {  	s15 =	simm.s32 $0xC200;
	s26 =	simm.s32 $0x0;
	p0 =	seq.s32 s31, $0x0  }
0x8b: {  	[tilespmem:s15], [sflag:$0x4] =	stream.indirect.gather [hbm4b:s4+s14], $0x100, s8, s14, $0xb8;
	[tilespmem:$0x14200] =	vst v63  }
0x8c: {  	s16 =	simm.s32 $0xE200;
	v3 =	vmov s26;
	s0 =	simm.s32 @!p0 $0x5  }
0x8d: {  	[tilespmem:s16], [sflag:$0x4] =	stream.indirect.gather [hbm4b:s4+s14], $0x100, s9, s14, $0xb8;
	[tilespmem:$0x14200] =	vst v63  }
0x8e: {  	_ =	swait.ge @!p0 [sflag:s0], $0x2000  }
0x8f: {  	[sflag:s0] =	ssyncset.done @!p0 $0x0  }
0x90: {  	[sflag:s0] =	ssyncadd.s32 @!p0 $0xFFFFE000  }
0x91: {  	v0 =	vld.idx.msk [tilespmem:v3+s18+$0x0], $0xffff  }
0x92: {  	s13 =	simm.s32 $0x2260;
	v1 =	vld.idx.msk [tilespmem:v3+s17+$0x0], $0xffff  }
0x93: {  	s26 =	simm.s32 $0x260;
	v4 =	vld [tilespmem:s13+$0xFFFFFFA0]  }
0x94: {  	v5 =	vld [tilespmem:s26+$0xFFFFFFA0]  }
0x95: {  	s28 =	simm.s32 $0x4260;
	v2 =	vld.idx.msk [tilespmem:v3+s19+$0x0], $0xffff  }
0x96: {  	v6 =	vld [tilespmem:s28+$0xFFFFFFA0]  }
0x97: {  	s29 =	simm.s32 $0x6260;
	v3 =	vld.idx.msk [tilespmem:v3+s20+$0x0], $0xffff  }
0x98: {  	v7 =	vld [tilespmem:s29+$0xFFFFFFA0]  }
0x99: {  	v5 =	vmul.f32 v5, v1;
	v4 =	vmul.f32 v4, v0;
	_ =	sdelay $0x1  }
0x9a: {  	v4 =	vadd.f32 v4, v5;
	v5 =	vmul.f32 v6, v2;
	_ =	sdelay $0x1  }
0x9b: {  	v4 =	vadd.f32 v5, v4;
	v5 =	vmul.f32 v7, v3;
	_ =	sdelay $0x1  }
0x9c: {  	v4 =	vadd.f32 v5, v4  }
0x9d: {  	s3 =	simm.s32 $0x10260  }
0x9e: {  	[tilespmem:s3+$0xFFFFFFA0] =	vst v4  }
0x9f: {  	v4 =	vld [tilespmem:s26+$0xFFFFFFB0]  }
0xa0: {  	v5 =	vld [tilespmem:s13+$0xFFFFFFB0];
	_ =	sdelay $0x1  }
0xa1: {  	v6 =	vld [tilespmem:s28+$0xFFFFFFB0];
	_ =	sdelay $0x1  }
0xa2: {  	v7 =	vld [tilespmem:s29+$0xFFFFFFB0]  }
0xa3: {  	v4 =	vmul.f32 v4, v1;
	v5 =	vmul.f32 v5, v0;
	_ =	sdelay $0x1  }
0xa4: {  	v4 =	vadd.f32 v5, v4;
	v5 =	vmul.f32 v6, v2;
	_ =	sdelay $0x1  }
0xa5: {  	v4 =	vadd.f32 v5, v4;
	v5 =	vmul.f32 v7, v3;
	_ =	sdelay $0x1  }
0xa6: {  	v4 =	vadd.f32 v5, v4;
	_ =	sdelay $0x1  }
0xa7: {  	[tilespmem:s3+$0xFFFFFFB0] =	vst v4  }
0xa8: {  	v4 =	vld [tilespmem:s26+$0xFFFFFFC0]  }
0xa9: {  	v5 =	vld [tilespmem:s13+$0xFFFFFFC0];
	_ =	sdelay $0x1  }
0xaa: {  	v6 =	vld [tilespmem:s28+$0xFFFFFFC0];
	_ =	sdelay $0x1  }
0xab: {  	v7 =	vld [tilespmem:s29+$0xFFFFFFC0]  }
0xac: {  	v4 =	vmul.f32 v4, v1;
	v5 =	vmul.f32 v5, v0;
	_ =	sdelay $0x1  }
0xad: {  	v4 =	vadd.f32 v5, v4;
	v5 =	vmul.f32 v6, v2;
	_ =	sdelay $0x1  }
0xae: {  	v4 =	vadd.f32 v5, v4;
	v5 =	vmul.f32 v7, v3;
	_ =	sdelay $0x1  }
0xaf: {  	v4 =	vadd.f32 v5, v4;
	_ =	sdelay $0x1  }
0xb0: {  	[tilespmem:s3+$0xFFFFFFC0] =	vst v4  }
0xb1: {  	v4 =	vld [tilespmem:s26+$0xFFFFFFD0]  }
0xb2: {  	v5 =	vld [tilespmem:s13+$0xFFFFFFD0];
	_ =	sdelay $0x1  }
0xb3: {  	v6 =	vld [tilespmem:s28+$0xFFFFFFD0];
	_ =	sdelay $0x1  }
0xb4: {  	v7 =	vld [tilespmem:s29+$0xFFFFFFD0]  }
0xb5: {  	v4 =	vmul.f32 v4, v1;
	v5 =	vmul.f32 v5, v0;
	_ =	sdelay $0x1  }
0xb6: {  	v4 =	vadd.f32 v5, v4;
	v5 =	vmul.f32 v6, v2;
	_ =	sdelay $0x1  }
0xb7: {  	v4 =	vadd.f32 v5, v4;
	v5 =	vmul.f32 v7, v3;
	_ =	sdelay $0x1  }
0xb8: {  	v4 =	vadd.f32 v5, v4;
	_ =	sdelay $0x1  }
0xb9: {  	[tilespmem:s3+$0xFFFFFFD0] =	vst v4  }
0xba: {  	v4 =	vld [tilespmem:s26+$0xFFFFFFE0]  }
0xbb: {  	v5 =	vld [tilespmem:s13+$0xFFFFFFE0];
	_ =	sdelay $0x1  }
0xbc: {  	v6 =	vld [tilespmem:s28+$0xFFFFFFE0];
	_ =	sdelay $0x1  }
0xbd: {  	v7 =	vld [tilespmem:s29+$0xFFFFFFE0]  }
0xbe: {  	v4 =	vmul.f32 v4, v1;
	v5 =	vmul.f32 v5, v0;
	_ =	sdelay $0x1  }
0xbf: {  	v4 =	vadd.f32 v5, v4;
	v5 =	vmul.f32 v6, v2;
	_ =	sdelay $0x1  }
0xc0: {  	v4 =	vadd.f32 v5, v4;
	v5 =	vmul.f32 v7, v3;
	_ =	sdelay $0x1  }
0xc1: {  	v4 =	vadd.f32 v5, v4;
	_ =	sdelay $0x1  }
0xc2: {  	[tilespmem:s3+$0xFFFFFFE0] =	vst v4  }
0xc3: {  	v4 =	vld [tilespmem:s26+$0xFFFFFFF0]  }
0xc4: {  	v5 =	vld [tilespmem:s13+$0xFFFFFFF0];
	_ =	sdelay $0x1  }
0xc5: {  	v6 =	vld [tilespmem:s28+$0xFFFFFFF0];
	_ =	sdelay $0x1  }
0xc6: {  	v7 =	vld [tilespmem:s29+$0xFFFFFFF0]  }
0xc7: {  	v4 =	vmul.f32 v4, v1;
	v5 =	vmul.f32 v5, v0;
	_ =	sdelay $0x1  }
0xc8: {  	v4 =	vadd.f32 v5, v4;
	v5 =	vmul.f32 v6, v2;
	_ =	sdelay $0x1  }
0xc9: {  	v4 =	vadd.f32 v5, v4;
	v5 =	vmul.f32 v7, v3;
	_ =	sdelay $0x1  }
0xca: {  	v4 =	vadd.f32 v5, v4;
	_ =	sdelay $0x1  }
0xcb: {  	[tilespmem:s3+$0xFFFFFFF0] =	vst v4  }
0xcc: {  	v4 =	vld [tilespmem:s26+$0x0]  }
0xcd: {  	v5 =	vld [tilespmem:s13+$0x0];
	_ =	sdelay $0x1  }
0xce: {  	v6 =	vld [tilespmem:s28+$0x0];
	_ =	sdelay $0x1  }
0xcf: {  	v7 =	vld [tilespmem:s29+$0x0]  }
0xd0: {  	v4 =	vmul.f32 v4, v1;
	v5 =	vmul.f32 v5, v0;
	_ =	sdelay $0x1  }
0xd1: {  	v4 =	vadd.f32 v5, v4;
	v5 =	vmul.f32 v6, v2;
	_ =	sdelay $0x1  }
0xd2: {  	v4 =	vadd.f32 v5, v4;
	v5 =	vmul.f32 v7, v3;
	_ =	sdelay $0x1  }
0xd3: {  	v4 =	vadd.f32 v5, v4;
	_ =	sdelay $0x1  }
0xd4: {  	[tilespmem:s3+$0x0] =	vst v4  }
0xd5: {  	v4 =	vld [tilespmem:s13+$0x10]  }
0xd6: {  	v5 =	vld [tilespmem:s26+$0x10];
	_ =	sdelay $0x1  }
0xd7: {  	v6 =	vld [tilespmem:s28+$0x10];
	_ =	sdelay $0x1  }
0xd8: {  	v7 =	vld [tilespmem:s29+$0x10]  }
0xd9: {  	v4 =	vmul.f32 v4, v0;
	v5 =	vmul.f32 v5, v1;
	_ =	sdelay $0x1  }
0xda: {  	v4 =	vadd.f32 v4, v5;
	v5 =	vmul.f32 v6, v2;
	_ =	sdelay $0x1  }
0xdb: {  	v6 =	vmul.f32 v7, v3;
	v4 =	vadd.f32 v5, v4;
	_ =	sdelay $0x1  }
0xdc: {  	v4 =	vadd.f32 v6, v4;
	_ =	sdelay $0x1  }
0xdd: {  	[tilespmem:s3+$0x10] =	vst v4  }
0xde: {  	v4 =	vld [tilespmem:s26+$0x20]  }
0xdf: {  	v5 =	vld [tilespmem:s13+$0x20];
	_ =	sdelay $0x1  }
0xe0: {  	v6 =	vld [tilespmem:s28+$0x20];
	_ =	sdelay $0x1  }
0xe1: {  	v7 =	vld [tilespmem:s29+$0x20]  }
0xe2: {  	v4 =	vmul.f32 v4, v1;
	v5 =	vmul.f32 v5, v0;
	_ =	sdelay $0x1  }
0xe3: {  	v4 =	vadd.f32 v5, v4;
	v5 =	vmul.f32 v6, v2;
	_ =	sdelay $0x1  }
0xe4: {  	v6 =	vmul.f32 v7, v3;
	v4 =	vadd.f32 v5, v4;
	_ =	sdelay $0x1  }
0xe5: {  	v4 =	vadd.f32 v6, v4;
	_ =	sdelay $0x1  }
0xe6: {  	[tilespmem:s3+$0x20] =	vst v4  }
0xe7: {  	v4 =	vld [tilespmem:s26+$0x30]  }
0xe8: {  	v5 =	vld [tilespmem:s13+$0x30];
	_ =	sdelay $0x1  }
0xe9: {  	v6 =	vld [tilespmem:s28+$0x30];
	_ =	sdelay $0x1  }
0xea: {  	v7 =	vld [tilespmem:s29+$0x30]  }
0xeb: {  	v4 =	vmul.f32 v4, v1;
	v5 =	vmul.f32 v5, v0;
	_ =	sdelay $0x1  }
0xec: {  	v4 =	vadd.f32 v5, v4;
	v5 =	vmul.f32 v6, v2;
	_ =	sdelay $0x1  }
0xed: {  	v6 =	vmul.f32 v7, v3;
	v4 =	vadd.f32 v5, v4;
	_ =	sdelay $0x1  }
0xee: {  	v4 =	vadd.f32 v6, v4;
	_ =	sdelay $0x1  }
0xef: {  	[tilespmem:s3+$0x30] =	vst v4  }
0xf0: {  	v7 =	vld [tilespmem:s26+$0x40]  }
0xf1: {  	v6 =	vld [tilespmem:s13+$0x40]  }
0xf2: {  	v5 =	vld [tilespmem:s28+$0x40]  }
0xf3: {  	s5 =	simm.s32 $0x6260;
	v4 =	vld [tilespmem:s29+$0x40]  }
0xf4: {  	s6 =	simm.s32 $0x1;
	s7 =	simm.s32 $0x2360;
	s8 =	simm.s32 $0x360  }
0xf5: {  	s15 =	simm.s32 $0x10260;
	s16 =	simm.s32 $0x4260;
	s0 =	sshll.u32 s31, $0x1;
	v7 =	vmul.f32 v7, v1  }
.LBB2_3:
0xf6: {  	v6 =	vmul.f32 v6, v0;
	s3 =	sadd.s32 $0x100, s3;
	s29 =	sadd.s32 $0x100, s29;
	s28 =	sadd.s32 $0x100, s28  }
0xf7: {  	p1 =	sne.s32 s6, $0x1F;
	s9 =	smov.u32 s6;
	s6 =	sadd.s32 $0x1, s6;
	v5 =	vmul.f32 v5, v2  }
0xf8: {  	v6 =	vadd.f32 v6, v7;
	v4 =	vmul.f32 v4, v3;
	_ =	sdelay $0x1  }
0xf9: {  	v5 =	vadd.f32 v5, v6;
	_ =	sdelay $0x1  }
0xfa: {  	v4 =	vadd.f32 v4, v5;
	_ =	sdelay $0x1  }
0xfb: {  	[tilespmem:s15+$0x40] =	vst v4  }
0xfc: {  	v4 =	vld [tilespmem:s13+$0x50];
	s13 =	smov.u32 s7  }
0xfd: {  	v5 =	vmov s9;
	v6 =	vld [tilespmem:s26+$0x50];
	s26 =	smov.u32 s8  }
0xfe: {  	v7 =	vld [tilespmem:s16+$0x50];
	s16 =	smov.u32 s28  }
0xff: {  	v8 =	vld [tilespmem:s5+$0x50];
	s5 =	smov.u32 s29;
	_ =	sdelay $0x1  }
0x100: {  	v0 =	vmul.f32 v4, v0  }
0x101: {  	v1 =	vmul.f32 v6, v1;
	_ =	sdelay $0x1  }
0x102: {  	v0 =	vadd.f32 v0, v1;
	v1 =	vmul.f32 v7, v2;
	v2 =	vmul.f32 v8, v3;
	_ =	sdelay $0x1  }
0x103: {  	v0 =	vadd.f32 v1, v0;
	_ =	sdelay $0x1  }
0x104: {  	v0 =	vadd.f32 v2, v0;
	_ =	sdelay $0x1  }
0x105: {  	[tilespmem:s15+$0x50] =	vst v0;
	s15 =	smov.u32 s3;
	_ =	sdelay $0x1  }
0x106: {  	v0 =	vld.idx.msk [tilespmem:v5+s18+$0x0], $0xffff  }
0x107: {  	v1 =	vld.idx.msk [tilespmem:v5+s17+$0x0], $0xffff  }
0x108: {  	v4 =	vld [tilespmem:s7+$0xFFFFFFA0]  }
0x109: {  	v6 =	vld [tilespmem:s8+$0xFFFFFFA0]  }
0x10a: {  	v2 =	vld.idx.msk [tilespmem:v5+s19+$0x0], $0xffff  }
0x10b: {  	v7 =	vld [tilespmem:s28+$0xFFFFFFA0]  }
0x10c: {  	v3 =	vld.idx.msk [tilespmem:v5+s20+$0x0], $0xffff  }
0x10d: {  	v5 =	vld [tilespmem:s29+$0xFFFFFFA0]  }
0x10e: {  	v4 =	vmul.f32 v4, v0;
	v6 =	vmul.f32 v6, v1;
	_ =	sdelay $0x1  }
0x10f: {  	v4 =	vadd.f32 v4, v6;
	v6 =	vmul.f32 v7, v2;
	_ =	sdelay $0x1  }
0x110: {  	v4 =	vadd.f32 v6, v4;
	v5 =	vmul.f32 v5, v3;
	_ =	sdelay $0x1  }
0x111: {  	v4 =	vadd.f32 v5, v4;
	_ =	sdelay $0x1  }
0x112: {  	[tilespmem:s3+$0xFFFFFFA0] =	vst v4  }
0x113: {  	v4 =	vld [tilespmem:s8+$0xFFFFFFB0]  }
0x114: {  	v5 =	vld [tilespmem:s7+$0xFFFFFFB0];
	_ =	sdelay $0x1  }
0x115: {  	v6 =	vld [tilespmem:s28+$0xFFFFFFB0];
	_ =	sdelay $0x1  }
0x116: {  	v4 =	vmul.f32 v4, v1;
	v7 =	vld [tilespmem:s29+$0xFFFFFFB0]  }
0x117: {  	v5 =	vmul.f32 v5, v0;
	_ =	sdelay $0x1  }
0x118: {  	v4 =	vadd.f32 v5, v4;
	v5 =	vmul.f32 v6, v2;
	_ =	sdelay $0x1  }
0x119: {  	v4 =	vadd.f32 v5, v4;
	v5 =	vmul.f32 v7, v3;
	_ =	sdelay $0x1  }
0x11a: {  	v4 =	vadd.f32 v5, v4;
	_ =	sdelay $0x1  }
0x11b: {  	[tilespmem:s3+$0xFFFFFFB0] =	vst v4  }
0x11c: {  	v4 =	vld [tilespmem:s8+$0xFFFFFFC0]  }
0x11d: {  	v5 =	vld [tilespmem:s7+$0xFFFFFFC0];
	_ =	sdelay $0x1  }
0x11e: {  	v6 =	vld [tilespmem:s28+$0xFFFFFFC0];
	_ =	sdelay $0x1  }
0x11f: {  	v4 =	vmul.f32 v4, v1;
	v7 =	vld [tilespmem:s29+$0xFFFFFFC0]  }
0x120: {  	v5 =	vmul.f32 v5, v0;
	_ =	sdelay $0x1  }
0x121: {  	v4 =	vadd.f32 v5, v4;
	v5 =	vmul.f32 v6, v2;
	_ =	sdelay $0x1  }
0x122: {  	v4 =	vadd.f32 v5, v4;
	v5 =	vmul.f32 v7, v3;
	_ =	sdelay $0x1  }
0x123: {  	v4 =	vadd.f32 v5, v4;
	_ =	sdelay $0x1  }
0x124: {  	[tilespmem:s3+$0xFFFFFFC0] =	vst v4  }
0x125: {  	v4 =	vld [tilespmem:s8+$0xFFFFFFD0]  }
0x126: {  	v5 =	vld [tilespmem:s7+$0xFFFFFFD0];
	_ =	sdelay $0x1  }
0x127: {  	v6 =	vld [tilespmem:s28+$0xFFFFFFD0];
	_ =	sdelay $0x1  }
0x128: {  	v4 =	vmul.f32 v4, v1;
	v7 =	vld [tilespmem:s29+$0xFFFFFFD0]  }
0x129: {  	v5 =	vmul.f32 v5, v0;
	_ =	sdelay $0x1  }
0x12a: {  	v4 =	vadd.f32 v5, v4;
	v5 =	vmul.f32 v6, v2;
	_ =	sdelay $0x1  }
0x12b: {  	v4 =	vadd.f32 v5, v4;
	v5 =	vmul.f32 v7, v3;
	_ =	sdelay $0x1  }
0x12c: {  	v4 =	vadd.f32 v5, v4;
	_ =	sdelay $0x1  }
0x12d: {  	[tilespmem:s3+$0xFFFFFFD0] =	vst v4  }
0x12e: {  	v4 =	vld [tilespmem:s8+$0xFFFFFFE0]  }
0x12f: {  	v5 =	vld [tilespmem:s7+$0xFFFFFFE0];
	_ =	sdelay $0x1  }
0x130: {  	v6 =	vld [tilespmem:s28+$0xFFFFFFE0];
	_ =	sdelay $0x1  }
0x131: {  	v4 =	vmul.f32 v4, v1;
	v7 =	vld [tilespmem:s29+$0xFFFFFFE0]  }
0x132: {  	v5 =	vmul.f32 v5, v0;
	_ =	sdelay $0x1  }
0x133: {  	v4 =	vadd.f32 v5, v4;
	v5 =	vmul.f32 v6, v2;
	_ =	sdelay $0x1  }
0x134: {  	v4 =	vadd.f32 v5, v4;
	v5 =	vmul.f32 v7, v3;
	_ =	sdelay $0x1  }
0x135: {  	v4 =	vadd.f32 v5, v4;
	_ =	sdelay $0x1  }
0x136: {  	[tilespmem:s3+$0xFFFFFFE0] =	vst v4  }
0x137: {  	v4 =	vld [tilespmem:s8+$0xFFFFFFF0]  }
0x138: {  	v5 =	vld [tilespmem:s7+$0xFFFFFFF0]  }
0x139: {  	v6 =	vld [tilespmem:s28+$0xFFFFFFF0];
	_ =	sdelay $0x2  }
0x13a: {  	v4 =	vmul.f32 v4, v1;
	v7 =	vld [tilespmem:s29+$0xFFFFFFF0]  }
0x13b: {  	v5 =	vmul.f32 v5, v0;
	_ =	sdelay $0x1  }
0x13c: {  	v4 =	vadd.f32 v5, v4;
	v5 =	vmul.f32 v6, v2;
	_ =	sdelay $0x1  }
0x13d: {  	v4 =	vadd.f32 v5, v4;
	v5 =	vmul.f32 v7, v3;
	_ =	sdelay $0x1  }
0x13e: {  	v4 =	vadd.f32 v5, v4;
	_ =	sdelay $0x1  }
0x13f: {  	[tilespmem:s3+$0xFFFFFFF0] =	vst v4  }
0x140: {  	v4 =	vld [tilespmem:s8+$0x0]  }
0x141: {  	v5 =	vld [tilespmem:s7+$0x0]  }
0x142: {  	v6 =	vld [tilespmem:s28+$0x0];
	_ =	sdelay $0x2  }
0x143: {  	v4 =	vmul.f32 v4, v1;
	v7 =	vld [tilespmem:s29+$0x0]  }
0x144: {  	v5 =	vmul.f32 v5, v0;
	_ =	sdelay $0x1  }
0x145: {  	v4 =	vadd.f32 v5, v4;
	v5 =	vmul.f32 v6, v2;
	_ =	sdelay $0x1  }
0x146: {  	v4 =	vadd.f32 v5, v4;
	v5 =	vmul.f32 v7, v3;
	_ =	sdelay $0x1  }
0x147: {  	v4 =	vadd.f32 v5, v4;
	_ =	sdelay $0x1  }
0x148: {  	[tilespmem:s3+$0x0] =	vst v4  }
0x149: {  	v4 =	vld [tilespmem:s7+$0x10]  }
0x14a: {  	v5 =	vld [tilespmem:s8+$0x10]  }
0x14b: {  	v6 =	vld [tilespmem:s28+$0x10]  }
0x14c: {  	v7 =	vld [tilespmem:s29+$0x10];
	_ =	sdelay $0x1  }
0x14d: {  	v4 =	vmul.f32 v4, v0  }
0x14e: {  	v5 =	vmul.f32 v5, v1;
	_ =	sdelay $0x1  }
0x14f: {  	v4 =	vadd.f32 v4, v5;
	v5 =	vmul.f32 v6, v2;
	v6 =	vmul.f32 v7, v3;
	_ =	sdelay $0x1  }
0x150: {  	v4 =	vadd.f32 v5, v4;
	_ =	sdelay $0x1  }
0x151: {  	v4 =	vadd.f32 v6, v4;
	_ =	sdelay $0x1  }
0x152: {  	[tilespmem:s3+$0x10] =	vst v4  }
0x153: {  	v4 =	vld [tilespmem:s8+$0x20]  }
0x154: {  	v5 =	vld [tilespmem:s7+$0x20]  }
0x155: {  	v6 =	vld [tilespmem:s28+$0x20]  }
0x156: {  	v7 =	vld [tilespmem:s29+$0x20];
	_ =	sdelay $0x1  }
0x157: {  	v4 =	vmul.f32 v4, v1  }
0x158: {  	v5 =	vmul.f32 v5, v0;
	_ =	sdelay $0x1  }
0x159: {  	v4 =	vadd.f32 v5, v4;
	v5 =	vmul.f32 v6, v2;
	v6 =	vmul.f32 v7, v3;
	_ =	sdelay $0x1  }
0x15a: {  	v4 =	vadd.f32 v5, v4;
	_ =	sdelay $0x1  }
0x15b: {  	v4 =	vadd.f32 v6, v4;
	_ =	sdelay $0x1  }
0x15c: {  	[tilespmem:s3+$0x20] =	vst v4  }
0x15d: {  	v4 =	vld [tilespmem:s8+$0x30]  }
0x15e: {  	v5 =	vld [tilespmem:s7+$0x30]  }
0x15f: {  	v6 =	vld [tilespmem:s28+$0x30]  }
0x160: {  	v7 =	vld [tilespmem:s29+$0x30];
	_ =	sdelay $0x1  }
0x161: {  	v4 =	vmul.f32 v4, v1  }
0x162: {  	v5 =	vmul.f32 v5, v0;
	_ =	sdelay $0x1  }
0x163: {  	v4 =	vadd.f32 v5, v4;
	v5 =	vmul.f32 v6, v2;
	v6 =	vmul.f32 v7, v3;
	_ =	sdelay $0x1  }
0x164: {  	v4 =	vadd.f32 v5, v4;
	_ =	sdelay $0x1  }
0x165: {  	v4 =	vadd.f32 v6, v4;
	_ =	sdelay $0x1  }
0x166: {  	[tilespmem:s3+$0x30] =	vst v4  }
0x167: {  	v7 =	vld [tilespmem:s8+$0x40]  }
.Ltmp0:
0x168: {  	v6 =	vld [tilespmem:s7+$0x40];
	(pc) =	sbr.rel @p1 .LBB2_3-.Ltmp0, $3  }
0x169: {  	v5 =	vld [tilespmem:s28+$0x40]  }
0x16a: {  	v4 =	vld [tilespmem:s29+$0x40];
	_ =	sdelay $0x1  }
0x16b: {  	s8 =	sadd.s32 $0x100, s8;
	s7 =	sadd.s32 $0x100, s7;
	v7 =	vmul.f32 v7, v1  }
0x16c: {  	v6 =	vmul.f32 v6, v0;
	_ =	sdelay $0x1  }
0x16d: {  	v5 =	vmul.f32 v5, v2;
	v6 =	vadd.f32 v6, v7;
	_ =	sdelay $0x1  }
0x16e: {  	v4 =	vmul.f32 v4, v3;
	v5 =	vadd.f32 v5, v6;
	_ =	sdelay $0x1  }
0x16f: {  	v4 =	vadd.f32 v4, v5;
	_ =	sdelay $0x1  }
0x170: {  	[tilespmem:s15+$0x40] =	vst v4  }
0x171: {  	v4 =	vld [tilespmem:s13+$0x50]  }
0x172: {  	v5 =	vld [tilespmem:s26+$0x50];
	_ =	sdelay $0x1  }
0x173: {  	v6 =	vld [tilespmem:s16+$0x50];
	_ =	sdelay $0x1  }
0x174: {  	v7 =	vld [tilespmem:s5+$0x50]  }
0x175: {  	v0 =	vmul.f32 v4, v0;
	v1 =	vmul.f32 v5, v1;
	_ =	sdelay $0x1  }
0x176: {  	v0 =	vadd.f32 v0, v1;
	v1 =	vmul.f32 v6, v2;
	_ =	sdelay $0x1  }
0x177: {  	v2 =	vmul.f32 v7, v3;
	v0 =	vadd.f32 v1, v0  }
0x178: {  	s3 =	sshll.u32 s31, $0xE;
	s13 =	rddreg [dreg:$0x19]  }
0x179: {  	s3 =	sadd.s32 s13, s3;
	v0 =	vadd.f32 v2, v0  }
0x17a: {  	s16 =	rddreg [dreg:$0x8];
	s3 =	sshrl.u32 s3, $0x3  }
0x17b: {  	s6 =	smin.u32 s0, $0xC1;
	s26 =	simm.s32 $0x10200;
	s3 =	sadd.s32 s16, s3;
	[tilespmem:s15+$0x50] =	vst v0  }
0x17c: {  	[hbm4b:s3+s2] =	stream.linear.scatter [tilespmem:s26], [sflag:$0x5], $0x2000, $0x38;
	[tilespmem:$0x14200] =	vst v63  }
0x17d: {  	s7 =	rddreg [dreg:$0x1a];
	s3 =	sshll.u32 s6, $0x5  }
0x17e: {  	s3 =	sadd.s32 s3, s7  }
0x17f: {  	s8 =	rddreg [dreg:$0x1];
	s3 =	sshrl.u32 s3, $0x3  }
0x180: {  	s9 =	rddreg [dreg:$0x3];
	s5 =	sadd.s32 s8, s3  }
0x181: {  	[tilespmem:s2], [sflag:$0x1] =	stream.linear.gather [hbm4b:s5+s2], $0x20, $0x38;
	[tilespmem:$0x14200] =	vst v63  }
0x182: {  	s13 =	rddreg [dreg:$0x4];
	s5 =	sadd.s32 s9, s3  }
0x183: {  	[tilespmem:s14], [sflag:$0x1] =	stream.linear.gather [hbm4b:s5+s2], $0x20, $0x38;
	[tilespmem:$0x14200] =	vst v63  }
0x184: {  	s15 =	rddreg [dreg:$0x5];
	s6 =	simm.s32 $0x40;
	s5 =	sadd.s32 s13, s3  }
0x185: {  	[tilespmem:s6], [sflag:$0x1] =	stream.linear.gather [hbm4b:s5+s2], $0x20, $0x38;
	[tilespmem:$0x14200] =	vst v63  }
0x186: {  	s16 =	rddreg [dreg:$0x6];
	s7 =	simm.s32 $0x60;
	s5 =	sadd.s32 s15, s3  }
0x187: {  	[tilespmem:s7], [sflag:$0x1] =	stream.linear.gather [hbm4b:s5+s2], $0x20, $0x38;
	[tilespmem:$0x14200] =	vst v63  }
0x188: {  	s26 =	rddreg [dreg:$0x7];
	s5 =	sadd.s32 s16, s3  }
0x189: {  	[tilespmem:s17], [sflag:$0x1] =	stream.linear.gather [hbm4b:s5+s2], $0x20, $0x38;
	[tilespmem:$0x14200] =	vst v63  }
0x18a: {  	s5 =	sadd.s32 s26, s3  }
0x18b: {  	[tilespmem:s18], [sflag:$0x1] =	stream.linear.gather [hbm4b:s5+s2], $0x20, $0x38;
	[tilespmem:$0x14200] =	vst v63  }
0x18c: {  	s8 =	sadd.s32 s11, s3  }
0x18d: {  	[tilespmem:s19], [sflag:$0x1] =	stream.linear.gather [hbm4b:s8+s2], $0x20, $0x38;
	[tilespmem:$0x14200] =	vst v63  }
0x18e: {  	s3 =	sadd.s32 s10, s3  }
0x18f: {  	[tilespmem:s20], [sflag:$0x1] =	stream.linear.gather [hbm4b:s3+s2], $0x20, $0x38;
	[tilespmem:$0x14200] =	vst v63  }
0x190: {  	_ =	swait.ge [sflag:s30], $0x2000  }
0x191: {  	[sflag:s30] =	ssyncset.done $0x0  }
0x192: {  	[sflag:s30] =	ssyncadd.s32 $0xFFFFE000  }
0x193: {  	_ =	swait.ge [sflag:s30], $0x2000  }
0x194: {  	[sflag:s30] =	ssyncset.done $0x0  }
0x195: {  	[sflag:s30] =	ssyncadd.s32 $0xFFFFE000  }
0x196: {  	_ =	swait.ge [sflag:s30], $0x2000  }
0x197: {  	[sflag:s30] =	ssyncset.done $0x0  }
0x198: {  	[sflag:s30] =	ssyncadd.s32 $0xFFFFE000  }
0x199: {  	_ =	swait.ge [sflag:s30], $0x2000  }
0x19a: {  	[sflag:s30] =	ssyncset.done $0x0  }
0x19b: {  	[sflag:s30] =	ssyncadd.s32 $0xFFFFE000  }
0x19c: {  	_ =	swait.ge [sflag:s21], $0x20  }
0x19d: {  	[sflag:s21] =	ssyncset.done $0x0  }
0x19e: {  	[sflag:s21] =	ssyncadd.s32 $0xFFFFFFE0  }
0x19f: {  	_ =	swait.ge [sflag:s21], $0x20  }
0x1a0: {  	[sflag:s21] =	ssyncset.done $0x0  }
0x1a1: {  	[sflag:s21] =	ssyncadd.s32 $0xFFFFFFE0  }
0x1a2: {  	_ =	swait.ge [sflag:s21], $0x20  }
0x1a3: {  	[sflag:s21] =	ssyncset.done $0x0  }
0x1a4: {  	[sflag:s21] =	ssyncadd.s32 $0xFFFFFFE0  }
0x1a5: {  	_ =	swait.ge [sflag:s21], $0x20  }
0x1a6: {  	[sflag:s21] =	ssyncset.done $0x0  }
0x1a7: {  	[sflag:s21] =	ssyncadd.s32 $0xFFFFFFE0  }
0x1a8: {  	_ =	swait.ge [sflag:s21], $0x20  }
0x1a9: {  	[sflag:s21] =	ssyncset.done $0x0  }
0x1aa: {  	[sflag:s21] =	ssyncadd.s32 $0xFFFFFFE0  }
0x1ab: {  	_ =	swait.ge [sflag:s21], $0x20  }
0x1ac: {  	[sflag:s21] =	ssyncset.done $0x0  }
0x1ad: {  	[sflag:s21] =	ssyncadd.s32 $0xFFFFFFE0  }
0x1ae: {  	_ =	swait.ge [sflag:s21], $0x20  }
0x1af: {  	[sflag:s21] =	ssyncset.done $0x0  }
0x1b0: {  	[sflag:s21] =	ssyncadd.s32 $0xFFFFFFE0  }
0x1b1: {  	_ =	swait.ge [sflag:s21], $0x20  }
0x1b2: {  	[sflag:s21] =	ssyncset.done $0x0  }
0x1b3: {  	s9 =	simm.s32 $0x200;
	[sflag:s21] =	ssyncadd.s32 $0xFFFFFFE0  }
0x1b4: {  	[tilespmem:s9], [sflag:$0x3] =	stream.indirect.gather [hbm4b:s4+s14], $0x100, s2, s14, $0xb8;
	[tilespmem:$0x14200] =	vst v63  }
0x1b5: {  	s13 =	simm.s32 $0x2200  }
0x1b6: {  	[tilespmem:s13], [sflag:$0x3] =	stream.indirect.gather [hbm4b:s4+s14], $0x100, s14, s14, $0xb8;
	[tilespmem:$0x14200] =	vst v63  }
0x1b7: {  	s15 =	simm.s32 $0x4200;
	s16 =	simm.s32 $0x0  }
0x1b8: {  	[tilespmem:s15], [sflag:$0x3] =	stream.indirect.gather [hbm4b:s4+s14], $0x100, s6, s14, $0xb8;
	[tilespmem:$0x14200] =	vst v63  }
0x1b9: {  	v3 =	vmov s16;
	s26 =	simm.s32 $0x6200;
	s3 =	simm.s32 @!p0 $0x6  }
0x1ba: {  	[tilespmem:s26], [sflag:$0x3] =	stream.indirect.gather [hbm4b:s4+s14], $0x100, s7, s14, $0xb8;
	[tilespmem:$0x14200] =	vst v63  }
0x1bb: {  	_ =	swait.ge @!p0 [sflag:s3], $0x2000  }
0x1bc: {  	[sflag:s3] =	ssyncset.done @!p0 $0x0  }
0x1bd: {  	[sflag:s3] =	ssyncadd.s32 @!p0 $0xFFFFE000  }
0x1be: {  	v0 =	vld.idx.msk [tilespmem:v3+s23+$0x0], $0xffff  }
0x1bf: {  	s13 =	simm.s32 $0xA260;
	v1 =	vld.idx.msk [tilespmem:v3+s22+$0x0], $0xffff  }
0x1c0: {  	s26 =	simm.s32 $0x8260;
	v4 =	vld [tilespmem:s13+$0xFFFFFFA0]  }
0x1c1: {  	v5 =	vld [tilespmem:s26+$0xFFFFFFA0]  }
0x1c2: {  	s28 =	simm.s32 $0xC260;
	v2 =	vld.idx.msk [tilespmem:v3+s24+$0x0], $0xffff  }
0x1c3: {  	v6 =	vld [tilespmem:s28+$0xFFFFFFA0]  }
0x1c4: {  	s29 =	simm.s32 $0xE260;
	v3 =	vld.idx.msk [tilespmem:v3+s25+$0x0], $0xffff  }
0x1c5: {  	v7 =	vld [tilespmem:s29+$0xFFFFFFA0]  }
0x1c6: {  	v5 =	vmul.f32 v5, v1;
	v4 =	vmul.f32 v4, v0;
	_ =	sdelay $0x1  }
0x1c7: {  	v4 =	vadd.f32 v4, v5;
	v5 =	vmul.f32 v6, v2;
	_ =	sdelay $0x1  }
0x1c8: {  	v4 =	vadd.f32 v5, v4;
	v5 =	vmul.f32 v7, v3;
	_ =	sdelay $0x1  }
0x1c9: {  	v4 =	vadd.f32 v5, v4  }
0x1ca: {  	s3 =	simm.s32 $0x12260  }
0x1cb: {  	[tilespmem:s3+$0xFFFFFFA0] =	vst v4  }
0x1cc: {  	v4 =	vld [tilespmem:s26+$0xFFFFFFB0]  }
0x1cd: {  	v5 =	vld [tilespmem:s13+$0xFFFFFFB0];
	_ =	sdelay $0x1  }
0x1ce: {  	v6 =	vld [tilespmem:s28+$0xFFFFFFB0];
	_ =	sdelay $0x1  }
0x1cf: {  	v7 =	vld [tilespmem:s29+$0xFFFFFFB0]  }
0x1d0: {  	v4 =	vmul.f32 v4, v1;
	v5 =	vmul.f32 v5, v0;
	_ =	sdelay $0x1  }
0x1d1: {  	v4 =	vadd.f32 v5, v4;
	v5 =	vmul.f32 v6, v2;
	_ =	sdelay $0x1  }
0x1d2: {  	v4 =	vadd.f32 v5, v4;
	v5 =	vmul.f32 v7, v3;
	_ =	sdelay $0x1  }
0x1d3: {  	v4 =	vadd.f32 v5, v4;
	_ =	sdelay $0x1  }
0x1d4: {  	[tilespmem:s3+$0xFFFFFFB0] =	vst v4  }
0x1d5: {  	v4 =	vld [tilespmem:s26+$0xFFFFFFC0]  }
0x1d6: {  	v5 =	vld [tilespmem:s13+$0xFFFFFFC0];
	_ =	sdelay $0x1  }
0x1d7: {  	v6 =	vld [tilespmem:s28+$0xFFFFFFC0];
	_ =	sdelay $0x1  }
0x1d8: {  	v7 =	vld [tilespmem:s29+$0xFFFFFFC0]  }
0x1d9: {  	v4 =	vmul.f32 v4, v1;
	v5 =	vmul.f32 v5, v0;
	_ =	sdelay $0x1  }
0x1da: {  	v4 =	vadd.f32 v5, v4;
	v5 =	vmul.f32 v6, v2;
	_ =	sdelay $0x1  }
0x1db: {  	v4 =	vadd.f32 v5, v4;
	v5 =	vmul.f32 v7, v3;
	_ =	sdelay $0x1  }
0x1dc: {  	v4 =	vadd.f32 v5, v4;
	_ =	sdelay $0x1  }
0x1dd: {  	[tilespmem:s3+$0xFFFFFFC0] =	vst v4  }
0x1de: {  	v4 =	vld [tilespmem:s26+$0xFFFFFFD0]  }
0x1df: {  	v5 =	vld [tilespmem:s13+$0xFFFFFFD0];
	_ =	sdelay $0x1  }
0x1e0: {  	v6 =	vld [tilespmem:s28+$0xFFFFFFD0];
	_ =	sdelay $0x1  }
0x1e1: {  	v7 =	vld [tilespmem:s29+$0xFFFFFFD0]  }
0x1e2: {  	v4 =	vmul.f32 v4, v1;
	v5 =	vmul.f32 v5, v0;
	_ =	sdelay $0x1  }
0x1e3: {  	v4 =	vadd.f32 v5, v4;
	v5 =	vmul.f32 v6, v2;
	_ =	sdelay $0x1  }
0x1e4: {  	v4 =	vadd.f32 v5, v4;
	v5 =	vmul.f32 v7, v3;
	_ =	sdelay $0x1  }
0x1e5: {  	v4 =	vadd.f32 v5, v4;
	_ =	sdelay $0x1  }
0x1e6: {  	[tilespmem:s3+$0xFFFFFFD0] =	vst v4  }
0x1e7: {  	v4 =	vld [tilespmem:s26+$0xFFFFFFE0]  }
0x1e8: {  	v5 =	vld [tilespmem:s13+$0xFFFFFFE0];
	_ =	sdelay $0x1  }
0x1e9: {  	v6 =	vld [tilespmem:s28+$0xFFFFFFE0];
	_ =	sdelay $0x1  }
0x1ea: {  	v7 =	vld [tilespmem:s29+$0xFFFFFFE0]  }
0x1eb: {  	v4 =	vmul.f32 v4, v1;
	v5 =	vmul.f32 v5, v0;
	_ =	sdelay $0x1  }
0x1ec: {  	v4 =	vadd.f32 v5, v4;
	v5 =	vmul.f32 v6, v2;
	_ =	sdelay $0x1  }
0x1ed: {  	v4 =	vadd.f32 v5, v4;
	v5 =	vmul.f32 v7, v3;
	_ =	sdelay $0x1  }
0x1ee: {  	v4 =	vadd.f32 v5, v4;
	_ =	sdelay $0x1  }
0x1ef: {  	[tilespmem:s3+$0xFFFFFFE0] =	vst v4  }
0x1f0: {  	v4 =	vld [tilespmem:s26+$0xFFFFFFF0]  }
0x1f1: {  	v5 =	vld [tilespmem:s13+$0xFFFFFFF0];
	_ =	sdelay $0x1  }
0x1f2: {  	v6 =	vld [tilespmem:s28+$0xFFFFFFF0];
	_ =	sdelay $0x1  }
0x1f3: {  	v7 =	vld [tilespmem:s29+$0xFFFFFFF0]  }
0x1f4: {  	v4 =	vmul.f32 v4, v1;
	v5 =	vmul.f32 v5, v0;
	_ =	sdelay $0x1  }
0x1f5: {  	v4 =	vadd.f32 v5, v4;
	v5 =	vmul.f32 v6, v2;
	_ =	sdelay $0x1  }
0x1f6: {  	v4 =	vadd.f32 v5, v4;
	v5 =	vmul.f32 v7, v3;
	_ =	sdelay $0x1  }
0x1f7: {  	v4 =	vadd.f32 v5, v4;
	_ =	sdelay $0x1  }
0x1f8: {  	[tilespmem:s3+$0xFFFFFFF0] =	vst v4  }
0x1f9: {  	v4 =	vld [tilespmem:s26+$0x0]  }
0x1fa: {  	v5 =	vld [tilespmem:s13+$0x0];
	_ =	sdelay $0x1  }
0x1fb: {  	v6 =	vld [tilespmem:s28+$0x0];
	_ =	sdelay $0x1  }
0x1fc: {  	v7 =	vld [tilespmem:s29+$0x0]  }
0x1fd: {  	v4 =	vmul.f32 v4, v1;
	v5 =	vmul.f32 v5, v0;
	_ =	sdelay $0x1  }
0x1fe: {  	v4 =	vadd.f32 v5, v4;
	v5 =	vmul.f32 v6, v2;
	_ =	sdelay $0x1  }
0x1ff: {  	v4 =	vadd.f32 v5, v4;
	v5 =	vmul.f32 v7, v3;
	_ =	sdelay $0x1  }
0x200: {  	v4 =	vadd.f32 v5, v4;
	_ =	sdelay $0x1  }
0x201: {  	[tilespmem:s3+$0x0] =	vst v4  }
0x202: {  	v4 =	vld [tilespmem:s13+$0x10]  }
0x203: {  	v5 =	vld [tilespmem:s26+$0x10];
	_ =	sdelay $0x1  }
0x204: {  	v6 =	vld [tilespmem:s28+$0x10];
	_ =	sdelay $0x1  }
0x205: {  	v7 =	vld [tilespmem:s29+$0x10]  }
0x206: {  	v4 =	vmul.f32 v4, v0;
	v5 =	vmul.f32 v5, v1;
	_ =	sdelay $0x1  }
0x207: {  	v4 =	vadd.f32 v4, v5;
	v5 =	vmul.f32 v6, v2;
	_ =	sdelay $0x1  }
0x208: {  	v6 =	vmul.f32 v7, v3;
	v4 =	vadd.f32 v5, v4;
	_ =	sdelay $0x1  }
0x209: {  	v4 =	vadd.f32 v6, v4;
	_ =	sdelay $0x1  }
0x20a: {  	[tilespmem:s3+$0x10] =	vst v4  }
0x20b: {  	v4 =	vld [tilespmem:s26+$0x20]  }
0x20c: {  	v5 =	vld [tilespmem:s13+$0x20];
	_ =	sdelay $0x1  }
0x20d: {  	v6 =	vld [tilespmem:s28+$0x20];
	_ =	sdelay $0x1  }
0x20e: {  	v7 =	vld [tilespmem:s29+$0x20]  }
0x20f: {  	v4 =	vmul.f32 v4, v1;
	v5 =	vmul.f32 v5, v0;
	_ =	sdelay $0x1  }
0x210: {  	v4 =	vadd.f32 v5, v4;
	v5 =	vmul.f32 v6, v2;
	_ =	sdelay $0x1  }
0x211: {  	v6 =	vmul.f32 v7, v3;
	v4 =	vadd.f32 v5, v4;
	_ =	sdelay $0x1  }
0x212: {  	v4 =	vadd.f32 v6, v4;
	_ =	sdelay $0x1  }
0x213: {  	[tilespmem:s3+$0x20] =	vst v4  }
0x214: {  	v4 =	vld [tilespmem:s26+$0x30]  }
0x215: {  	v5 =	vld [tilespmem:s13+$0x30];
	_ =	sdelay $0x1  }
0x216: {  	v6 =	vld [tilespmem:s28+$0x30];
	_ =	sdelay $0x1  }
0x217: {  	v7 =	vld [tilespmem:s29+$0x30]  }
0x218: {  	v4 =	vmul.f32 v4, v1;
	v5 =	vmul.f32 v5, v0;
	_ =	sdelay $0x1  }
0x219: {  	v4 =	vadd.f32 v5, v4;
	v5 =	vmul.f32 v6, v2;
	_ =	sdelay $0x1  }
0x21a: {  	v6 =	vmul.f32 v7, v3;
	v4 =	vadd.f32 v5, v4;
	_ =	sdelay $0x1  }
0x21b: {  	v4 =	vadd.f32 v6, v4;
	_ =	sdelay $0x1  }
0x21c: {  	[tilespmem:s3+$0x30] =	vst v4  }
0x21d: {  	v7 =	vld [tilespmem:s26+$0x40]  }
0x21e: {  	v6 =	vld [tilespmem:s13+$0x40]  }
0x21f: {  	v5 =	vld [tilespmem:s28+$0x40]  }
0x220: {  	v4 =	vld [tilespmem:s29+$0x40]  }
0x221: {  	s16 =	simm.s32 $0xE260;
	s5 =	simm.s32 $0xC260;
	s8 =	simm.s32 $0x8360  }
0x222: {  	s6 =	simm.s32 $0x1;
	s15 =	simm.s32 $0x12260;
	s7 =	simm.s32 $0xA360;
	v7 =	vmul.f32 v7, v1  }
.LBB2_5:
0x223: {  	v6 =	vmul.f32 v6, v0;
	s3 =	sadd.s32 $0x100, s3;
	s29 =	sadd.s32 $0x100, s29;
	s28 =	sadd.s32 $0x100, s28  }
0x224: {  	p0 =	sne.s32 s6, $0x1F;
	s9 =	smov.u32 s6;
	s6 =	sadd.s32 $0x1, s6;
	v5 =	vmul.f32 v5, v2  }
0x225: {  	v6 =	vadd.f32 v6, v7;
	v4 =	vmul.f32 v4, v3;
	_ =	sdelay $0x1  }
0x226: {  	v5 =	vadd.f32 v5, v6;
	_ =	sdelay $0x1  }
0x227: {  	v4 =	vadd.f32 v4, v5;
	_ =	sdelay $0x1  }
0x228: {  	[tilespmem:s15+$0x40] =	vst v4  }
0x229: {  	v4 =	vld [tilespmem:s13+$0x50];
	s13 =	smov.u32 s7  }
0x22a: {  	v5 =	vmov s9;
	v6 =	vld [tilespmem:s26+$0x50];
	s26 =	smov.u32 s8  }
0x22b: {  	v7 =	vld [tilespmem:s5+$0x50];
	s5 =	smov.u32 s28  }
0x22c: {  	v8 =	vld [tilespmem:s16+$0x50];
	s16 =	smov.u32 s29;
	_ =	sdelay $0x1  }
0x22d: {  	v0 =	vmul.f32 v4, v0  }
0x22e: {  	v1 =	vmul.f32 v6, v1;
	_ =	sdelay $0x1  }
0x22f: {  	v0 =	vadd.f32 v0, v1;
	v1 =	vmul.f32 v7, v2;
	v2 =	vmul.f32 v8, v3;
	_ =	sdelay $0x1  }
0x230: {  	v0 =	vadd.f32 v1, v0;
	_ =	sdelay $0x1  }
0x231: {  	v0 =	vadd.f32 v2, v0;
	_ =	sdelay $0x1  }
0x232: {  	[tilespmem:s15+$0x50] =	vst v0;
	s15 =	smov.u32 s3;
	_ =	sdelay $0x1  }
0x233: {  	v0 =	vld.idx.msk [tilespmem:v5+s23+$0x0], $0xffff  }
0x234: {  	v1 =	vld.idx.msk [tilespmem:v5+s22+$0x0], $0xffff  }
0x235: {  	v4 =	vld [tilespmem:s7+$0xFFFFFFA0]  }
0x236: {  	v6 =	vld [tilespmem:s8+$0xFFFFFFA0]  }
0x237: {  	v2 =	vld.idx.msk [tilespmem:v5+s24+$0x0], $0xffff  }
0x238: {  	v7 =	vld [tilespmem:s28+$0xFFFFFFA0]  }
0x239: {  	v3 =	vld.idx.msk [tilespmem:v5+s25+$0x0], $0xffff  }
0x23a: {  	v5 =	vld [tilespmem:s29+$0xFFFFFFA0]  }
0x23b: {  	v4 =	vmul.f32 v4, v0;
	v6 =	vmul.f32 v6, v1;
	_ =	sdelay $0x1  }
0x23c: {  	v4 =	vadd.f32 v4, v6;
	v6 =	vmul.f32 v7, v2;
	_ =	sdelay $0x1  }
0x23d: {  	v4 =	vadd.f32 v6, v4;
	v5 =	vmul.f32 v5, v3;
	_ =	sdelay $0x1  }
0x23e: {  	v4 =	vadd.f32 v5, v4;
	_ =	sdelay $0x1  }
0x23f: {  	[tilespmem:s3+$0xFFFFFFA0] =	vst v4  }
0x240: {  	v4 =	vld [tilespmem:s8+$0xFFFFFFB0]  }
0x241: {  	v5 =	vld [tilespmem:s7+$0xFFFFFFB0];
	_ =	sdelay $0x1  }
0x242: {  	v6 =	vld [tilespmem:s28+$0xFFFFFFB0];
	_ =	sdelay $0x1  }
0x243: {  	v4 =	vmul.f32 v4, v1;
	v7 =	vld [tilespmem:s29+$0xFFFFFFB0]  }
0x244: {  	v5 =	vmul.f32 v5, v0;
	_ =	sdelay $0x1  }
0x245: {  	v4 =	vadd.f32 v5, v4;
	v5 =	vmul.f32 v6, v2;
	_ =	sdelay $0x1  }
0x246: {  	v4 =	vadd.f32 v5, v4;
	v5 =	vmul.f32 v7, v3;
	_ =	sdelay $0x1  }
0x247: {  	v4 =	vadd.f32 v5, v4;
	_ =	sdelay $0x1  }
0x248: {  	[tilespmem:s3+$0xFFFFFFB0] =	vst v4  }
0x249: {  	v4 =	vld [tilespmem:s8+$0xFFFFFFC0]  }
0x24a: {  	v5 =	vld [tilespmem:s7+$0xFFFFFFC0];
	_ =	sdelay $0x1  }
0x24b: {  	v6 =	vld [tilespmem:s28+$0xFFFFFFC0];
	_ =	sdelay $0x1  }
0x24c: {  	v4 =	vmul.f32 v4, v1;
	v7 =	vld [tilespmem:s29+$0xFFFFFFC0]  }
0x24d: {  	v5 =	vmul.f32 v5, v0;
	_ =	sdelay $0x1  }
0x24e: {  	v4 =	vadd.f32 v5, v4;
	v5 =	vmul.f32 v6, v2;
	_ =	sdelay $0x1  }
0x24f: {  	v4 =	vadd.f32 v5, v4;
	v5 =	vmul.f32 v7, v3;
	_ =	sdelay $0x1  }
0x250: {  	v4 =	vadd.f32 v5, v4;
	_ =	sdelay $0x1  }
0x251: {  	[tilespmem:s3+$0xFFFFFFC0] =	vst v4  }
0x252: {  	v4 =	vld [tilespmem:s8+$0xFFFFFFD0]  }
0x253: {  	v5 =	vld [tilespmem:s7+$0xFFFFFFD0];
	_ =	sdelay $0x1  }
0x254: {  	v6 =	vld [tilespmem:s28+$0xFFFFFFD0];
	_ =	sdelay $0x1  }
0x255: {  	v4 =	vmul.f32 v4, v1;
	v7 =	vld [tilespmem:s29+$0xFFFFFFD0]  }
0x256: {  	v5 =	vmul.f32 v5, v0;
	_ =	sdelay $0x1  }
0x257: {  	v4 =	vadd.f32 v5, v4;
	v5 =	vmul.f32 v6, v2;
	_ =	sdelay $0x1  }
0x258: {  	v4 =	vadd.f32 v5, v4;
	v5 =	vmul.f32 v7, v3;
	_ =	sdelay $0x1  }
0x259: {  	v4 =	vadd.f32 v5, v4;
	_ =	sdelay $0x1  }
0x25a: {  	[tilespmem:s3+$0xFFFFFFD0] =	vst v4  }
0x25b: {  	v4 =	vld [tilespmem:s8+$0xFFFFFFE0]  }
0x25c: {  	v5 =	vld [tilespmem:s7+$0xFFFFFFE0];
	_ =	sdelay $0x1  }
0x25d: {  	v6 =	vld [tilespmem:s28+$0xFFFFFFE0];
	_ =	sdelay $0x1  }
0x25e: {  	v4 =	vmul.f32 v4, v1;
	v7 =	vld [tilespmem:s29+$0xFFFFFFE0]  }
0x25f: {  	v5 =	vmul.f32 v5, v0;
	_ =	sdelay $0x1  }
0x260: {  	v4 =	vadd.f32 v5, v4;
	v5 =	vmul.f32 v6, v2;
	_ =	sdelay $0x1  }
0x261: {  	v4 =	vadd.f32 v5, v4;
	v5 =	vmul.f32 v7, v3;
	_ =	sdelay $0x1  }
0x262: {  	v4 =	vadd.f32 v5, v4;
	_ =	sdelay $0x1  }
0x263: {  	[tilespmem:s3+$0xFFFFFFE0] =	vst v4  }
0x264: {  	v4 =	vld [tilespmem:s8+$0xFFFFFFF0]  }
0x265: {  	v5 =	vld [tilespmem:s7+$0xFFFFFFF0]  }
0x266: {  	v6 =	vld [tilespmem:s28+$0xFFFFFFF0];
	_ =	sdelay $0x2  }
0x267: {  	v4 =	vmul.f32 v4, v1;
	v7 =	vld [tilespmem:s29+$0xFFFFFFF0]  }
0x268: {  	v5 =	vmul.f32 v5, v0;
	_ =	sdelay $0x1  }
0x269: {  	v4 =	vadd.f32 v5, v4;
	v5 =	vmul.f32 v6, v2;
	_ =	sdelay $0x1  }
0x26a: {  	v4 =	vadd.f32 v5, v4;
	v5 =	vmul.f32 v7, v3;
	_ =	sdelay $0x1  }
0x26b: {  	v4 =	vadd.f32 v5, v4;
	_ =	sdelay $0x1  }
0x26c: {  	[tilespmem:s3+$0xFFFFFFF0] =	vst v4  }
0x26d: {  	v4 =	vld [tilespmem:s8+$0x0]  }
0x26e: {  	v5 =	vld [tilespmem:s7+$0x0]  }
0x26f: {  	v6 =	vld [tilespmem:s28+$0x0];
	_ =	sdelay $0x2  }
0x270: {  	v4 =	vmul.f32 v4, v1;
	v7 =	vld [tilespmem:s29+$0x0]  }
0x271: {  	v5 =	vmul.f32 v5, v0;
	_ =	sdelay $0x1  }
0x272: {  	v4 =	vadd.f32 v5, v4;
	v5 =	vmul.f32 v6, v2;
	_ =	sdelay $0x1  }
0x273: {  	v4 =	vadd.f32 v5, v4;
	v5 =	vmul.f32 v7, v3;
	_ =	sdelay $0x1  }
0x274: {  	v4 =	vadd.f32 v5, v4;
	_ =	sdelay $0x1  }
0x275: {  	[tilespmem:s3+$0x0] =	vst v4  }
0x276: {  	v4 =	vld [tilespmem:s7+$0x10]  }
0x277: {  	v5 =	vld [tilespmem:s8+$0x10]  }
0x278: {  	v6 =	vld [tilespmem:s28+$0x10]  }
0x279: {  	v7 =	vld [tilespmem:s29+$0x10];
	_ =	sdelay $0x1  }
0x27a: {  	v4 =	vmul.f32 v4, v0  }
0x27b: {  	v5 =	vmul.f32 v5, v1;
	_ =	sdelay $0x1  }
0x27c: {  	v4 =	vadd.f32 v4, v5;
	v5 =	vmul.f32 v6, v2;
	v6 =	vmul.f32 v7, v3;
	_ =	sdelay $0x1  }
0x27d: {  	v4 =	vadd.f32 v5, v4;
	_ =	sdelay $0x1  }
0x27e: {  	v4 =	vadd.f32 v6, v4;
	_ =	sdelay $0x1  }
0x27f: {  	[tilespmem:s3+$0x10] =	vst v4  }
0x280: {  	v4 =	vld [tilespmem:s8+$0x20]  }
0x281: {  	v5 =	vld [tilespmem:s7+$0x20]  }
0x282: {  	v6 =	vld [tilespmem:s28+$0x20]  }
0x283: {  	v7 =	vld [tilespmem:s29+$0x20];
	_ =	sdelay $0x1  }
0x284: {  	v4 =	vmul.f32 v4, v1  }
0x285: {  	v5 =	vmul.f32 v5, v0;
	_ =	sdelay $0x1  }
0x286: {  	v4 =	vadd.f32 v5, v4;
	v5 =	vmul.f32 v6, v2;
	v6 =	vmul.f32 v7, v3;
	_ =	sdelay $0x1  }
0x287: {  	v4 =	vadd.f32 v5, v4;
	_ =	sdelay $0x1  }
0x288: {  	v4 =	vadd.f32 v6, v4;
	_ =	sdelay $0x1  }
0x289: {  	[tilespmem:s3+$0x20] =	vst v4  }
0x28a: {  	v4 =	vld [tilespmem:s8+$0x30]  }
0x28b: {  	v5 =	vld [tilespmem:s7+$0x30]  }
0x28c: {  	v6 =	vld [tilespmem:s28+$0x30]  }
0x28d: {  	v7 =	vld [tilespmem:s29+$0x30];
	_ =	sdelay $0x1  }
0x28e: {  	v4 =	vmul.f32 v4, v1  }
0x28f: {  	v5 =	vmul.f32 v5, v0;
	_ =	sdelay $0x1  }
0x290: {  	v4 =	vadd.f32 v5, v4;
	v5 =	vmul.f32 v6, v2;
	v6 =	vmul.f32 v7, v3;
	_ =	sdelay $0x1  }
0x291: {  	v4 =	vadd.f32 v5, v4;
	_ =	sdelay $0x1  }
0x292: {  	v4 =	vadd.f32 v6, v4;
	_ =	sdelay $0x1  }
0x293: {  	[tilespmem:s3+$0x30] =	vst v4  }
0x294: {  	v7 =	vld [tilespmem:s8+$0x40]  }
.Ltmp1:
0x295: {  	v6 =	vld [tilespmem:s7+$0x40];
	(pc) =	sbr.rel @p0 .LBB2_5-.Ltmp1, $3  }
0x296: {  	v5 =	vld [tilespmem:s28+$0x40]  }
0x297: {  	v4 =	vld [tilespmem:s29+$0x40];
	_ =	sdelay $0x1  }
0x298: {  	s8 =	sadd.s32 $0x100, s8;
	s7 =	sadd.s32 $0x100, s7;
	v7 =	vmul.f32 v7, v1  }
0x299: {  	v6 =	vmul.f32 v6, v0;
	_ =	sdelay $0x1  }
0x29a: {  	v5 =	vmul.f32 v5, v2;
	v6 =	vadd.f32 v6, v7;
	_ =	sdelay $0x1  }
0x29b: {  	v4 =	vmul.f32 v4, v3;
	v5 =	vadd.f32 v5, v6;
	_ =	sdelay $0x1  }
0x29c: {  	v4 =	vadd.f32 v4, v5;
	_ =	sdelay $0x1  }
0x29d: {  	[tilespmem:s15+$0x40] =	vst v4  }
0x29e: {  	v4 =	vld [tilespmem:s13+$0x50]  }
0x29f: {  	v58 =	vld [tilespmem:s26+$0x50];
	_ =	sdelay $0x1  }
0x2a0: {  	v59 =	vld [tilespmem:s5+$0x50];
	_ =	sdelay $0x1  }
0x2a1: {  	v60 =	vld [tilespmem:s16+$0x50]  }
0x2a2: {  	v61 =	vmul.f32 v4, v0;
	v1 =	vmul.f32 v58, v1;
	_ =	sdelay $0x1  }
0x2a3: {  	v62 =	vmul.f32 v59, v2;
	v0 =	vadd.f32 v61, v1;
	_ =	sdelay $0x1  }
0x2a4: {  	v63 =	vmul.f32 v60, v3;
	v0 =	vadd.f32 v62, v0  }
0x2a5: {  	s0 =	smin.u32 s0, $0xC0  }
0x2a6: {  	s3 =	sshll.u32 s31, $0xB;
	s8 =	rddreg [dreg:$0x1b];
	s0 =	sshll.u32 s0, $0x5;
	v0 =	vadd.f32 v63, v0  }
0x2a7: {  	s6 =	rddreg [dreg:$0x1d];
	s7 =	simm.s32 $0x12200;
	s0 =	sadd.s32 s0, s8  }
0x2a8: {  	s9 =	rddreg [dreg:$0x1];
	s3 =	sadd.s32 s6, s3;
	s0 =	sshrl.u32 s0, $0x3;
	[tilespmem:s15+$0x50] =	vst v0  }
0x2a9: {  	[hbm4b:s3+s2] =	stream.linear.scatter [tilespmem:s7], [sflag:$0x6], $0x2000, $0x38;
	[tilespmem:$0x14200] =	vst v63  }
0x2aa: {  	s6 =	simm.s32 $0x100;
	s13 =	rddreg [dreg:$0x3];
	s3 =	sadd.s32 s9, s0  }
0x2ab: {  	[tilespmem:s6], [sflag:$0x2] =	stream.linear.gather [hbm4b:s3+s2], $0x20, $0x38;
	[tilespmem:$0x14200] =	vst v63  }
0x2ac: {  	s15 =	rddreg [dreg:$0x4];
	s7 =	simm.s32 $0x120;
	s3 =	sadd.s32 s13, s0  }
0x2ad: {  	[tilespmem:s7], [sflag:$0x2] =	stream.linear.gather [hbm4b:s3+s2], $0x20, $0x38;
	[tilespmem:$0x14200] =	vst v63  }
0x2ae: {  	s8 =	simm.s32 $0x140;
	s16 =	rddreg [dreg:$0x5];
	s3 =	sadd.s32 s15, s0  }
0x2af: {  	[tilespmem:s8], [sflag:$0x2] =	stream.linear.gather [hbm4b:s3+s2], $0x20, $0x38;
	[tilespmem:$0x14200] =	vst v63  }
0x2b0: {  	s26 =	rddreg [dreg:$0x6];
	s9 =	simm.s32 $0x160;
	s3 =	sadd.s32 s16, s0  }
0x2b1: {  	[tilespmem:s9], [sflag:$0x2] =	stream.linear.gather [hbm4b:s3+s2], $0x20, $0x38;
	[tilespmem:$0x14200] =	vst v63  }
0x2b2: {  	s28 =	rddreg [dreg:$0x7];
	s31 =	sadd.s32 $0x1, s31;
	s3 =	sadd.s32 s26, s0  }
0x2b3: {  	[tilespmem:s22], [sflag:$0x2] =	stream.linear.gather [hbm4b:s3+s2], $0x20, $0x38;
	[tilespmem:$0x14200] =	vst v63  }
0x2b4: {  	p0 =	sne.s32 s31, $0x62;
	s3 =	sadd.s32 s28, s0  }
0x2b5: {  	[tilespmem:s23], [sflag:$0x2] =	stream.linear.gather [hbm4b:s3+s2], $0x20, $0x38;
	[tilespmem:$0x14200] =	vst v63  }
.Ltmp2:
0x2b6: {  	_ = 	snop;
	(pc) =	sbr.rel @p0 .LBB2_2-.Ltmp2, $4  }
0x2b7: {  	s29 =	sadd.s32 s11, s0  }
0x2b8: {  	[tilespmem:s24], [sflag:$0x2] =	stream.linear.gather [hbm4b:s29+s2], $0x20, $0x38;
	[tilespmem:$0x14200] =	vst v63  }
0x2b9: {  	s0 =	sadd.s32 s10, s0  }
0x2ba: {  	[tilespmem:s25], [sflag:$0x2] =	stream.linear.gather [hbm4b:s0+s2], $0x20, $0x38;
	[tilespmem:$0x14200] =	vst v63  }
0x2bb: {  	_ =	swait.ge [sflag:s1], $0x2000  }
0x2bc: {  	[sflag:s1] =	ssyncset.done $0x0  }
0x2bd: {  	[sflag:s1] =	ssyncadd.s32 $0xFFFFE000  }
0x2be: {  	_ =	swait.ge [sflag:s1], $0x2000  }
0x2bf: {  	[sflag:s1] =	ssyncset.done $0x0  }
0x2c0: {  	[sflag:s1] =	ssyncadd.s32 $0xFFFFE000  }
0x2c1: {  	_ =	swait.ge [sflag:s1], $0x2000  }
0x2c2: {  	[sflag:s1] =	ssyncset.done $0x0  }
0x2c3: {  	[sflag:s1] =	ssyncadd.s32 $0xFFFFE000  }
0x2c4: {  	_ =	swait.ge [sflag:s1], $0x2000  }
0x2c5: {  	[sflag:s1] =	ssyncset.done $0x0  }
0x2c6: {  	[sflag:s1] =	ssyncadd.s32 $0xFFFFE000  }
0x2c7: {  	_ =	swait.ge [sflag:s12], $0x20  }
0x2c8: {  	[sflag:s12] =	ssyncset.done $0x0  }
0x2c9: {  	[sflag:s12] =	ssyncadd.s32 $0xFFFFFFE0  }
0x2ca: {  	_ =	swait.ge [sflag:s12], $0x20  }
0x2cb: {  	[sflag:s12] =	ssyncset.done $0x0  }
0x2cc: {  	[sflag:s12] =	ssyncadd.s32 $0xFFFFFFE0  }
0x2cd: {  	_ =	swait.ge [sflag:s12], $0x20  }
0x2ce: {  	[sflag:s12] =	ssyncset.done $0x0  }
0x2cf: {  	[sflag:s12] =	ssyncadd.s32 $0xFFFFFFE0  }
0x2d0: {  	_ =	swait.ge [sflag:s12], $0x20  }
0x2d1: {  	[sflag:s12] =	ssyncset.done $0x0  }
0x2d2: {  	[sflag:s12] =	ssyncadd.s32 $0xFFFFFFE0  }
0x2d3: {  	_ =	swait.ge [sflag:s12], $0x20  }
0x2d4: {  	[sflag:s12] =	ssyncset.done $0x0  }
0x2d5: {  	[sflag:s12] =	ssyncadd.s32 $0xFFFFFFE0  }
0x2d6: {  	_ =	swait.ge [sflag:s12], $0x20  }
0x2d7: {  	[sflag:s12] =	ssyncset.done $0x0  }
0x2d8: {  	[sflag:s12] =	ssyncadd.s32 $0xFFFFFFE0  }
0x2d9: {  	_ =	swait.ge [sflag:s12], $0x20  }
0x2da: {  	[sflag:s12] =	ssyncset.done $0x0  }
0x2db: {  	[sflag:s12] =	ssyncadd.s32 $0xFFFFFFE0  }
0x2dc: {  	_ =	swait.ge [sflag:s12], $0x20  }
0x2dd: {  	[sflag:s12] =	ssyncset.done $0x0  }
0x2de: {  	s0 =	simm.s32 $0x5;
	[sflag:s12] =	ssyncadd.s32 $0xFFFFFFE0  }
0x2df: {  	_ =	swait.ge [sflag:s0], $0x2000  }
0x2e0: {  	[sflag:s0] =	ssyncset.done $0x0  }
0x2e1: {  	s3 =	simm.s32 $0x6;
	[sflag:s0] =	ssyncadd.s32 $0xFFFFE000  }
0x2e2: {  	_ =	swait.ge [sflag:s3], $0x2000  }
0x2e3: {  	s5 =	rddreg [dreg:$0x1e]  }
0x2e4: {  	s31 =	rddreg [dreg:$0x1c];
	s5 =	sadd.s32 $0x1, s5  }
0x2e5: {  	p0 =	sne.s32 s5, s31  }
.Ltmp3:
0x2e6: {  	_ = 	snop;
	(pc) =	sbr.rel @p0 .LBB2_1-.Ltmp3, $3  }
0x2e7: {  	_ =	sdelay $0x1  }
0x2e8: {  	[sflag:s3] =	ssyncset.done $0x0  }
0x2e9: {  	[sflag:s3] =	ssyncadd.s32 $0xFFFFE000  }
0x2ea: {  	_ =	sfence.sel $0x180000  }
0x2eb: {  	[bflag:$0x0] =	sbarrier.arrive $0xFFFF  }
0x2ec: {  	_ =	strace $0x90000047  }
0x2ed: {  	s0 =	stileid.u32;
	[bflag:$0x2] =	sbarrier.arrive $0xFFFF  }
0x2ee: {  	p0 =	sne.s32 s0, $0x0;
	s0 =	rddreg [dreg:$0x2]  }
0x2ef: {  	s0 =	sadd.s32 @!p0 $0x100000, s0  }
0x2f0: {  	[sflag:s0] =	ssyncadd.tile.s32 @!p0 $0x1;
	_ =	shalt  }
.Lfunc_end2:
_tile_overlayer_lowered:
.L_overlay_start_2:
0x2f1: {  	(tag) =	ssettag $0x2  }
0x2f2: {  	s0 =	rddreg [dreg:$0x0];
	s2 =	stileid.u32  }
0x2f3: {  	s1 =	rddreg [dreg:$0x1];
	p0 =	sne.s32 s2, $0x0  }
0x2f4: {  	s3 =	rddreg [dreg:$0x2];
	[bflag:$0x3] =	sbarrier.arrive $0xFFFF;
	s2 =	simm.s32 @!p0 $0x1C07  }
0x2f5: {  	[timem:s3], [sflag:s2] =	dma.local @!p0 [hbm:s0], s1  }
0x2f6: {  	s0 =	simm.s32 @!p0 $0x7  }
0x2f7: {  	_ =	swait.ge @!p0 [sflag:s0], s1  }
0x2f8: {  	s1 =	ssub.s32 @!p0 $0x0, s1;
	[sflag:s0] =	ssyncset.done @!p0 $0x0  }
0x2f9: {  	[sflag:s0] =	ssyncadd.s32 @!p0 s1  }
0x2fa: {  	[bflag:$0x3] =	sbarrier.arrive $0xFFFF  }
0x2fb: {  	_ =	shalt  }

</sc_bundles>
